<compile_context>
chip_gen: v7x
topology: tpu7x:2x2x1
jax: 0.10.2.dev20260603
libtpu: 0.0.44.dev20260713+nightly
codegen_flags: <defaults>
</compile_context>

<pallas_src>
import jax
import jax.numpy as jnp
from jax import lax
from jax.experimental import pallas as pl
from jax.experimental.pallas import tpu as pltpu
from jax.experimental.pallas import tpu_sc as plsc

B, N, F = 256, 128, 9
H = 768
NB1 = N + 1
NW = 32
BPW = B // NW
NODES_PW = BPW * N
C = 8
ROWS = C * F
CHUNKS_PB = N // C
CHUNKS = NODES_PW // C
LANES = 16
HV = H // LANES


def _body(idx_hbm, table_hbm, token_hbm, out_hbm,
          idx_v, rows0, rows1, acc_v, tok_v, sem0, sem1, osem):
    cid = lax.axis_index("c")
    sid = lax.axis_index("s")
    wid = sid * 2 + cid
    node0 = wid * NODES_PW

    idx_cp = pltpu.make_async_copy(
        idx_hbm.at[pl.ds(node0 * F, NODES_PW * F)], idx_v, sem0)
    idx_cp.start()
    pltpu.sync_copy(token_hbm, tok_v)
    tok_cps = []
    for b in range(BPW):
        row = (wid * BPW + b) * NB1
        cp = pltpu.make_async_copy(
            tok_v, out_hbm.at[pl.ds(pl.multiple_of(row * H, 8), H)], sem1)
        cp.start()
        tok_cps.append(cp)
    idx_cp.wait()
    for cp in tok_cps:
        cp.wait()

    def gather(k, buf, sem):
        start = pl.multiple_of(k * ROWS, 8)
        return pltpu.make_async_copy(
            table_hbm.at[idx_v.at[pl.ds(start, ROWS)]], buf, sem)

    def out_copy(k):
        b = k // CHUNKS_PB
        n = (k % CHUNKS_PB) * C
        row = (wid * BPW + b) * NB1 + 1 + n
        return pltpu.make_async_copy(
            acc_v, out_hbm.at[pl.ds(pl.multiple_of(row * H, 8), C * H)], osem)

    def process(k, buf):
        @pl.when(k > 0)
        def _():
            out_copy(k).wait()

        def h_body(h2, carry):
            for u in range(2):
                off = (2 * h2 + u) * LANES
                for i in range(C):
                    base = i * F
                    s = buf[base, pl.ds(off, LANES)]
                    for f in range(1, F):
                        s = s + buf[base + f, pl.ds(off, LANES)]
                    acc_v[pl.ds(i * H + off, LANES)] = s
            return carry

        lax.fori_loop(0, HV // 2, h_body, 0)
        out_copy(k).start()

    gather(0, rows0, sem0).start()

    def pair_body(j, carry):
        k0 = 2 * j
        k1 = k0 + 1
        gather(k1, rows1, sem1).start()
        gather(k0, rows0, sem0).wait()
        process(k0, rows0)

        @pl.when(k1 + 1 < CHUNKS)
        def _():
            gather(k1 + 1, rows0, sem0).start()

        gather(k1, rows1, sem1).wait()
        process(k1, rows1)
        return carry

    lax.fori_loop(0, CHUNKS // 2, pair_body, 0)
    out_copy(CHUNKS - 1).wait()


_sc_call = pl.kernel(
    _body,
    out_type=jax.ShapeDtypeStruct((B * NB1 * H,), jnp.float32),
    mesh=plsc.VectorSubcoreMesh(core_axis_name="c", subcore_axis_name="s"),
    compiler_params=pltpu.CompilerParams(use_tc_tiling_on_sc=False),
    scratch_types=[
        pltpu.VMEM((NODES_PW * F,), jnp.int32),
        pltpu.VMEM((ROWS, H), jnp.float32),
        pltpu.VMEM((ROWS, H), jnp.float32),
        pltpu.VMEM((C * H,), jnp.float32),
        pltpu.VMEM((H,), jnp.float32),
        pltpu.SemaphoreType.DMA,
        pltpu.SemaphoreType.DMA,
        pltpu.SemaphoreType.DMA,
    ],
)


@jax.jit
def kernel(input_nodes, atom_encoder_weight, graph_token_weight):
    idx_flat = input_nodes.reshape(B * N * F)
    out = _sc_call(idx_flat, atom_encoder_weight, graph_token_weight.reshape(H))
    return out.reshape(B, NB1, H)

# --- scband reference (transcript-rebuilt; emitter-appended) ---
"""Pipeline reference for scband-graphormer-graph-node-feature-55972013801884 (READ-ONLY COPY).

The authoritative reference and input builder live on the scoring server;
editing this copy changes nothing except your own understanding.
"""

import jax, jax.numpy as jnp
import numpy as np

B, N, F = 256, 128, 9
NUM_ATOMS = 99999
V = NUM_ATOMS + 1  # atom_encoder has num_atoms + 1 rows
H = 768
PAD_IDX = 0


def setup_inputs(seed: int = 0) -> dict:
    key = jax.random.key(seed)
    k1, k2, k3 = jax.random.split(key, 3)
    input_nodes = jax.random.randint(k1, (B, N, F), 0, V, dtype=jnp.int32)
    atom_encoder_weight = jax.random.normal(k2, (V, H), dtype=jnp.float32) * 0.02
    # padding_idx row is zero-initialized in torch nn.Embedding
    atom_encoder_weight = atom_encoder_weight.at[PAD_IDX].set(0.0)
    graph_token_weight = jax.random.normal(k3, (1, H), dtype=jnp.float32) * 0.02
    return {
        "input_nodes": input_nodes,
        "atom_encoder_weight": atom_encoder_weight,
        "graph_token_weight": graph_token_weight,
    }


def reference(input_nodes, atom_encoder_weight, graph_token_weight):
    # node_feature = atom_encoder(input_nodes).sum(dim=-2)
    node_feature = jnp.take(atom_encoder_weight, input_nodes, axis=0).sum(axis=-2)  # [B, N, H]
    # graph_token.weight.unsqueeze(0).repeat(B, 1, 1)
    bsz = input_nodes.shape[0]
    graph_token_feature = jnp.broadcast_to(
        graph_token_weight[None, :, :], (bsz, 1, graph_token_weight.shape[-1])
    )
    node_feature = jnp.concatenate([graph_token_feature, node_feature], axis=1)  # [B, N+1, H]
    return node_feature

if __name__ == "__main__":
    import jax
    _d = setup_inputs()
    print(jax.jit(kernel)(*tuple(_d.values())))

</pallas_src>

<mosaic_0001>
#map = affine_map<(d0, d1) -> (0)>
#map1 = affine_map<(d0, d1) -> (0, 0)>
module attributes {stable_mosaic.version = 14 : i64} {
  func.func @_body(%arg0: i32, %arg1: i32, %arg2: memref<294912xi32, #tpu.memory_space<hbm>>, %arg3: memref<100000x768xf32, #tpu.memory_space<hbm>>, %arg4: memref<768xf32, #tpu.memory_space<hbm>>, %arg5: memref<25362432xf32, #tpu.memory_space<hbm>>, %arg6: memref<9216xi32, #tpu.memory_space<vmem>>, %arg7: memref<72x768xf32, #tpu.memory_space<vmem>>, %arg8: memref<72x768xf32, #tpu.memory_space<vmem>>, %arg9: memref<6144xf32, #tpu.memory_space<vmem>>, %arg10: memref<768xf32, #tpu.memory_space<vmem>>, %arg11: memref<!tpu.dma_semaphore, #tpu.memory_space<semaphore_mem>>, %arg12: memref<!tpu.dma_semaphore, #tpu.memory_space<semaphore_mem>>, %arg13: memref<!tpu.dma_semaphore, #tpu.memory_space<semaphore_mem>>) attributes {dimension_semantics = [#tpu.dimension_semantics<core_parallel>, #tpu.dimension_semantics<subcore_parallel>], iteration_bounds = array<i64: 2, 16>, scalar_prefetch = 0 : i64, scratch_operands = 8 : i64, tpu.core_type = #tpu.core_type<sc_vector_subcore>, window_params = [{transform_indices = #map}, {transform_indices = #map1}, {transform_indices = #map}, {transform_indices = #map}]} {
    %mul3A = arith.constant 2 : i32
    %mul3A_0 = arith.muli %arg1, %mul3A : i32
    %add3A = arith.addi %mul3A_0, %arg0 : i32
    %mul3A_1 = arith.constant 1024 : i32
    %mul3A_2 = arith.muli %add3A, %mul3A_1 : i32
    %mul3A_3 = arith.constant 9 : i32
    %mul3A_4 = arith.muli %mul3A_2, %mul3A_3 : i32
    %dma_start3A = tpu.memref_slice %arg2[%mul3A_4] : memref<294912xi32, #tpu.memory_space<hbm>> -> memref<9216xi32, #tpu.memory_space<hbm>>
    %dma_start3A_5 = tpu.memref_slice %arg2[%mul3A_4] : memref<294912xi32, #tpu.memory_space<hbm>> -> memref<9216xi32, #tpu.memory_space<hbm>>
    tpu.enqueue_dma source(%dma_start3A_5 : memref<9216xi32, #tpu.memory_space<hbm>>) target(%arg6 : memref<9216xi32, #tpu.memory_space<vmem>>) target_semaphore(%arg11 : memref<!tpu.dma_semaphore, #tpu.memory_space<semaphore_mem>>)
    "tpu.region"() ({
      %run_scoped3A = tpu.sem_alloc : memref<!tpu.dma_semaphore, #tpu.memory_space<semaphore_mem>>
      tpu.enqueue_dma source(%arg4 : memref<768xf32, #tpu.memory_space<hbm>>) target(%arg10 : memref<768xf32, #tpu.memory_space<vmem>>) target_semaphore(%run_scoped3A : memref<!tpu.dma_semaphore, #tpu.memory_space<semaphore_mem>>)
      tpu.wait_dma2 semaphore(%run_scoped3A : memref<!tpu.dma_semaphore, #tpu.memory_space<semaphore_mem>>) src(%arg4 : memref<768xf32, #tpu.memory_space<hbm>>) dst(%arg10 : memref<768xf32, #tpu.memory_space<vmem>>)
      tpu.yield
    }) : () -> ()
    %mul3A_6 = arith.constant 8 : i32
    %mul3A_7 = arith.muli %add3A, %mul3A_6 : i32
    %add3A_8 = arith.constant 0 : i32
    %add3A_9 = arith.addi %mul3A_7, %add3A_8 : i32
    %mul3A_10 = arith.constant 129 : i32
    %mul3A_11 = arith.muli %add3A_9, %mul3A_10 : i32
    %mul3A_12 = arith.constant 768 : i32
    %mul3A_13 = arith.muli %mul3A_11, %mul3A_12 : i32
    %multiple_of3A = tpu.assume_multiple %mul3A_13, 8 : i32
    %dma_start3A_14 = tpu.memref_slice %arg5[%multiple_of3A] : memref<25362432xf32, #tpu.memory_space<hbm>> -> memref<768xf32, #tpu.memory_space<hbm>>
    %dma_start3A_15 = tpu.memref_slice %arg5[%multiple_of3A] : memref<25362432xf32, #tpu.memory_space<hbm>> -> memref<768xf32, #tpu.memory_space<hbm>>
    tpu.enqueue_dma source(%arg10 : memref<768xf32, #tpu.memory_space<vmem>>) target(%dma_start3A_15 : memref<768xf32, #tpu.memory_space<hbm>>) target_semaphore(%arg12 : memref<!tpu.dma_semaphore, #tpu.memory_space<semaphore_mem>>)
    %mul3A_16 = arith.constant 8 : i32
    %mul3A_17 = arith.muli %add3A, %mul3A_16 : i32
    %add3A_18 = arith.constant 1 : i32
    %add3A_19 = arith.addi %mul3A_17, %add3A_18 : i32
    %mul3A_20 = arith.constant 129 : i32
    %mul3A_21 = arith.muli %add3A_19, %mul3A_20 : i32
    %mul3A_22 = arith.constant 768 : i32
    %mul3A_23 = arith.muli %mul3A_21, %mul3A_22 : i32
    %multiple_of3A_24 = tpu.assume_multiple %mul3A_23, 8 : i32
    %dma_start3A_25 = tpu.memref_slice %arg5[%multiple_of3A_24] : memref<25362432xf32, #tpu.memory_space<hbm>> -> memref<768xf32, #tpu.memory_space<hbm>>
    %dma_start3A_26 = tpu.memref_slice %arg5[%multiple_of3A_24] : memref<25362432xf32, #tpu.memory_space<hbm>> -> memref<768xf32, #tpu.memory_space<hbm>>
    tpu.enqueue_dma source(%arg10 : memref<768xf32, #tpu.memory_space<vmem>>) target(%dma_start3A_26 : memref<768xf32, #tpu.memory_space<hbm>>) target_semaphore(%arg12 : memref<!tpu.dma_semaphore, #tpu.memory_space<semaphore_mem>>)
    %mul3A_27 = arith.constant 8 : i32
    %mul3A_28 = arith.muli %add3A, %mul3A_27 : i32
    %add3A_29 = arith.constant 2 : i32
    %add3A_30 = arith.addi %mul3A_28, %add3A_29 : i32
    %mul3A_31 = arith.constant 129 : i32
    %mul3A_32 = arith.muli %add3A_30, %mul3A_31 : i32
    %mul3A_33 = arith.constant 768 : i32
    %mul3A_34 = arith.muli %mul3A_32, %mul3A_33 : i32
    %multiple_of3A_35 = tpu.assume_multiple %mul3A_34, 8 : i32
    %dma_start3A_36 = tpu.memref_slice %arg5[%multiple_of3A_35] : memref<25362432xf32, #tpu.memory_space<hbm>> -> memref<768xf32, #tpu.memory_space<hbm>>
    %dma_start3A_37 = tpu.memref_slice %arg5[%multiple_of3A_35] : memref<25362432xf32, #tpu.memory_space<hbm>> -> memref<768xf32, #tpu.memory_space<hbm>>
    tpu.enqueue_dma source(%arg10 : memref<768xf32, #tpu.memory_space<vmem>>) target(%dma_start3A_37 : memref<768xf32, #tpu.memory_space<hbm>>) target_semaphore(%arg12 : memref<!tpu.dma_semaphore, #tpu.memory_space<semaphore_mem>>)
    %mul3A_38 = arith.constant 8 : i32
    %mul3A_39 = arith.muli %add3A, %mul3A_38 : i32
    %add3A_40 = arith.constant 3 : i32
    %add3A_41 = arith.addi %mul3A_39, %add3A_40 : i32
    %mul3A_42 = arith.constant 129 : i32
    %mul3A_43 = arith.muli %add3A_41, %mul3A_42 : i32
    %mul3A_44 = arith.constant 768 : i32
    %mul3A_45 = arith.muli %mul3A_43, %mul3A_44 : i32
    %multiple_of3A_46 = tpu.assume_multiple %mul3A_45, 8 : i32
    %dma_start3A_47 = tpu.memref_slice %arg5[%multiple_of3A_46] : memref<25362432xf32, #tpu.memory_space<hbm>> -> memref<768xf32, #tpu.memory_space<hbm>>
    %dma_start3A_48 = tpu.memref_slice %arg5[%multiple_of3A_46] : memref<25362432xf32, #tpu.memory_space<hbm>> -> memref<768xf32, #tpu.memory_space<hbm>>
    tpu.enqueue_dma source(%arg10 : memref<768xf32, #tpu.memory_space<vmem>>) target(%dma_start3A_48 : memref<768xf32, #tpu.memory_space<hbm>>) target_semaphore(%arg12 : memref<!tpu.dma_semaphore, #tpu.memory_space<semaphore_mem>>)
    %mul3A_49 = arith.constant 8 : i32
    %mul3A_50 = arith.muli %add3A, %mul3A_49 : i32
    %add3A_51 = arith.constant 4 : i32
    %add3A_52 = arith.addi %mul3A_50, %add3A_51 : i32
    %mul3A_53 = arith.constant 129 : i32
    %mul3A_54 = arith.muli %add3A_52, %mul3A_53 : i32
    %mul3A_55 = arith.constant 768 : i32
    %mul3A_56 = arith.muli %mul3A_54, %mul3A_55 : i32
    %multiple_of3A_57 = tpu.assume_multiple %mul3A_56, 8 : i32
    %dma_start3A_58 = tpu.memref_slice %arg5[%multiple_of3A_57] : memref<25362432xf32, #tpu.memory_space<hbm>> -> memref<768xf32, #tpu.memory_space<hbm>>
    %dma_start3A_59 = tpu.memref_slice %arg5[%multiple_of3A_57] : memref<25362432xf32, #tpu.memory_space<hbm>> -> memref<768xf32, #tpu.memory_space<hbm>>
    tpu.enqueue_dma source(%arg10 : memref<768xf32, #tpu.memory_space<vmem>>) target(%dma_start3A_59 : memref<768xf32, #tpu.memory_space<hbm>>) target_semaphore(%arg12 : memref<!tpu.dma_semaphore, #tpu.memory_space<semaphore_mem>>)
    %mul3A_60 = arith.constant 8 : i32
    %mul3A_61 = arith.muli %add3A, %mul3A_60 : i32
    %add3A_62 = arith.constant 5 : i32
    %add3A_63 = arith.addi %mul3A_61, %add3A_62 : i32
    %mul3A_64 = arith.constant 129 : i32
    %mul3A_65 = arith.muli %add3A_63, %mul3A_64 : i32
    %mul3A_66 = arith.constant 768 : i32
    %mul3A_67 = arith.muli %mul3A_65, %mul3A_66 : i32
    %multiple_of3A_68 = tpu.assume_multiple %mul3A_67, 8 : i32
    %dma_start3A_69 = tpu.memref_slice %arg5[%multiple_of3A_68] : memref<25362432xf32, #tpu.memory_space<hbm>> -> memref<768xf32, #tpu.memory_space<hbm>>
    %dma_start3A_70 = tpu.memref_slice %arg5[%multiple_of3A_68] : memref<25362432xf32, #tpu.memory_space<hbm>> -> memref<768xf32, #tpu.memory_space<hbm>>
    tpu.enqueue_dma source(%arg10 : memref<768xf32, #tpu.memory_space<vmem>>) target(%dma_start3A_70 : memref<768xf32, #tpu.memory_space<hbm>>) target_semaphore(%arg12 : memref<!tpu.dma_semaphore, #tpu.memory_space<semaphore_mem>>)
    %mul3A_71 = arith.constant 8 : i32
    %mul3A_72 = arith.muli %add3A, %mul3A_71 : i32
    %add3A_73 = arith.constant 6 : i32
    %add3A_74 = arith.addi %mul3A_72, %add3A_73 : i32
    %mul3A_75 = arith.constant 129 : i32
    %mul3A_76 = arith.muli %add3A_74, %mul3A_75 : i32
    %mul3A_77 = arith.constant 768 : i32
    %mul3A_78 = arith.muli %mul3A_76, %mul3A_77 : i32
    %multiple_of3A_79 = tpu.assume_multiple %mul3A_78, 8 : i32
    %dma_start3A_80 = tpu.memref_slice %arg5[%multiple_of3A_79] : memref<25362432xf32, #tpu.memory_space<hbm>> -> memref<768xf32, #tpu.memory_space<hbm>>
    %dma_start3A_81 = tpu.memref_slice %arg5[%multiple_of3A_79] : memref<25362432xf32, #tpu.memory_space<hbm>> -> memref<768xf32, #tpu.memory_space<hbm>>
    tpu.enqueue_dma source(%arg10 : memref<768xf32, #tpu.memory_space<vmem>>) target(%dma_start3A_81 : memref<768xf32, #tpu.memory_space<hbm>>) target_semaphore(%arg12 : memref<!tpu.dma_semaphore, #tpu.memory_space<semaphore_mem>>)
    %mul3A_82 = arith.constant 8 : i32
    %mul3A_83 = arith.muli %add3A, %mul3A_82 : i32
    %add3A_84 = arith.constant 7 : i32
    %add3A_85 = arith.addi %mul3A_83, %add3A_84 : i32
    %mul3A_86 = arith.constant 129 : i32
    %mul3A_87 = arith.muli %add3A_85, %mul3A_86 : i32
    %mul3A_88 = arith.constant 768 : i32
    %mul3A_89 = arith.muli %mul3A_87, %mul3A_88 : i32
    %multiple_of3A_90 = tpu.assume_multiple %mul3A_89, 8 : i32
    %dma_start3A_91 = tpu.memref_slice %arg5[%multiple_of3A_90] : memref<25362432xf32, #tpu.memory_space<hbm>> -> memref<768xf32, #tpu.memory_space<hbm>>
    %dma_start3A_92 = tpu.memref_slice %arg5[%multiple_of3A_90] : memref<25362432xf32, #tpu.memory_space<hbm>> -> memref<768xf32, #tpu.memory_space<hbm>>
    tpu.enqueue_dma source(%arg10 : memref<768xf32, #tpu.memory_space<vmem>>) target(%dma_start3A_92 : memref<768xf32, #tpu.memory_space<hbm>>) target_semaphore(%arg12 : memref<!tpu.dma_semaphore, #tpu.memory_space<semaphore_mem>>)
    %dma_wait3A = tpu.memref_slice %arg2[%mul3A_4] : memref<294912xi32, #tpu.memory_space<hbm>> -> memref<9216xi32, #tpu.memory_space<hbm>>
    %dma_wait3A_93 = tpu.memref_slice %arg2[%mul3A_4] : memref<294912xi32, #tpu.memory_space<hbm>> -> memref<9216xi32, #tpu.memory_space<hbm>>
    tpu.wait_dma2 semaphore(%arg11 : memref<!tpu.dma_semaphore, #tpu.memory_space<semaphore_mem>>) src(%dma_wait3A_93 : memref<9216xi32, #tpu.memory_space<hbm>>) dst(%arg6 : memref<9216xi32, #tpu.memory_space<vmem>>)
    %dma_wait3A_94 = tpu.memref_slice %arg5[%multiple_of3A] : memref<25362432xf32, #tpu.memory_space<hbm>> -> memref<768xf32, #tpu.memory_space<hbm>>
    %dma_wait3A_95 = tpu.memref_slice %arg5[%multiple_of3A] : memref<25362432xf32, #tpu.memory_space<hbm>> -> memref<768xf32, #tpu.memory_space<hbm>>
    tpu.wait_dma2 semaphore(%arg12 : memref<!tpu.dma_semaphore, #tpu.memory_space<semaphore_mem>>) src(%arg10 : memref<768xf32, #tpu.memory_space<vmem>>) dst(%dma_wait3A_95 : memref<768xf32, #tpu.memory_space<hbm>>)
    %dma_wait3A_96 = tpu.memref_slice %arg5[%multiple_of3A_24] : memref<25362432xf32, #tpu.memory_space<hbm>> -> memref<768xf32, #tpu.memory_space<hbm>>
    %dma_wait3A_97 = tpu.memref_slice %arg5[%multiple_of3A_24] : memref<25362432xf32, #tpu.memory_space<hbm>> -> memref<768xf32, #tpu.memory_space<hbm>>
    tpu.wait_dma2 semaphore(%arg12 : memref<!tpu.dma_semaphore, #tpu.memory_space<semaphore_mem>>) src(%arg10 : memref<768xf32, #tpu.memory_space<vmem>>) dst(%dma_wait3A_97 : memref<768xf32, #tpu.memory_space<hbm>>)
    %dma_wait3A_98 = tpu.memref_slice %arg5[%multiple_of3A_35] : memref<25362432xf32, #tpu.memory_space<hbm>> -> memref<768xf32, #tpu.memory_space<hbm>>
    %dma_wait3A_99 = tpu.memref_slice %arg5[%multiple_of3A_35] : memref<25362432xf32, #tpu.memory_space<hbm>> -> memref<768xf32, #tpu.memory_space<hbm>>
    tpu.wait_dma2 semaphore(%arg12 : memref<!tpu.dma_semaphore, #tpu.memory_space<semaphore_mem>>) src(%arg10 : memref<768xf32, #tpu.memory_space<vmem>>) dst(%dma_wait3A_99 : memref<768xf32, #tpu.memory_space<hbm>>)
    %dma_wait3A_100 = tpu.memref_slice %arg5[%multiple_of3A_46] : memref<25362432xf32, #tpu.memory_space<hbm>> -> memref<768xf32, #tpu.memory_space<hbm>>
    %dma_wait3A_101 = tpu.memref_slice %arg5[%multiple_of3A_46] : memref<25362432xf32, #tpu.memory_space<hbm>> -> memref<768xf32, #tpu.memory_space<hbm>>
    tpu.wait_dma2 semaphore(%arg12 : memref<!tpu.dma_semaphore, #tpu.memory_space<semaphore_mem>>) src(%arg10 : memref<768xf32, #tpu.memory_space<vmem>>) dst(%dma_wait3A_101 : memref<768xf32, #tpu.memory_space<hbm>>)
    %dma_wait3A_102 = tpu.memref_slice %arg5[%multiple_of3A_57] : memref<25362432xf32, #tpu.memory_space<hbm>> -> memref<768xf32, #tpu.memory_space<hbm>>
    %dma_wait3A_103 = tpu.memref_slice %arg5[%multiple_of3A_57] : memref<25362432xf32, #tpu.memory_space<hbm>> -> memref<768xf32, #tpu.memory_space<hbm>>
    tpu.wait_dma2 semaphore(%arg12 : memref<!tpu.dma_semaphore, #tpu.memory_space<semaphore_mem>>) src(%arg10 : memref<768xf32, #tpu.memory_space<vmem>>) dst(%dma_wait3A_103 : memref<768xf32, #tpu.memory_space<hbm>>)
    %dma_wait3A_104 = tpu.memref_slice %arg5[%multiple_of3A_68] : memref<25362432xf32, #tpu.memory_space<hbm>> -> memref<768xf32, #tpu.memory_space<hbm>>
    %dma_wait3A_105 = tpu.memref_slice %arg5[%multiple_of3A_68] : memref<25362432xf32, #tpu.memory_space<hbm>> -> memref<768xf32, #tpu.memory_space<hbm>>
    tpu.wait_dma2 semaphore(%arg12 : memref<!tpu.dma_semaphore, #tpu.memory_space<semaphore_mem>>) src(%arg10 : memref<768xf32, #tpu.memory_space<vmem>>) dst(%dma_wait3A_105 : memref<768xf32, #tpu.memory_space<hbm>>)
    %dma_wait3A_106 = tpu.memref_slice %arg5[%multiple_of3A_79] : memref<25362432xf32, #tpu.memory_space<hbm>> -> memref<768xf32, #tpu.memory_space<hbm>>
    %dma_wait3A_107 = tpu.memref_slice %arg5[%multiple_of3A_79] : memref<25362432xf32, #tpu.memory_space<hbm>> -> memref<768xf32, #tpu.memory_space<hbm>>
    tpu.wait_dma2 semaphore(%arg12 : memref<!tpu.dma_semaphore, #tpu.memory_space<semaphore_mem>>) src(%arg10 : memref<768xf32, #tpu.memory_space<vmem>>) dst(%dma_wait3A_107 : memref<768xf32, #tpu.memory_space<hbm>>)
    %dma_wait3A_108 = tpu.memref_slice %arg5[%multiple_of3A_90] : memref<25362432xf32, #tpu.memory_space<hbm>> -> memref<768xf32, #tpu.memory_space<hbm>>
    %dma_wait3A_109 = tpu.memref_slice %arg5[%multiple_of3A_90] : memref<25362432xf32, #tpu.memory_space<hbm>> -> memref<768xf32, #tpu.memory_space<hbm>>
    tpu.wait_dma2 semaphore(%arg12 : memref<!tpu.dma_semaphore, #tpu.memory_space<semaphore_mem>>) src(%arg10 : memref<768xf32, #tpu.memory_space<vmem>>) dst(%dma_wait3A_109 : memref<768xf32, #tpu.memory_space<hbm>>)
    %multiple_of3A_110 = arith.constant 0 : i32
    %multiple_of3A_111 = tpu.assume_multiple %multiple_of3A_110, 8 : i32
    %dma_start3A_112 = tpu.memref_slice %arg6[%multiple_of3A_111] : memref<9216xi32, #tpu.memory_space<vmem>> -> memref<72xi32, #tpu.memory_space<vmem>>
    %dma_start3A_113 = arith.constant 0 : i32
    %dma_start3A_114 = arith.constant 0 : i32
    %dma_start3A_115 = tpu.memref_slice %arg3[%dma_start3A_113, %dma_start3A_114] : memref<100000x768xf32, #tpu.memory_space<hbm>> -> memref<100000x768xf32, #tpu.memory_space<hbm>>
    tpu.enqueue_indirect_dma source(%dma_start3A_115 : memref<100000x768xf32, #tpu.memory_space<hbm>>) target(%arg7 : memref<72x768xf32, #tpu.memory_space<vmem>>) offsets(%dma_start3A_112 : memref<72xi32, #tpu.memory_space<vmem>>) semaphore(%arg11 : memref<!tpu.dma_semaphore, #tpu.memory_space<semaphore_mem>>)
    %scan3A = arith.constant 0 : i32
    %scan3A_116 = arith.constant 0 : i32
    %scan3A_117 = arith.constant 64 : i32
    %scan3A_118 = arith.addi %scan3A_116, %scan3A_117 : i32
    %scan3A_119 = arith.constant 1 : i32
    scf.for %scan3A_136 = %scan3A_116 to %scan3A_118 step %scan3A_119  : i32 {
      %mul3A_137 = arith.constant 2 : i32
      %mul3A_138 = arith.muli %mul3A_137, %scan3A_136 : i32
      %add3A_139 = arith.constant 1 : i32
      %add3A_140 = arith.addi %mul3A_138, %add3A_139 : i32
      %mul3A_141 = arith.constant 72 : i32
      %mul3A_142 = arith.muli %add3A_140, %mul3A_141 : i32
      %multiple_of3A_143 = tpu.assume_multiple %mul3A_142, 8 : i32
      %dma_start3A_144 = tpu.memref_slice %arg6[%multiple_of3A_143] : memref<9216xi32, #tpu.memory_space<vmem>> -> memref<72xi32, #tpu.memory_space<vmem>>
      %dma_start3A_145 = arith.constant 0 : i32
      %dma_start3A_146 = arith.constant 0 : i32
      %dma_start3A_147 = tpu.memref_slice %arg3[%dma_start3A_145, %dma_start3A_146] : memref<100000x768xf32, #tpu.memory_space<hbm>> -> memref<100000x768xf32, #tpu.memory_space<hbm>>
      tpu.enqueue_indirect_dma source(%dma_start3A_147 : memref<100000x768xf32, #tpu.memory_space<hbm>>) target(%arg8 : memref<72x768xf32, #tpu.memory_space<vmem>>) offsets(%dma_start3A_144 : memref<72xi32, #tpu.memory_space<vmem>>) semaphore(%arg12 : memref<!tpu.dma_semaphore, #tpu.memory_space<semaphore_mem>>)
      %mul3A_148 = arith.constant 72 : i32
      %mul3A_149 = arith.muli %mul3A_138, %mul3A_148 : i32
      %multiple_of3A_150 = tpu.assume_multiple %mul3A_149, 8 : i32
      %dma_wait3A_151 = tpu.memref_slice %arg6[%multiple_of3A_150] : memref<9216xi32, #tpu.memory_space<vmem>> -> memref<72xi32, #tpu.memory_space<vmem>>
      %dma_wait3A_152 = arith.constant 0 : i32
      %dma_wait3A_153 = arith.constant 0 : i32
      %dma_wait3A_154 = tpu.memref_slice %arg3[%dma_wait3A_152, %dma_wait3A_153] : memref<100000x768xf32, #tpu.memory_space<hbm>> -> memref<100000x768xf32, #tpu.memory_space<hbm>>
      tpu.wait_indirect_dma semaphore(%arg11 : memref<!tpu.dma_semaphore, #tpu.memory_space<semaphore_mem>>) src(%dma_wait3A_154 : memref<100000x768xf32, #tpu.memory_space<hbm>>) dst(%arg7 : memref<72x768xf32, #tpu.memory_space<vmem>>)
      %gt3A = arith.constant 0 : i32
      %gt3A_155 = arith.cmpi sgt, %mul3A_138, %gt3A : i32
      %convert_element_type3A = arith.extui %gt3A_155 : i1 to i32
      %cond3A = arith.constant 0 : i32
      %cond3A_156 = arith.cmpi ne, %convert_element_type3A, %cond3A : i32
      scf.if %cond3A_156 {
        %jit3A_288 = arith.constant 16 : i32
        %div3A_289 = arith.divsi %mul3A_138, %jit3A_288 : i32
        %sign3A_290 = arith.constant 0 : i32
        %sign3A_291 = arith.cmpi sgt, %mul3A_138, %sign3A_290 : i32
        %sign3A_292 = arith.extui %sign3A_291 : i1 to i32
        %sign3A_293 = arith.constant 0 : i32
        %sign3A_294 = arith.cmpi slt, %mul3A_138, %sign3A_293 : i32
        %sign3A_295 = arith.extui %sign3A_294 : i1 to i32
        %sign3A_296 = arith.subi %sign3A_292, %sign3A_295 : i32
        %sign3A_297 = arith.constant 0 : i32
        %sign3A_298 = arith.cmpi sgt, %jit3A_288, %sign3A_297 : i32
        %sign3A_299 = arith.extui %sign3A_298 : i1 to i32
        %sign3A_300 = arith.constant 0 : i32
        %sign3A_301 = arith.cmpi slt, %jit3A_288, %sign3A_300 : i32
        %sign3A_302 = arith.extui %sign3A_301 : i1 to i32
        %sign3A_303 = arith.subi %sign3A_299, %sign3A_302 : i32
        %ne3A_304 = arith.cmpi ne, %sign3A_296, %sign3A_303 : i32
        %rem3A_305 = arith.remsi %mul3A_138, %jit3A_288 : i32
        %ne3A_306 = arith.constant 0 : i32
        %ne3A_307 = arith.cmpi ne, %rem3A_305, %ne3A_306 : i32
        %and3A_308 = arith.andi %ne3A_304, %ne3A_307 : i1
        %sub3A_309 = arith.constant 1 : i32
        %sub3A_310 = arith.subi %div3A_289, %sub3A_309 : i32
        %select_n3A_311 = arith.select %and3A_308, %sub3A_310, %div3A_289 : i32
        %jit3A_312 = arith.constant 16 : i32
        %eq3A_313 = arith.constant 0 : i32
        %eq3A_314 = arith.cmpi eq, %jit3A_312, %eq3A_313 : i32
        %jit3A_315 = arith.constant 1 : i32
        %select_n3A_316 = arith.select %eq3A_314, %jit3A_315, %jit3A_312 : i32
        %rem3A_317 = arith.remsi %mul3A_138, %select_n3A_316 : i32
        %ne3A_318 = arith.constant 0 : i32
        %ne3A_319 = arith.cmpi ne, %rem3A_317, %ne3A_318 : i32
        %lt3A_320 = arith.constant 0 : i32
        %lt3A_321 = arith.cmpi slt, %rem3A_317, %lt3A_320 : i32
        %lt3A_322 = arith.constant 0 : i32
        %lt3A_323 = arith.cmpi slt, %select_n3A_316, %lt3A_322 : i32
        %ne3A_324 = arith.xori %lt3A_321, %lt3A_323 : i1
        %and3A_325 = arith.andi %ne3A_324, %ne3A_319 : i1
        %add3A_326 = arith.addi %rem3A_317, %select_n3A_316 : i32
        %select_n3A_327 = arith.select %and3A_325, %add3A_326, %rem3A_317 : i32
        %mul3A_328 = arith.constant 8 : i32
        %mul3A_329 = arith.muli %select_n3A_327, %mul3A_328 : i32
        %mul3A_330 = arith.constant 8 : i32
        %mul3A_331 = arith.muli %add3A, %mul3A_330 : i32
        %add3A_332 = arith.addi %mul3A_331, %select_n3A_311 : i32
        %mul3A_333 = arith.constant 129 : i32
        %mul3A_334 = arith.muli %add3A_332, %mul3A_333 : i32
        %add3A_335 = arith.constant 1 : i32
        %add3A_336 = arith.addi %mul3A_334, %add3A_335 : i32
        %add3A_337 = arith.addi %add3A_336, %mul3A_329 : i32
        %mul3A_338 = arith.constant 768 : i32
        %mul3A_339 = arith.muli %add3A_337, %mul3A_338 : i32
        %multiple_of3A_340 = tpu.assume_multiple %mul3A_339, 8 : i32
        %dma_wait3A_341 = tpu.memref_slice %arg5[%multiple_of3A_340] : memref<25362432xf32, #tpu.memory_space<hbm>> -> memref<6144xf32, #tpu.memory_space<hbm>>
        %dma_wait3A_342 = tpu.memref_slice %arg5[%multiple_of3A_340] : memref<25362432xf32, #tpu.memory_space<hbm>> -> memref<6144xf32, #tpu.memory_space<hbm>>
        tpu.wait_dma2 semaphore(%arg13 : memref<!tpu.dma_semaphore, #tpu.memory_space<semaphore_mem>>) src(%arg9 : memref<6144xf32, #tpu.memory_space<vmem>>) dst(%dma_wait3A_342 : memref<6144xf32, #tpu.memory_space<hbm>>)
      } else {
      }
      %scan3A_157 = arith.constant 0 : i32
      %scan3A_158 = arith.constant 0 : i32
      %scan3A_159 = arith.constant 24 : i32
      %scan3A_160 = arith.addi %scan3A_158, %scan3A_159 : i32
      %scan3A_161 = arith.constant 1 : i32
      scf.for %scan3A_288 = %scan3A_158 to %scan3A_160 step %scan3A_161  : i32 {
        %mul3A_289 = arith.constant 2 : i32
        %mul3A_290 = arith.muli %mul3A_289, %scan3A_288 : i32
        %add3A_291 = arith.constant 0 : i32
        %add3A_292 = arith.addi %mul3A_290, %add3A_291 : i32
        %mul3A_293 = arith.constant 16 : i32
        %mul3A_294 = arith.muli %add3A_292, %mul3A_293 : i32
        %get3A = arith.constant 0 : i32
        %get3A_295 = arith.index_cast %get3A : i32 to index
        %get3A_296 = arith.index_cast %mul3A_294 : i32 to index
        %get3A_297 = tpu.vector_load %arg7[%get3A_295, %get3A_296] {strides = array<i32>} : memref<72x768xf32, #tpu.memory_space<vmem>>, vector<1x16xf32>,
        %get3A_298 = vector.shape_cast %get3A_297 : vector<1x16xf32> to vector<16xf32>
        %get3A_299 = arith.constant 1 : i32
        %get3A_300 = arith.index_cast %get3A_299 : i32 to index
        %get3A_301 = arith.index_cast %mul3A_294 : i32 to index
        %get3A_302 = tpu.vector_load %arg7[%get3A_300, %get3A_301] {strides = array<i32>} : memref<72x768xf32, #tpu.memory_space<vmem>>, vector<1x16xf32>,
        %get3A_303 = vector.shape_cast %get3A_302 : vector<1x16xf32> to vector<16xf32>
        %add3A_304 = arith.addf %get3A_298, %get3A_303 : vector<16xf32>
        %get3A_305 = arith.constant 2 : i32
        %get3A_306 = arith.index_cast %get3A_305 : i32 to index
        %get3A_307 = arith.index_cast %mul3A_294 : i32 to index
        %get3A_308 = tpu.vector_load %arg7[%get3A_306, %get3A_307] {strides = array<i32>} : memref<72x768xf32, #tpu.memory_space<vmem>>, vector<1x16xf32>,
        %get3A_309 = vector.shape_cast %get3A_308 : vector<1x16xf32> to vector<16xf32>
        %add3A_310 = arith.addf %add3A_304, %get3A_309 : vector<16xf32>
        %get3A_311 = arith.constant 3 : i32
        %get3A_312 = arith.index_cast %get3A_311 : i32 to index
        %get3A_313 = arith.index_cast %mul3A_294 : i32 to index
        %get3A_314 = tpu.vector_load %arg7[%get3A_312, %get3A_313] {strides = array<i32>} : memref<72x768xf32, #tpu.memory_space<vmem>>, vector<1x16xf32>,
        %get3A_315 = vector.shape_cast %get3A_314 : vector<1x16xf32> to vector<16xf32>
        %add3A_316 = arith.addf %add3A_310, %get3A_315 : vector<16xf32>
        %get3A_317 = arith.constant 4 : i32
        %get3A_318 = arith.index_cast %get3A_317 : i32 to index
        %get3A_319 = arith.index_cast %mul3A_294 : i32 to index
        %get3A_320 = tpu.vector_load %arg7[%get3A_318, %get3A_319] {strides = array<i32>} : memref<72x768xf32, #tpu.memory_space<vmem>>, vector<1x16xf32>,
        %get3A_321 = vector.shape_cast %get3A_320 : vector<1x16xf32> to vector<16xf32>
        %add3A_322 = arith.addf %add3A_316, %get3A_321 : vector<16xf32>
        %get3A_323 = arith.constant 5 : i32
        %get3A_324 = arith.index_cast %get3A_323 : i32 to index
        %get3A_325 = arith.index_cast %mul3A_294 : i32 to index
        %get3A_326 = tpu.vector_load %arg7[%get3A_324, %get3A_325] {strides = array<i32>} : memref<72x768xf32, #tpu.memory_space<vmem>>, vector<1x16xf32>,
        %get3A_327 = vector.shape_cast %get3A_326 : vector<1x16xf32> to vector<16xf32>
        %add3A_328 = arith.addf %add3A_322, %get3A_327 : vector<16xf32>
        %get3A_329 = arith.constant 6 : i32
        %get3A_330 = arith.index_cast %get3A_329 : i32 to index
        %get3A_331 = arith.index_cast %mul3A_294 : i32 to index
        %get3A_332 = tpu.vector_load %arg7[%get3A_330, %get3A_331] {strides = array<i32>} : memref<72x768xf32, #tpu.memory_space<vmem>>, vector<1x16xf32>,
        %get3A_333 = vector.shape_cast %get3A_332 : vector<1x16xf32> to vector<16xf32>
        %add3A_334 = arith.addf %add3A_328, %get3A_333 : vector<16xf32>
        %get3A_335 = arith.constant 7 : i32
        %get3A_336 = arith.index_cast %get3A_335 : i32 to index
        %get3A_337 = arith.index_cast %mul3A_294 : i32 to index
        %get3A_338 = tpu.vector_load %arg7[%get3A_336, %get3A_337] {strides = array<i32>} : memref<72x768xf32, #tpu.memory_space<vmem>>, vector<1x16xf32>,
        %get3A_339 = vector.shape_cast %get3A_338 : vector<1x16xf32> to vector<16xf32>
        %add3A_340 = arith.addf %add3A_334, %get3A_339 : vector<16xf32>
        %get3A_341 = arith.constant 8 : i32
        %get3A_342 = arith.index_cast %get3A_341 : i32 to index
        %get3A_343 = arith.index_cast %mul3A_294 : i32 to index
        %get3A_344 = tpu.vector_load %arg7[%get3A_342, %get3A_343] {strides = array<i32>} : memref<72x768xf32, #tpu.memory_space<vmem>>, vector<1x16xf32>,
        %get3A_345 = vector.shape_cast %get3A_344 : vector<1x16xf32> to vector<16xf32>
        %add3A_346 = arith.addf %add3A_340, %get3A_345 : vector<16xf32>
        %add3A_347 = arith.constant 0 : i32
        %add3A_348 = arith.addi %add3A_347, %mul3A_294 : i32
        %swap3A = arith.index_cast %add3A_348 : i32 to index
        %swap3A_349 = tpu.vector_load %arg9[%swap3A] {strides = array<i32>} : memref<6144xf32, #tpu.memory_space<vmem>>, vector<16xf32>,
        %swap3A_350 = vector.shape_cast %swap3A_349 : vector<16xf32> to vector<16xf32>
        %swap3A_351 = vector.shape_cast %add3A_346 : vector<16xf32> to vector<16xf32>
        tpu.vector_store %arg9[%swap3A], %swap3A_351 {strides = array<i32>} : memref<6144xf32, #tpu.memory_space<vmem>>, vector<16xf32>,
        %get3A_352 = arith.constant 9 : i32
        %get3A_353 = arith.index_cast %get3A_352 : i32 to index
        %get3A_354 = arith.index_cast %mul3A_294 : i32 to index
        %get3A_355 = tpu.vector_load %arg7[%get3A_353, %get3A_354] {strides = array<i32>} : memref<72x768xf32, #tpu.memory_space<vmem>>, vector<1x16xf32>,
        %get3A_356 = vector.shape_cast %get3A_355 : vector<1x16xf32> to vector<16xf32>
        %get3A_357 = arith.constant 10 : i32
        %get3A_358 = arith.index_cast %get3A_357 : i32 to index
        %get3A_359 = arith.index_cast %mul3A_294 : i32 to index
        %get3A_360 = tpu.vector_load %arg7[%get3A_358, %get3A_359] {strides = array<i32>} : memref<72x768xf32, #tpu.memory_space<vmem>>, vector<1x16xf32>,
        %get3A_361 = vector.shape_cast %get3A_360 : vector<1x16xf32> to vector<16xf32>
        %add3A_362 = arith.addf %get3A_356, %get3A_361 : vector<16xf32>
        %get3A_363 = arith.constant 11 : i32
        %get3A_364 = arith.index_cast %get3A_363 : i32 to index
        %get3A_365 = arith.index_cast %mul3A_294 : i32 to index
        %get3A_366 = tpu.vector_load %arg7[%get3A_364, %get3A_365] {strides = array<i32>} : memref<72x768xf32, #tpu.memory_space<vmem>>, vector<1x16xf32>,
        %get3A_367 = vector.shape_cast %get3A_366 : vector<1x16xf32> to vector<16xf32>
        %add3A_368 = arith.addf %add3A_362, %get3A_367 : vector<16xf32>
        %get3A_369 = arith.constant 12 : i32
        %get3A_370 = arith.index_cast %get3A_369 : i32 to index
        %get3A_371 = arith.index_cast %mul3A_294 : i32 to index
        %get3A_372 = tpu.vector_load %arg7[%get3A_370, %get3A_371] {strides = array<i32>} : memref<72x768xf32, #tpu.memory_space<vmem>>, vector<1x16xf32>,
        %get3A_373 = vector.shape_cast %get3A_372 : vector<1x16xf32> to vector<16xf32>
        %add3A_374 = arith.addf %add3A_368, %get3A_373 : vector<16xf32>
        %get3A_375 = arith.constant 13 : i32
        %get3A_376 = arith.index_cast %get3A_375 : i32 to index
        %get3A_377 = arith.index_cast %mul3A_294 : i32 to index
        %get3A_378 = tpu.vector_load %arg7[%get3A_376, %get3A_377] {strides = array<i32>} : memref<72x768xf32, #tpu.memory_space<vmem>>, vector<1x16xf32>,
        %get3A_379 = vector.shape_cast %get3A_378 : vector<1x16xf32> to vector<16xf32>
        %add3A_380 = arith.addf %add3A_374, %get3A_379 : vector<16xf32>
        %get3A_381 = arith.constant 14 : i32
        %get3A_382 = arith.index_cast %get3A_381 : i32 to index
        %get3A_383 = arith.index_cast %mul3A_294 : i32 to index
        %get3A_384 = tpu.vector_load %arg7[%get3A_382, %get3A_383] {strides = array<i32>} : memref<72x768xf32, #tpu.memory_space<vmem>>, vector<1x16xf32>,
        %get3A_385 = vector.shape_cast %get3A_384 : vector<1x16xf32> to vector<16xf32>
        %add3A_386 = arith.addf %add3A_380, %get3A_385 : vector<16xf32>
        %get3A_387 = arith.constant 15 : i32
        %get3A_388 = arith.index_cast %get3A_387 : i32 to index
        %get3A_389 = arith.index_cast %mul3A_294 : i32 to index
        %get3A_390 = tpu.vector_load %arg7[%get3A_388, %get3A_389] {strides = array<i32>} : memref<72x768xf32, #tpu.memory_space<vmem>>, vector<1x16xf32>,
        %get3A_391 = vector.shape_cast %get3A_390 : vector<1x16xf32> to vector<16xf32>
        %add3A_392 = arith.addf %add3A_386, %get3A_391 : vector<16xf32>
        %get3A_393 = arith.constant 16 : i32
        %get3A_394 = arith.index_cast %get3A_393 : i32 to index
        %get3A_395 = arith.index_cast %mul3A_294 : i32 to index
        %get3A_396 = tpu.vector_load %arg7[%get3A_394, %get3A_395] {strides = array<i32>} : memref<72x768xf32, #tpu.memory_space<vmem>>, vector<1x16xf32>,
        %get3A_397 = vector.shape_cast %get3A_396 : vector<1x16xf32> to vector<16xf32>
        %add3A_398 = arith.addf %add3A_392, %get3A_397 : vector<16xf32>
        %get3A_399 = arith.constant 17 : i32
        %get3A_400 = arith.index_cast %get3A_399 : i32 to index
        %get3A_401 = arith.index_cast %mul3A_294 : i32 to index
        %get3A_402 = tpu.vector_load %arg7[%get3A_400, %get3A_401] {strides = array<i32>} : memref<72x768xf32, #tpu.memory_space<vmem>>, vector<1x16xf32>,
        %get3A_403 = vector.shape_cast %get3A_402 : vector<1x16xf32> to vector<16xf32>
        %add3A_404 = arith.addf %add3A_398, %get3A_403 : vector<16xf32>
        %add3A_405 = arith.constant 768 : i32
        %add3A_406 = arith.addi %add3A_405, %mul3A_294 : i32
        %swap3A_407 = arith.index_cast %add3A_406 : i32 to index
        %swap3A_408 = tpu.vector_load %arg9[%swap3A_407] {strides = array<i32>} : memref<6144xf32, #tpu.memory_space<vmem>>, vector<16xf32>,
        %swap3A_409 = vector.shape_cast %swap3A_408 : vector<16xf32> to vector<16xf32>
        %swap3A_410 = vector.shape_cast %add3A_404 : vector<16xf32> to vector<16xf32>
        tpu.vector_store %arg9[%swap3A_407], %swap3A_410 {strides = array<i32>} : memref<6144xf32, #tpu.memory_space<vmem>>, vector<16xf32>,
        %get3A_411 = arith.constant 18 : i32
        %get3A_412 = arith.index_cast %get3A_411 : i32 to index
        %get3A_413 = arith.index_cast %mul3A_294 : i32 to index
        %get3A_414 = tpu.vector_load %arg7[%get3A_412, %get3A_413] {strides = array<i32>} : memref<72x768xf32, #tpu.memory_space<vmem>>, vector<1x16xf32>,
        %get3A_415 = vector.shape_cast %get3A_414 : vector<1x16xf32> to vector<16xf32>
        %get3A_416 = arith.constant 19 : i32
        %get3A_417 = arith.index_cast %get3A_416 : i32 to index
        %get3A_418 = arith.index_cast %mul3A_294 : i32 to index
        %get3A_419 = tpu.vector_load %arg7[%get3A_417, %get3A_418] {strides = array<i32>} : memref<72x768xf32, #tpu.memory_space<vmem>>, vector<1x16xf32>,
        %get3A_420 = vector.shape_cast %get3A_419 : vector<1x16xf32> to vector<16xf32>
        %add3A_421 = arith.addf %get3A_415, %get3A_420 : vector<16xf32>
        %get3A_422 = arith.constant 20 : i32
        %get3A_423 = arith.index_cast %get3A_422 : i32 to index
        %get3A_424 = arith.index_cast %mul3A_294 : i32 to index
        %get3A_425 = tpu.vector_load %arg7[%get3A_423, %get3A_424] {strides = array<i32>} : memref<72x768xf32, #tpu.memory_space<vmem>>, vector<1x16xf32>,
        %get3A_426 = vector.shape_cast %get3A_425 : vector<1x16xf32> to vector<16xf32>
        %add3A_427 = arith.addf %add3A_421, %get3A_426 : vector<16xf32>
        %get3A_428 = arith.constant 21 : i32
        %get3A_429 = arith.index_cast %get3A_428 : i32 to index
        %get3A_430 = arith.index_cast %mul3A_294 : i32 to index
        %get3A_431 = tpu.vector_load %arg7[%get3A_429, %get3A_430] {strides = array<i32>} : memref<72x768xf32, #tpu.memory_space<vmem>>, vector<1x16xf32>,
        %get3A_432 = vector.shape_cast %get3A_431 : vector<1x16xf32> to vector<16xf32>
        %add3A_433 = arith.addf %add3A_427, %get3A_432 : vector<16xf32>
        %get3A_434 = arith.constant 22 : i32
        %get3A_435 = arith.index_cast %get3A_434 : i32 to index
        %get3A_436 = arith.index_cast %mul3A_294 : i32 to index
        %get3A_437 = tpu.vector_load %arg7[%get3A_435, %get3A_436] {strides = array<i32>} : memref<72x768xf32, #tpu.memory_space<vmem>>, vector<1x16xf32>,
        %get3A_438 = vector.shape_cast %get3A_437 : vector<1x16xf32> to vector<16xf32>
        %add3A_439 = arith.addf %add3A_433, %get3A_438 : vector<16xf32>
        %get3A_440 = arith.constant 23 : i32
        %get3A_441 = arith.index_cast %get3A_440 : i32 to index
        %get3A_442 = arith.index_cast %mul3A_294 : i32 to index
        %get3A_443 = tpu.vector_load %arg7[%get3A_441, %get3A_442] {strides = array<i32>} : memref<72x768xf32, #tpu.memory_space<vmem>>, vector<1x16xf32>,
        %get3A_444 = vector.shape_cast %get3A_443 : vector<1x16xf32> to vector<16xf32>
        %add3A_445 = arith.addf %add3A_439, %get3A_444 : vector<16xf32>
        %get3A_446 = arith.constant 24 : i32
        %get3A_447 = arith.index_cast %get3A_446 : i32 to index
        %get3A_448 = arith.index_cast %mul3A_294 : i32 to index
        %get3A_449 = tpu.vector_load %arg7[%get3A_447, %get3A_448] {strides = array<i32>} : memref<72x768xf32, #tpu.memory_space<vmem>>, vector<1x16xf32>,
        %get3A_450 = vector.shape_cast %get3A_449 : vector<1x16xf32> to vector<16xf32>
        %add3A_451 = arith.addf %add3A_445, %get3A_450 : vector<16xf32>
        %get3A_452 = arith.constant 25 : i32
        %get3A_453 = arith.index_cast %get3A_452 : i32 to index
        %get3A_454 = arith.index_cast %mul3A_294 : i32 to index
        %get3A_455 = tpu.vector_load %arg7[%get3A_453, %get3A_454] {strides = array<i32>} : memref<72x768xf32, #tpu.memory_space<vmem>>, vector<1x16xf32>,
        %get3A_456 = vector.shape_cast %get3A_455 : vector<1x16xf32> to vector<16xf32>
        %add3A_457 = arith.addf %add3A_451, %get3A_456 : vector<16xf32>
        %get3A_458 = arith.constant 26 : i32
        %get3A_459 = arith.index_cast %get3A_458 : i32 to index
        %get3A_460 = arith.index_cast %mul3A_294 : i32 to index
        %get3A_461 = tpu.vector_load %arg7[%get3A_459, %get3A_460] {strides = array<i32>} : memref<72x768xf32, #tpu.memory_space<vmem>>, vector<1x16xf32>,
        %get3A_462 = vector.shape_cast %get3A_461 : vector<1x16xf32> to vector<16xf32>
        %add3A_463 = arith.addf %add3A_457, %get3A_462 : vector<16xf32>
        %add3A_464 = arith.constant 1536 : i32
        %add3A_465 = arith.addi %add3A_464, %mul3A_294 : i32
        %swap3A_466 = arith.index_cast %add3A_465 : i32 to index
        %swap3A_467 = tpu.vector_load %arg9[%swap3A_466] {strides = array<i32>} : memref<6144xf32, #tpu.memory_space<vmem>>, vector<16xf32>,
        %swap3A_468 = vector.shape_cast %swap3A_467 : vector<16xf32> to vector<16xf32>
        %swap3A_469 = vector.shape_cast %add3A_463 : vector<16xf32> to vector<16xf32>
        tpu.vector_store %arg9[%swap3A_466], %swap3A_469 {strides = array<i32>} : memref<6144xf32, #tpu.memory_space<vmem>>, vector<16xf32>,
        %get3A_470 = arith.constant 27 : i32
        %get3A_471 = arith.index_cast %get3A_470 : i32 to index
        %get3A_472 = arith.index_cast %mul3A_294 : i32 to index
        %get3A_473 = tpu.vector_load %arg7[%get3A_471, %get3A_472] {strides = array<i32>} : memref<72x768xf32, #tpu.memory_space<vmem>>, vector<1x16xf32>,
        %get3A_474 = vector.shape_cast %get3A_473 : vector<1x16xf32> to vector<16xf32>
        %get3A_475 = arith.constant 28 : i32
        %get3A_476 = arith.index_cast %get3A_475 : i32 to index
        %get3A_477 = arith.index_cast %mul3A_294 : i32 to index
        %get3A_478 = tpu.vector_load %arg7[%get3A_476, %get3A_477] {strides = array<i32>} : memref<72x768xf32, #tpu.memory_space<vmem>>, vector<1x16xf32>,
        %get3A_479 = vector.shape_cast %get3A_478 : vector<1x16xf32> to vector<16xf32>
        %add3A_480 = arith.addf %get3A_474, %get3A_479 : vector<16xf32>
        %get3A_481 = arith.constant 29 : i32
        %get3A_482 = arith.index_cast %get3A_481 : i32 to index
        %get3A_483 = arith.index_cast %mul3A_294 : i32 to index
        %get3A_484 = tpu.vector_load %arg7[%get3A_482, %get3A_483] {strides = array<i32>} : memref<72x768xf32, #tpu.memory_space<vmem>>, vector<1x16xf32>,
        %get3A_485 = vector.shape_cast %get3A_484 : vector<1x16xf32> to vector<16xf32>
        %add3A_486 = arith.addf %add3A_480, %get3A_485 : vector<16xf32>
        %get3A_487 = arith.constant 30 : i32
        %get3A_488 = arith.index_cast %get3A_487 : i32 to index
        %get3A_489 = arith.index_cast %mul3A_294 : i32 to index
        %get3A_490 = tpu.vector_load %arg7[%get3A_488, %get3A_489] {strides = array<i32>} : memref<72x768xf32, #tpu.memory_space<vmem>>, vector<1x16xf32>,
        %get3A_491 = vector.shape_cast %get3A_490 : vector<1x16xf32> to vector<16xf32>
        %add3A_492 = arith.addf %add3A_486, %get3A_491 : vector<16xf32>
        %get3A_493 = arith.constant 31 : i32
        %get3A_494 = arith.index_cast %get3A_493 : i32 to index
        %get3A_495 = arith.index_cast %mul3A_294 : i32 to index
        %get3A_496 = tpu.vector_load %arg7[%get3A_494, %get3A_495] {strides = array<i32>} : memref<72x768xf32, #tpu.memory_space<vmem>>, vector<1x16xf32>,
        %get3A_497 = vector.shape_cast %get3A_496 : vector<1x16xf32> to vector<16xf32>
        %add3A_498 = arith.addf %add3A_492, %get3A_497 : vector<16xf32>
        %get3A_499 = arith.constant 32 : i32
        %get3A_500 = arith.index_cast %get3A_499 : i32 to index
        %get3A_501 = arith.index_cast %mul3A_294 : i32 to index
        %get3A_502 = tpu.vector_load %arg7[%get3A_500, %get3A_501] {strides = array<i32>} : memref<72x768xf32, #tpu.memory_space<vmem>>, vector<1x16xf32>,
        %get3A_503 = vector.shape_cast %get3A_502 : vector<1x16xf32> to vector<16xf32>
        %add3A_504 = arith.addf %add3A_498, %get3A_503 : vector<16xf32>
        %get3A_505 = arith.constant 33 : i32
        %get3A_506 = arith.index_cast %get3A_505 : i32 to index
        %get3A_507 = arith.index_cast %mul3A_294 : i32 to index
        %get3A_508 = tpu.vector_load %arg7[%get3A_506, %get3A_507] {strides = array<i32>} : memref<72x768xf32, #tpu.memory_space<vmem>>, vector<1x16xf32>,
        %get3A_509 = vector.shape_cast %get3A_508 : vector<1x16xf32> to vector<16xf32>
        %add3A_510 = arith.addf %add3A_504, %get3A_509 : vector<16xf32>
        %get3A_511 = arith.constant 34 : i32
        %get3A_512 = arith.index_cast %get3A_511 : i32 to index
        %get3A_513 = arith.index_cast %mul3A_294 : i32 to index
        %get3A_514 = tpu.vector_load %arg7[%get3A_512, %get3A_513] {strides = array<i32>} : memref<72x768xf32, #tpu.memory_space<vmem>>, vector<1x16xf32>,
        %get3A_515 = vector.shape_cast %get3A_514 : vector<1x16xf32> to vector<16xf32>
        %add3A_516 = arith.addf %add3A_510, %get3A_515 : vector<16xf32>
        %get3A_517 = arith.constant 35 : i32
        %get3A_518 = arith.index_cast %get3A_517 : i32 to index
        %get3A_519 = arith.index_cast %mul3A_294 : i32 to index
        %get3A_520 = tpu.vector_load %arg7[%get3A_518, %get3A_519] {strides = array<i32>} : memref<72x768xf32, #tpu.memory_space<vmem>>, vector<1x16xf32>,
        %get3A_521 = vector.shape_cast %get3A_520 : vector<1x16xf32> to vector<16xf32>
        %add3A_522 = arith.addf %add3A_516, %get3A_521 : vector<16xf32>
        %add3A_523 = arith.constant 2304 : i32
        %add3A_524 = arith.addi %add3A_523, %mul3A_294 : i32
        %swap3A_525 = arith.index_cast %add3A_524 : i32 to index
        %swap3A_526 = tpu.vector_load %arg9[%swap3A_525] {strides = array<i32>} : memref<6144xf32, #tpu.memory_space<vmem>>, vector<16xf32>,
        %swap3A_527 = vector.shape_cast %swap3A_526 : vector<16xf32> to vector<16xf32>
        %swap3A_528 = vector.shape_cast %add3A_522 : vector<16xf32> to vector<16xf32>
        tpu.vector_store %arg9[%swap3A_525], %swap3A_528 {strides = array<i32>} : memref<6144xf32, #tpu.memory_space<vmem>>, vector<16xf32>,
        %get3A_529 = arith.constant 36 : i32
        %get3A_530 = arith.index_cast %get3A_529 : i32 to index
        %get3A_531 = arith.index_cast %mul3A_294 : i32 to index
        %get3A_532 = tpu.vector_load %arg7[%get3A_530, %get3A_531] {strides = array<i32>} : memref<72x768xf32, #tpu.memory_space<vmem>>, vector<1x16xf32>,
        %get3A_533 = vector.shape_cast %get3A_532 : vector<1x16xf32> to vector<16xf32>
        %get3A_534 = arith.constant 37 : i32
        %get3A_535 = arith.index_cast %get3A_534 : i32 to index
        %get3A_536 = arith.index_cast %mul3A_294 : i32 to index
        %get3A_537 = tpu.vector_load %arg7[%get3A_535, %get3A_536] {strides = array<i32>} : memref<72x768xf32, #tpu.memory_space<vmem>>, vector<1x16xf32>,
        %get3A_538 = vector.shape_cast %get3A_537 : vector<1x16xf32> to vector<16xf32>
        %add3A_539 = arith.addf %get3A_533, %get3A_538 : vector<16xf32>
        %get3A_540 = arith.constant 38 : i32
        %get3A_541 = arith.index_cast %get3A_540 : i32 to index
        %get3A_542 = arith.index_cast %mul3A_294 : i32 to index
        %get3A_543 = tpu.vector_load %arg7[%get3A_541, %get3A_542] {strides = array<i32>} : memref<72x768xf32, #tpu.memory_space<vmem>>, vector<1x16xf32>,
        %get3A_544 = vector.shape_cast %get3A_543 : vector<1x16xf32> to vector<16xf32>
        %add3A_545 = arith.addf %add3A_539, %get3A_544 : vector<16xf32>
        %get3A_546 = arith.constant 39 : i32
        %get3A_547 = arith.index_cast %get3A_546 : i32 to index
        %get3A_548 = arith.index_cast %mul3A_294 : i32 to index
        %get3A_549 = tpu.vector_load %arg7[%get3A_547, %get3A_548] {strides = array<i32>} : memref<72x768xf32, #tpu.memory_space<vmem>>, vector<1x16xf32>,
        %get3A_550 = vector.shape_cast %get3A_549 : vector<1x16xf32> to vector<16xf32>
        %add3A_551 = arith.addf %add3A_545, %get3A_550 : vector<16xf32>
        %get3A_552 = arith.constant 40 : i32
        %get3A_553 = arith.index_cast %get3A_552 : i32 to index
        %get3A_554 = arith.index_cast %mul3A_294 : i32 to index
        %get3A_555 = tpu.vector_load %arg7[%get3A_553, %get3A_554] {strides = array<i32>} : memref<72x768xf32, #tpu.memory_space<vmem>>, vector<1x16xf32>,
        %get3A_556 = vector.shape_cast %get3A_555 : vector<1x16xf32> to vector<16xf32>
        %add3A_557 = arith.addf %add3A_551, %get3A_556 : vector<16xf32>
        %get3A_558 = arith.constant 41 : i32
        %get3A_559 = arith.index_cast %get3A_558 : i32 to index
        %get3A_560 = arith.index_cast %mul3A_294 : i32 to index
        %get3A_561 = tpu.vector_load %arg7[%get3A_559, %get3A_560] {strides = array<i32>} : memref<72x768xf32, #tpu.memory_space<vmem>>, vector<1x16xf32>,
        %get3A_562 = vector.shape_cast %get3A_561 : vector<1x16xf32> to vector<16xf32>
        %add3A_563 = arith.addf %add3A_557, %get3A_562 : vector<16xf32>
        %get3A_564 = arith.constant 42 : i32
        %get3A_565 = arith.index_cast %get3A_564 : i32 to index
        %get3A_566 = arith.index_cast %mul3A_294 : i32 to index
        %get3A_567 = tpu.vector_load %arg7[%get3A_565, %get3A_566] {strides = array<i32>} : memref<72x768xf32, #tpu.memory_space<vmem>>, vector<1x16xf32>,
        %get3A_568 = vector.shape_cast %get3A_567 : vector<1x16xf32> to vector<16xf32>
        %add3A_569 = arith.addf %add3A_563, %get3A_568 : vector<16xf32>
        %get3A_570 = arith.constant 43 : i32
        %get3A_571 = arith.index_cast %get3A_570 : i32 to index
        %get3A_572 = arith.index_cast %mul3A_294 : i32 to index
        %get3A_573 = tpu.vector_load %arg7[%get3A_571, %get3A_572] {strides = array<i32>} : memref<72x768xf32, #tpu.memory_space<vmem>>, vector<1x16xf32>,
        %get3A_574 = vector.shape_cast %get3A_573 : vector<1x16xf32> to vector<16xf32>
        %add3A_575 = arith.addf %add3A_569, %get3A_574 : vector<16xf32>
        %get3A_576 = arith.constant 44 : i32
        %get3A_577 = arith.index_cast %get3A_576 : i32 to index
        %get3A_578 = arith.index_cast %mul3A_294 : i32 to index
        %get3A_579 = tpu.vector_load %arg7[%get3A_577, %get3A_578] {strides = array<i32>} : memref<72x768xf32, #tpu.memory_space<vmem>>, vector<1x16xf32>,
        %get3A_580 = vector.shape_cast %get3A_579 : vector<1x16xf32> to vector<16xf32>
        %add3A_581 = arith.addf %add3A_575, %get3A_580 : vector<16xf32>
        %add3A_582 = arith.constant 3072 : i32
        %add3A_583 = arith.addi %add3A_582, %mul3A_294 : i32
        %swap3A_584 = arith.index_cast %add3A_583 : i32 to index
        %swap3A_585 = tpu.vector_load %arg9[%swap3A_584] {strides = array<i32>} : memref<6144xf32, #tpu.memory_space<vmem>>, vector<16xf32>,
        %swap3A_586 = vector.shape_cast %swap3A_585 : vector<16xf32> to vector<16xf32>
        %swap3A_587 = vector.shape_cast %add3A_581 : vector<16xf32> to vector<16xf32>
        tpu.vector_store %arg9[%swap3A_584], %swap3A_587 {strides = array<i32>} : memref<6144xf32, #tpu.memory_space<vmem>>, vector<16xf32>,
        %get3A_588 = arith.constant 45 : i32
        %get3A_589 = arith.index_cast %get3A_588 : i32 to index
        %get3A_590 = arith.index_cast %mul3A_294 : i32 to index
        %get3A_591 = tpu.vector_load %arg7[%get3A_589, %get3A_590] {strides = array<i32>} : memref<72x768xf32, #tpu.memory_space<vmem>>, vector<1x16xf32>,
        %get3A_592 = vector.shape_cast %get3A_591 : vector<1x16xf32> to vector<16xf32>
        %get3A_593 = arith.constant 46 : i32
        %get3A_594 = arith.index_cast %get3A_593 : i32 to index
        %get3A_595 = arith.index_cast %mul3A_294 : i32 to index
        %get3A_596 = tpu.vector_load %arg7[%get3A_594, %get3A_595] {strides = array<i32>} : memref<72x768xf32, #tpu.memory_space<vmem>>, vector<1x16xf32>,
        %get3A_597 = vector.shape_cast %get3A_596 : vector<1x16xf32> to vector<16xf32>
        %add3A_598 = arith.addf %get3A_592, %get3A_597 : vector<16xf32>
        %get3A_599 = arith.constant 47 : i32
        %get3A_600 = arith.index_cast %get3A_599 : i32 to index
        %get3A_601 = arith.index_cast %mul3A_294 : i32 to index
        %get3A_602 = tpu.vector_load %arg7[%get3A_600, %get3A_601] {strides = array<i32>} : memref<72x768xf32, #tpu.memory_space<vmem>>, vector<1x16xf32>,
        %get3A_603 = vector.shape_cast %get3A_602 : vector<1x16xf32> to vector<16xf32>
        %add3A_604 = arith.addf %add3A_598, %get3A_603 : vector<16xf32>
        %get3A_605 = arith.constant 48 : i32
        %get3A_606 = arith.index_cast %get3A_605 : i32 to index
        %get3A_607 = arith.index_cast %mul3A_294 : i32 to index
        %get3A_608 = tpu.vector_load %arg7[%get3A_606, %get3A_607] {strides = array<i32>} : memref<72x768xf32, #tpu.memory_space<vmem>>, vector<1x16xf32>,
        %get3A_609 = vector.shape_cast %get3A_608 : vector<1x16xf32> to vector<16xf32>
        %add3A_610 = arith.addf %add3A_604, %get3A_609 : vector<16xf32>
        %get3A_611 = arith.constant 49 : i32
        %get3A_612 = arith.index_cast %get3A_611 : i32 to index
        %get3A_613 = arith.index_cast %mul3A_294 : i32 to index
        %get3A_614 = tpu.vector_load %arg7[%get3A_612, %get3A_613] {strides = array<i32>} : memref<72x768xf32, #tpu.memory_space<vmem>>, vector<1x16xf32>,
        %get3A_615 = vector.shape_cast %get3A_614 : vector<1x16xf32> to vector<16xf32>
        %add3A_616 = arith.addf %add3A_610, %get3A_615 : vector<16xf32>
        %get3A_617 = arith.constant 50 : i32
        %get3A_618 = arith.index_cast %get3A_617 : i32 to index
        %get3A_619 = arith.index_cast %mul3A_294 : i32 to index
        %get3A_620 = tpu.vector_load %arg7[%get3A_618, %get3A_619] {strides = array<i32>} : memref<72x768xf32, #tpu.memory_space<vmem>>, vector<1x16xf32>,
        %get3A_621 = vector.shape_cast %get3A_620 : vector<1x16xf32> to vector<16xf32>
        %add3A_622 = arith.addf %add3A_616, %get3A_621 : vector<16xf32>
        %get3A_623 = arith.constant 51 : i32
        %get3A_624 = arith.index_cast %get3A_623 : i32 to index
        %get3A_625 = arith.index_cast %mul3A_294 : i32 to index
        %get3A_626 = tpu.vector_load %arg7[%get3A_624, %get3A_625] {strides = array<i32>} : memref<72x768xf32, #tpu.memory_space<vmem>>, vector<1x16xf32>,
        %get3A_627 = vector.shape_cast %get3A_626 : vector<1x16xf32> to vector<16xf32>
        %add3A_628 = arith.addf %add3A_622, %get3A_627 : vector<16xf32>
        %get3A_629 = arith.constant 52 : i32
        %get3A_630 = arith.index_cast %get3A_629 : i32 to index
        %get3A_631 = arith.index_cast %mul3A_294 : i32 to index
        %get3A_632 = tpu.vector_load %arg7[%get3A_630, %get3A_631] {strides = array<i32>} : memref<72x768xf32, #tpu.memory_space<vmem>>, vector<1x16xf32>,
        %get3A_633 = vector.shape_cast %get3A_632 : vector<1x16xf32> to vector<16xf32>
        %add3A_634 = arith.addf %add3A_628, %get3A_633 : vector<16xf32>
        %get3A_635 = arith.constant 53 : i32
        %get3A_636 = arith.index_cast %get3A_635 : i32 to index
        %get3A_637 = arith.index_cast %mul3A_294 : i32 to index
        %get3A_638 = tpu.vector_load %arg7[%get3A_636, %get3A_637] {strides = array<i32>} : memref<72x768xf32, #tpu.memory_space<vmem>>, vector<1x16xf32>,
        %get3A_639 = vector.shape_cast %get3A_638 : vector<1x16xf32> to vector<16xf32>
        %add3A_640 = arith.addf %add3A_634, %get3A_639 : vector<16xf32>
        %add3A_641 = arith.constant 3840 : i32
        %add3A_642 = arith.addi %add3A_641, %mul3A_294 : i32
        %swap3A_643 = arith.index_cast %add3A_642 : i32 to index
        %swap3A_644 = tpu.vector_load %arg9[%swap3A_643] {strides = array<i32>} : memref<6144xf32, #tpu.memory_space<vmem>>, vector<16xf32>,
        %swap3A_645 = vector.shape_cast %swap3A_644 : vector<16xf32> to vector<16xf32>
        %swap3A_646 = vector.shape_cast %add3A_640 : vector<16xf32> to vector<16xf32>
        tpu.vector_store %arg9[%swap3A_643], %swap3A_646 {strides = array<i32>} : memref<6144xf32, #tpu.memory_space<vmem>>, vector<16xf32>,
        %get3A_647 = arith.constant 54 : i32
        %get3A_648 = arith.index_cast %get3A_647 : i32 to index
        %get3A_649 = arith.index_cast %mul3A_294 : i32 to index
        %get3A_650 = tpu.vector_load %arg7[%get3A_648, %get3A_649] {strides = array<i32>} : memref<72x768xf32, #tpu.memory_space<vmem>>, vector<1x16xf32>,
        %get3A_651 = vector.shape_cast %get3A_650 : vector<1x16xf32> to vector<16xf32>
        %get3A_652 = arith.constant 55 : i32
        %get3A_653 = arith.index_cast %get3A_652 : i32 to index
        %get3A_654 = arith.index_cast %mul3A_294 : i32 to index
        %get3A_655 = tpu.vector_load %arg7[%get3A_653, %get3A_654] {strides = array<i32>} : memref<72x768xf32, #tpu.memory_space<vmem>>, vector<1x16xf32>,
        %get3A_656 = vector.shape_cast %get3A_655 : vector<1x16xf32> to vector<16xf32>
        %add3A_657 = arith.addf %get3A_651, %get3A_656 : vector<16xf32>
        %get3A_658 = arith.constant 56 : i32
        %get3A_659 = arith.index_cast %get3A_658 : i32 to index
        %get3A_660 = arith.index_cast %mul3A_294 : i32 to index
        %get3A_661 = tpu.vector_load %arg7[%get3A_659, %get3A_660] {strides = array<i32>} : memref<72x768xf32, #tpu.memory_space<vmem>>, vector<1x16xf32>,
        %get3A_662 = vector.shape_cast %get3A_661 : vector<1x16xf32> to vector<16xf32>
        %add3A_663 = arith.addf %add3A_657, %get3A_662 : vector<16xf32>
        %get3A_664 = arith.constant 57 : i32
        %get3A_665 = arith.index_cast %get3A_664 : i32 to index
        %get3A_666 = arith.index_cast %mul3A_294 : i32 to index
        %get3A_667 = tpu.vector_load %arg7[%get3A_665, %get3A_666] {strides = array<i32>} : memref<72x768xf32, #tpu.memory_space<vmem>>, vector<1x16xf32>,
        %get3A_668 = vector.shape_cast %get3A_667 : vector<1x16xf32> to vector<16xf32>
        %add3A_669 = arith.addf %add3A_663, %get3A_668 : vector<16xf32>
        %get3A_670 = arith.constant 58 : i32
        %get3A_671 = arith.index_cast %get3A_670 : i32 to index
        %get3A_672 = arith.index_cast %mul3A_294 : i32 to index
        %get3A_673 = tpu.vector_load %arg7[%get3A_671, %get3A_672] {strides = array<i32>} : memref<72x768xf32, #tpu.memory_space<vmem>>, vector<1x16xf32>,
        %get3A_674 = vector.shape_cast %get3A_673 : vector<1x16xf32> to vector<16xf32>
        %add3A_675 = arith.addf %add3A_669, %get3A_674 : vector<16xf32>
        %get3A_676 = arith.constant 59 : i32
        %get3A_677 = arith.index_cast %get3A_676 : i32 to index
        %get3A_678 = arith.index_cast %mul3A_294 : i32 to index
        %get3A_679 = tpu.vector_load %arg7[%get3A_677, %get3A_678] {strides = array<i32>} : memref<72x768xf32, #tpu.memory_space<vmem>>, vector<1x16xf32>,
        %get3A_680 = vector.shape_cast %get3A_679 : vector<1x16xf32> to vector<16xf32>
        %add3A_681 = arith.addf %add3A_675, %get3A_680 : vector<16xf32>
        %get3A_682 = arith.constant 60 : i32
        %get3A_683 = arith.index_cast %get3A_682 : i32 to index
        %get3A_684 = arith.index_cast %mul3A_294 : i32 to index
        %get3A_685 = tpu.vector_load %arg7[%get3A_683, %get3A_684] {strides = array<i32>} : memref<72x768xf32, #tpu.memory_space<vmem>>, vector<1x16xf32>,
        %get3A_686 = vector.shape_cast %get3A_685 : vector<1x16xf32> to vector<16xf32>
        %add3A_687 = arith.addf %add3A_681, %get3A_686 : vector<16xf32>
        %get3A_688 = arith.constant 61 : i32
        %get3A_689 = arith.index_cast %get3A_688 : i32 to index
        %get3A_690 = arith.index_cast %mul3A_294 : i32 to index
        %get3A_691 = tpu.vector_load %arg7[%get3A_689, %get3A_690] {strides = array<i32>} : memref<72x768xf32, #tpu.memory_space<vmem>>, vector<1x16xf32>,
        %get3A_692 = vector.shape_cast %get3A_691 : vector<1x16xf32> to vector<16xf32>
        %add3A_693 = arith.addf %add3A_687, %get3A_692 : vector<16xf32>
        %get3A_694 = arith.constant 62 : i32
        %get3A_695 = arith.index_cast %get3A_694 : i32 to index
        %get3A_696 = arith.index_cast %mul3A_294 : i32 to index
        %get3A_697 = tpu.vector_load %arg7[%get3A_695, %get3A_696] {strides = array<i32>} : memref<72x768xf32, #tpu.memory_space<vmem>>, vector<1x16xf32>,
        %get3A_698 = vector.shape_cast %get3A_697 : vector<1x16xf32> to vector<16xf32>
        %add3A_699 = arith.addf %add3A_693, %get3A_698 : vector<16xf32>
        %add3A_700 = arith.constant 4608 : i32
        %add3A_701 = arith.addi %add3A_700, %mul3A_294 : i32
        %swap3A_702 = arith.index_cast %add3A_701 : i32 to index
        %swap3A_703 = tpu.vector_load %arg9[%swap3A_702] {strides = array<i32>} : memref<6144xf32, #tpu.memory_space<vmem>>, vector<16xf32>,
        %swap3A_704 = vector.shape_cast %swap3A_703 : vector<16xf32> to vector<16xf32>
        %swap3A_705 = vector.shape_cast %add3A_699 : vector<16xf32> to vector<16xf32>
        tpu.vector_store %arg9[%swap3A_702], %swap3A_705 {strides = array<i32>} : memref<6144xf32, #tpu.memory_space<vmem>>, vector<16xf32>,
        %get3A_706 = arith.constant 63 : i32
        %get3A_707 = arith.index_cast %get3A_706 : i32 to index
        %get3A_708 = arith.index_cast %mul3A_294 : i32 to index
        %get3A_709 = tpu.vector_load %arg7[%get3A_707, %get3A_708] {strides = array<i32>} : memref<72x768xf32, #tpu.memory_space<vmem>>, vector<1x16xf32>,
        %get3A_710 = vector.shape_cast %get3A_709 : vector<1x16xf32> to vector<16xf32>
        %get3A_711 = arith.constant 64 : i32
        %get3A_712 = arith.index_cast %get3A_711 : i32 to index
        %get3A_713 = arith.index_cast %mul3A_294 : i32 to index
        %get3A_714 = tpu.vector_load %arg7[%get3A_712, %get3A_713] {strides = array<i32>} : memref<72x768xf32, #tpu.memory_space<vmem>>, vector<1x16xf32>,
        %get3A_715 = vector.shape_cast %get3A_714 : vector<1x16xf32> to vector<16xf32>
        %add3A_716 = arith.addf %get3A_710, %get3A_715 : vector<16xf32>
        %get3A_717 = arith.constant 65 : i32
        %get3A_718 = arith.index_cast %get3A_717 : i32 to index
        %get3A_719 = arith.index_cast %mul3A_294 : i32 to index
        %get3A_720 = tpu.vector_load %arg7[%get3A_718, %get3A_719] {strides = array<i32>} : memref<72x768xf32, #tpu.memory_space<vmem>>, vector<1x16xf32>,
        %get3A_721 = vector.shape_cast %get3A_720 : vector<1x16xf32> to vector<16xf32>
        %add3A_722 = arith.addf %add3A_716, %get3A_721 : vector<16xf32>
        %get3A_723 = arith.constant 66 : i32
        %get3A_724 = arith.index_cast %get3A_723 : i32 to index
        %get3A_725 = arith.index_cast %mul3A_294 : i32 to index
        %get3A_726 = tpu.vector_load %arg7[%get3A_724, %get3A_725] {strides = array<i32>} : memref<72x768xf32, #tpu.memory_space<vmem>>, vector<1x16xf32>,
        %get3A_727 = vector.shape_cast %get3A_726 : vector<1x16xf32> to vector<16xf32>
        %add3A_728 = arith.addf %add3A_722, %get3A_727 : vector<16xf32>
        %get3A_729 = arith.constant 67 : i32
        %get3A_730 = arith.index_cast %get3A_729 : i32 to index
        %get3A_731 = arith.index_cast %mul3A_294 : i32 to index
        %get3A_732 = tpu.vector_load %arg7[%get3A_730, %get3A_731] {strides = array<i32>} : memref<72x768xf32, #tpu.memory_space<vmem>>, vector<1x16xf32>,
        %get3A_733 = vector.shape_cast %get3A_732 : vector<1x16xf32> to vector<16xf32>
        %add3A_734 = arith.addf %add3A_728, %get3A_733 : vector<16xf32>
        %get3A_735 = arith.constant 68 : i32
        %get3A_736 = arith.index_cast %get3A_735 : i32 to index
        %get3A_737 = arith.index_cast %mul3A_294 : i32 to index
        %get3A_738 = tpu.vector_load %arg7[%get3A_736, %get3A_737] {strides = array<i32>} : memref<72x768xf32, #tpu.memory_space<vmem>>, vector<1x16xf32>,
        %get3A_739 = vector.shape_cast %get3A_738 : vector<1x16xf32> to vector<16xf32>
        %add3A_740 = arith.addf %add3A_734, %get3A_739 : vector<16xf32>
        %get3A_741 = arith.constant 69 : i32
        %get3A_742 = arith.index_cast %get3A_741 : i32 to index
        %get3A_743 = arith.index_cast %mul3A_294 : i32 to index
        %get3A_744 = tpu.vector_load %arg7[%get3A_742, %get3A_743] {strides = array<i32>} : memref<72x768xf32, #tpu.memory_space<vmem>>, vector<1x16xf32>,
        %get3A_745 = vector.shape_cast %get3A_744 : vector<1x16xf32> to vector<16xf32>
        %add3A_746 = arith.addf %add3A_740, %get3A_745 : vector<16xf32>
        %get3A_747 = arith.constant 70 : i32
        %get3A_748 = arith.index_cast %get3A_747 : i32 to index
        %get3A_749 = arith.index_cast %mul3A_294 : i32 to index
        %get3A_750 = tpu.vector_load %arg7[%get3A_748, %get3A_749] {strides = array<i32>} : memref<72x768xf32, #tpu.memory_space<vmem>>, vector<1x16xf32>,
        %get3A_751 = vector.shape_cast %get3A_750 : vector<1x16xf32> to vector<16xf32>
        %add3A_752 = arith.addf %add3A_746, %get3A_751 : vector<16xf32>
        %get3A_753 = arith.constant 71 : i32
        %get3A_754 = arith.index_cast %get3A_753 : i32 to index
        %get3A_755 = arith.index_cast %mul3A_294 : i32 to index
        %get3A_756 = tpu.vector_load %arg7[%get3A_754, %get3A_755] {strides = array<i32>} : memref<72x768xf32, #tpu.memory_space<vmem>>, vector<1x16xf32>,
        %get3A_757 = vector.shape_cast %get3A_756 : vector<1x16xf32> to vector<16xf32>
        %add3A_758 = arith.addf %add3A_752, %get3A_757 : vector<16xf32>
        %add3A_759 = arith.constant 5376 : i32
        %add3A_760 = arith.addi %add3A_759, %mul3A_294 : i32
        %swap3A_761 = arith.index_cast %add3A_760 : i32 to index
        %swap3A_762 = tpu.vector_load %arg9[%swap3A_761] {strides = array<i32>} : memref<6144xf32, #tpu.memory_space<vmem>>, vector<16xf32>,
        %swap3A_763 = vector.shape_cast %swap3A_762 : vector<16xf32> to vector<16xf32>
        %swap3A_764 = vector.shape_cast %add3A_758 : vector<16xf32> to vector<16xf32>
        tpu.vector_store %arg9[%swap3A_761], %swap3A_764 {strides = array<i32>} : memref<6144xf32, #tpu.memory_space<vmem>>, vector<16xf32>,
        %mul3A_765 = arith.constant 2 : i32
        %mul3A_766 = arith.muli %mul3A_765, %scan3A_288 : i32
        %add3A_767 = arith.constant 1 : i32
        %add3A_768 = arith.addi %mul3A_766, %add3A_767 : i32
        %mul3A_769 = arith.constant 16 : i32
        %mul3A_770 = arith.muli %add3A_768, %mul3A_769 : i32
        %get3A_771 = arith.constant 0 : i32
        %get3A_772 = arith.index_cast %get3A_771 : i32 to index
        %get3A_773 = arith.index_cast %mul3A_770 : i32 to index
        %get3A_774 = tpu.vector_load %arg7[%get3A_772, %get3A_773] {strides = array<i32>} : memref<72x768xf32, #tpu.memory_space<vmem>>, vector<1x16xf32>,
        %get3A_775 = vector.shape_cast %get3A_774 : vector<1x16xf32> to vector<16xf32>
        %get3A_776 = arith.constant 1 : i32
        %get3A_777 = arith.index_cast %get3A_776 : i32 to index
        %get3A_778 = arith.index_cast %mul3A_770 : i32 to index
        %get3A_779 = tpu.vector_load %arg7[%get3A_777, %get3A_778] {strides = array<i32>} : memref<72x768xf32, #tpu.memory_space<vmem>>, vector<1x16xf32>,
        %get3A_780 = vector.shape_cast %get3A_779 : vector<1x16xf32> to vector<16xf32>
        %add3A_781 = arith.addf %get3A_775, %get3A_780 : vector<16xf32>
        %get3A_782 = arith.constant 2 : i32
        %get3A_783 = arith.index_cast %get3A_782 : i32 to index
        %get3A_784 = arith.index_cast %mul3A_770 : i32 to index
        %get3A_785 = tpu.vector_load %arg7[%get3A_783, %get3A_784] {strides = array<i32>} : memref<72x768xf32, #tpu.memory_space<vmem>>, vector<1x16xf32>,
        %get3A_786 = vector.shape_cast %get3A_785 : vector<1x16xf32> to vector<16xf32>
        %add3A_787 = arith.addf %add3A_781, %get3A_786 : vector<16xf32>
        %get3A_788 = arith.constant 3 : i32
        %get3A_789 = arith.index_cast %get3A_788 : i32 to index
        %get3A_790 = arith.index_cast %mul3A_770 : i32 to index
        %get3A_791 = tpu.vector_load %arg7[%get3A_789, %get3A_790] {strides = array<i32>} : memref<72x768xf32, #tpu.memory_space<vmem>>, vector<1x16xf32>,
        %get3A_792 = vector.shape_cast %get3A_791 : vector<1x16xf32> to vector<16xf32>
        %add3A_793 = arith.addf %add3A_787, %get3A_792 : vector<16xf32>
        %get3A_794 = arith.constant 4 : i32
        %get3A_795 = arith.index_cast %get3A_794 : i32 to index
        %get3A_796 = arith.index_cast %mul3A_770 : i32 to index
        %get3A_797 = tpu.vector_load %arg7[%get3A_795, %get3A_796] {strides = array<i32>} : memref<72x768xf32, #tpu.memory_space<vmem>>, vector<1x16xf32>,
        %get3A_798 = vector.shape_cast %get3A_797 : vector<1x16xf32> to vector<16xf32>
        %add3A_799 = arith.addf %add3A_793, %get3A_798 : vector<16xf32>
        %get3A_800 = arith.constant 5 : i32
        %get3A_801 = arith.index_cast %get3A_800 : i32 to index
        %get3A_802 = arith.index_cast %mul3A_770 : i32 to index
        %get3A_803 = tpu.vector_load %arg7[%get3A_801, %get3A_802] {strides = array<i32>} : memref<72x768xf32, #tpu.memory_space<vmem>>, vector<1x16xf32>,
        %get3A_804 = vector.shape_cast %get3A_803 : vector<1x16xf32> to vector<16xf32>
        %add3A_805 = arith.addf %add3A_799, %get3A_804 : vector<16xf32>
        %get3A_806 = arith.constant 6 : i32
        %get3A_807 = arith.index_cast %get3A_806 : i32 to index
        %get3A_808 = arith.index_cast %mul3A_770 : i32 to index
        %get3A_809 = tpu.vector_load %arg7[%get3A_807, %get3A_808] {strides = array<i32>} : memref<72x768xf32, #tpu.memory_space<vmem>>, vector<1x16xf32>,
        %get3A_810 = vector.shape_cast %get3A_809 : vector<1x16xf32> to vector<16xf32>
        %add3A_811 = arith.addf %add3A_805, %get3A_810 : vector<16xf32>
        %get3A_812 = arith.constant 7 : i32
        %get3A_813 = arith.index_cast %get3A_812 : i32 to index
        %get3A_814 = arith.index_cast %mul3A_770 : i32 to index
        %get3A_815 = tpu.vector_load %arg7[%get3A_813, %get3A_814] {strides = array<i32>} : memref<72x768xf32, #tpu.memory_space<vmem>>, vector<1x16xf32>,
        %get3A_816 = vector.shape_cast %get3A_815 : vector<1x16xf32> to vector<16xf32>
        %add3A_817 = arith.addf %add3A_811, %get3A_816 : vector<16xf32>
        %get3A_818 = arith.constant 8 : i32
        %get3A_819 = arith.index_cast %get3A_818 : i32 to index
        %get3A_820 = arith.index_cast %mul3A_770 : i32 to index
        %get3A_821 = tpu.vector_load %arg7[%get3A_819, %get3A_820] {strides = array<i32>} : memref<72x768xf32, #tpu.memory_space<vmem>>, vector<1x16xf32>,
        %get3A_822 = vector.shape_cast %get3A_821 : vector<1x16xf32> to vector<16xf32>
        %add3A_823 = arith.addf %add3A_817, %get3A_822 : vector<16xf32>
        %add3A_824 = arith.constant 0 : i32
        %add3A_825 = arith.addi %add3A_824, %mul3A_770 : i32
        %swap3A_826 = arith.index_cast %add3A_825 : i32 to index
        %swap3A_827 = tpu.vector_load %arg9[%swap3A_826] {strides = array<i32>} : memref<6144xf32, #tpu.memory_space<vmem>>, vector<16xf32>,
        %swap3A_828 = vector.shape_cast %swap3A_827 : vector<16xf32> to vector<16xf32>
        %swap3A_829 = vector.shape_cast %add3A_823 : vector<16xf32> to vector<16xf32>
        tpu.vector_store %arg9[%swap3A_826], %swap3A_829 {strides = array<i32>} : memref<6144xf32, #tpu.memory_space<vmem>>, vector<16xf32>,
        %get3A_830 = arith.constant 9 : i32
        %get3A_831 = arith.index_cast %get3A_830 : i32 to index
        %get3A_832 = arith.index_cast %mul3A_770 : i32 to index
        %get3A_833 = tpu.vector_load %arg7[%get3A_831, %get3A_832] {strides = array<i32>} : memref<72x768xf32, #tpu.memory_space<vmem>>, vector<1x16xf32>,
        %get3A_834 = vector.shape_cast %get3A_833 : vector<1x16xf32> to vector<16xf32>
        %get3A_835 = arith.constant 10 : i32
        %get3A_836 = arith.index_cast %get3A_835 : i32 to index
        %get3A_837 = arith.index_cast %mul3A_770 : i32 to index
        %get3A_838 = tpu.vector_load %arg7[%get3A_836, %get3A_837] {strides = array<i32>} : memref<72x768xf32, #tpu.memory_space<vmem>>, vector<1x16xf32>,
        %get3A_839 = vector.shape_cast %get3A_838 : vector<1x16xf32> to vector<16xf32>
        %add3A_840 = arith.addf %get3A_834, %get3A_839 : vector<16xf32>
        %get3A_841 = arith.constant 11 : i32
        %get3A_842 = arith.index_cast %get3A_841 : i32 to index
        %get3A_843 = arith.index_cast %mul3A_770 : i32 to index
        %get3A_844 = tpu.vector_load %arg7[%get3A_842, %get3A_843] {strides = array<i32>} : memref<72x768xf32, #tpu.memory_space<vmem>>, vector<1x16xf32>,
        %get3A_845 = vector.shape_cast %get3A_844 : vector<1x16xf32> to vector<16xf32>
        %add3A_846 = arith.addf %add3A_840, %get3A_845 : vector<16xf32>
        %get3A_847 = arith.constant 12 : i32
        %get3A_848 = arith.index_cast %get3A_847 : i32 to index
        %get3A_849 = arith.index_cast %mul3A_770 : i32 to index
        %get3A_850 = tpu.vector_load %arg7[%get3A_848, %get3A_849] {strides = array<i32>} : memref<72x768xf32, #tpu.memory_space<vmem>>, vector<1x16xf32>,
        %get3A_851 = vector.shape_cast %get3A_850 : vector<1x16xf32> to vector<16xf32>
        %add3A_852 = arith.addf %add3A_846, %get3A_851 : vector<16xf32>
        %get3A_853 = arith.constant 13 : i32
        %get3A_854 = arith.index_cast %get3A_853 : i32 to index
        %get3A_855 = arith.index_cast %mul3A_770 : i32 to index
        %get3A_856 = tpu.vector_load %arg7[%get3A_854, %get3A_855] {strides = array<i32>} : memref<72x768xf32, #tpu.memory_space<vmem>>, vector<1x16xf32>,
        %get3A_857 = vector.shape_cast %get3A_856 : vector<1x16xf32> to vector<16xf32>
        %add3A_858 = arith.addf %add3A_852, %get3A_857 : vector<16xf32>
        %get3A_859 = arith.constant 14 : i32
        %get3A_860 = arith.index_cast %get3A_859 : i32 to index
        %get3A_861 = arith.index_cast %mul3A_770 : i32 to index
        %get3A_862 = tpu.vector_load %arg7[%get3A_860, %get3A_861] {strides = array<i32>} : memref<72x768xf32, #tpu.memory_space<vmem>>, vector<1x16xf32>,
        %get3A_863 = vector.shape_cast %get3A_862 : vector<1x16xf32> to vector<16xf32>
        %add3A_864 = arith.addf %add3A_858, %get3A_863 : vector<16xf32>
        %get3A_865 = arith.constant 15 : i32
        %get3A_866 = arith.index_cast %get3A_865 : i32 to index
        %get3A_867 = arith.index_cast %mul3A_770 : i32 to index
        %get3A_868 = tpu.vector_load %arg7[%get3A_866, %get3A_867] {strides = array<i32>} : memref<72x768xf32, #tpu.memory_space<vmem>>, vector<1x16xf32>,
        %get3A_869 = vector.shape_cast %get3A_868 : vector<1x16xf32> to vector<16xf32>
        %add3A_870 = arith.addf %add3A_864, %get3A_869 : vector<16xf32>
        %get3A_871 = arith.constant 16 : i32
        %get3A_872 = arith.index_cast %get3A_871 : i32 to index
        %get3A_873 = arith.index_cast %mul3A_770 : i32 to index
        %get3A_874 = tpu.vector_load %arg7[%get3A_872, %get3A_873] {strides = array<i32>} : memref<72x768xf32, #tpu.memory_space<vmem>>, vector<1x16xf32>,
        %get3A_875 = vector.shape_cast %get3A_874 : vector<1x16xf32> to vector<16xf32>
        %add3A_876 = arith.addf %add3A_870, %get3A_875 : vector<16xf32>
        %get3A_877 = arith.constant 17 : i32
        %get3A_878 = arith.index_cast %get3A_877 : i32 to index
        %get3A_879 = arith.index_cast %mul3A_770 : i32 to index
        %get3A_880 = tpu.vector_load %arg7[%get3A_878, %get3A_879] {strides = array<i32>} : memref<72x768xf32, #tpu.memory_space<vmem>>, vector<1x16xf32>,
        %get3A_881 = vector.shape_cast %get3A_880 : vector<1x16xf32> to vector<16xf32>
        %add3A_882 = arith.addf %add3A_876, %get3A_881 : vector<16xf32>
        %add3A_883 = arith.constant 768 : i32
        %add3A_884 = arith.addi %add3A_883, %mul3A_770 : i32
        %swap3A_885 = arith.index_cast %add3A_884 : i32 to index
        %swap3A_886 = tpu.vector_load %arg9[%swap3A_885] {strides = array<i32>} : memref<6144xf32, #tpu.memory_space<vmem>>, vector<16xf32>,
        %swap3A_887 = vector.shape_cast %swap3A_886 : vector<16xf32> to vector<16xf32>
        %swap3A_888 = vector.shape_cast %add3A_882 : vector<16xf32> to vector<16xf32>
        tpu.vector_store %arg9[%swap3A_885], %swap3A_888 {strides = array<i32>} : memref<6144xf32, #tpu.memory_space<vmem>>, vector<16xf32>,
        %get3A_889 = arith.constant 18 : i32
        %get3A_890 = arith.index_cast %get3A_889 : i32 to index
        %get3A_891 = arith.index_cast %mul3A_770 : i32 to index
        %get3A_892 = tpu.vector_load %arg7[%get3A_890, %get3A_891] {strides = array<i32>} : memref<72x768xf32, #tpu.memory_space<vmem>>, vector<1x16xf32>,
        %get3A_893 = vector.shape_cast %get3A_892 : vector<1x16xf32> to vector<16xf32>
        %get3A_894 = arith.constant 19 : i32
        %get3A_895 = arith.index_cast %get3A_894 : i32 to index
        %get3A_896 = arith.index_cast %mul3A_770 : i32 to index
        %get3A_897 = tpu.vector_load %arg7[%get3A_895, %get3A_896] {strides = array<i32>} : memref<72x768xf32, #tpu.memory_space<vmem>>, vector<1x16xf32>,
        %get3A_898 = vector.shape_cast %get3A_897 : vector<1x16xf32> to vector<16xf32>
        %add3A_899 = arith.addf %get3A_893, %get3A_898 : vector<16xf32>
        %get3A_900 = arith.constant 20 : i32
        %get3A_901 = arith.index_cast %get3A_900 : i32 to index
        %get3A_902 = arith.index_cast %mul3A_770 : i32 to index
        %get3A_903 = tpu.vector_load %arg7[%get3A_901, %get3A_902] {strides = array<i32>} : memref<72x768xf32, #tpu.memory_space<vmem>>, vector<1x16xf32>,
        %get3A_904 = vector.shape_cast %get3A_903 : vector<1x16xf32> to vector<16xf32>
        %add3A_905 = arith.addf %add3A_899, %get3A_904 : vector<16xf32>
        %get3A_906 = arith.constant 21 : i32
        %get3A_907 = arith.index_cast %get3A_906 : i32 to index
        %get3A_908 = arith.index_cast %mul3A_770 : i32 to index
        %get3A_909 = tpu.vector_load %arg7[%get3A_907, %get3A_908] {strides = array<i32>} : memref<72x768xf32, #tpu.memory_space<vmem>>, vector<1x16xf32>,
        %get3A_910 = vector.shape_cast %get3A_909 : vector<1x16xf32> to vector<16xf32>
        %add3A_911 = arith.addf %add3A_905, %get3A_910 : vector<16xf32>
        %get3A_912 = arith.constant 22 : i32
        %get3A_913 = arith.index_cast %get3A_912 : i32 to index
        %get3A_914 = arith.index_cast %mul3A_770 : i32 to index
        %get3A_915 = tpu.vector_load %arg7[%get3A_913, %get3A_914] {strides = array<i32>} : memref<72x768xf32, #tpu.memory_space<vmem>>, vector<1x16xf32>,
        %get3A_916 = vector.shape_cast %get3A_915 : vector<1x16xf32> to vector<16xf32>
        %add3A_917 = arith.addf %add3A_911, %get3A_916 : vector<16xf32>
        %get3A_918 = arith.constant 23 : i32
        %get3A_919 = arith.index_cast %get3A_918 : i32 to index
        %get3A_920 = arith.index_cast %mul3A_770 : i32 to index
        %get3A_921 = tpu.vector_load %arg7[%get3A_919, %get3A_920] {strides = array<i32>} : memref<72x768xf32, #tpu.memory_space<vmem>>, vector<1x16xf32>,
        %get3A_922 = vector.shape_cast %get3A_921 : vector<1x16xf32> to vector<16xf32>
        %add3A_923 = arith.addf %add3A_917, %get3A_922 : vector<16xf32>
        %get3A_924 = arith.constant 24 : i32
        %get3A_925 = arith.index_cast %get3A_924 : i32 to index
        %get3A_926 = arith.index_cast %mul3A_770 : i32 to index
        %get3A_927 = tpu.vector_load %arg7[%get3A_925, %get3A_926] {strides = array<i32>} : memref<72x768xf32, #tpu.memory_space<vmem>>, vector<1x16xf32>,
        %get3A_928 = vector.shape_cast %get3A_927 : vector<1x16xf32> to vector<16xf32>
        %add3A_929 = arith.addf %add3A_923, %get3A_928 : vector<16xf32>
        %get3A_930 = arith.constant 25 : i32
        %get3A_931 = arith.index_cast %get3A_930 : i32 to index
        %get3A_932 = arith.index_cast %mul3A_770 : i32 to index
        %get3A_933 = tpu.vector_load %arg7[%get3A_931, %get3A_932] {strides = array<i32>} : memref<72x768xf32, #tpu.memory_space<vmem>>, vector<1x16xf32>,
        %get3A_934 = vector.shape_cast %get3A_933 : vector<1x16xf32> to vector<16xf32>
        %add3A_935 = arith.addf %add3A_929, %get3A_934 : vector<16xf32>
        %get3A_936 = arith.constant 26 : i32
        %get3A_937 = arith.index_cast %get3A_936 : i32 to index
        %get3A_938 = arith.index_cast %mul3A_770 : i32 to index
        %get3A_939 = tpu.vector_load %arg7[%get3A_937, %get3A_938] {strides = array<i32>} : memref<72x768xf32, #tpu.memory_space<vmem>>, vector<1x16xf32>,
        %get3A_940 = vector.shape_cast %get3A_939 : vector<1x16xf32> to vector<16xf32>
        %add3A_941 = arith.addf %add3A_935, %get3A_940 : vector<16xf32>
        %add3A_942 = arith.constant 1536 : i32
        %add3A_943 = arith.addi %add3A_942, %mul3A_770 : i32
        %swap3A_944 = arith.index_cast %add3A_943 : i32 to index
        %swap3A_945 = tpu.vector_load %arg9[%swap3A_944] {strides = array<i32>} : memref<6144xf32, #tpu.memory_space<vmem>>, vector<16xf32>,
        %swap3A_946 = vector.shape_cast %swap3A_945 : vector<16xf32> to vector<16xf32>
        %swap3A_947 = vector.shape_cast %add3A_941 : vector<16xf32> to vector<16xf32>
        tpu.vector_store %arg9[%swap3A_944], %swap3A_947 {strides = array<i32>} : memref<6144xf32, #tpu.memory_space<vmem>>, vector<16xf32>,
        %get3A_948 = arith.constant 27 : i32
        %get3A_949 = arith.index_cast %get3A_948 : i32 to index
        %get3A_950 = arith.index_cast %mul3A_770 : i32 to index
        %get3A_951 = tpu.vector_load %arg7[%get3A_949, %get3A_950] {strides = array<i32>} : memref<72x768xf32, #tpu.memory_space<vmem>>, vector<1x16xf32>,
        %get3A_952 = vector.shape_cast %get3A_951 : vector<1x16xf32> to vector<16xf32>
        %get3A_953 = arith.constant 28 : i32
        %get3A_954 = arith.index_cast %get3A_953 : i32 to index
        %get3A_955 = arith.index_cast %mul3A_770 : i32 to index
        %get3A_956 = tpu.vector_load %arg7[%get3A_954, %get3A_955] {strides = array<i32>} : memref<72x768xf32, #tpu.memory_space<vmem>>, vector<1x16xf32>,
        %get3A_957 = vector.shape_cast %get3A_956 : vector<1x16xf32> to vector<16xf32>
        %add3A_958 = arith.addf %get3A_952, %get3A_957 : vector<16xf32>
        %get3A_959 = arith.constant 29 : i32
        %get3A_960 = arith.index_cast %get3A_959 : i32 to index
        %get3A_961 = arith.index_cast %mul3A_770 : i32 to index
        %get3A_962 = tpu.vector_load %arg7[%get3A_960, %get3A_961] {strides = array<i32>} : memref<72x768xf32, #tpu.memory_space<vmem>>, vector<1x16xf32>,
        %get3A_963 = vector.shape_cast %get3A_962 : vector<1x16xf32> to vector<16xf32>
        %add3A_964 = arith.addf %add3A_958, %get3A_963 : vector<16xf32>
        %get3A_965 = arith.constant 30 : i32
        %get3A_966 = arith.index_cast %get3A_965 : i32 to index
        %get3A_967 = arith.index_cast %mul3A_770 : i32 to index
        %get3A_968 = tpu.vector_load %arg7[%get3A_966, %get3A_967] {strides = array<i32>} : memref<72x768xf32, #tpu.memory_space<vmem>>, vector<1x16xf32>,
        %get3A_969 = vector.shape_cast %get3A_968 : vector<1x16xf32> to vector<16xf32>
        %add3A_970 = arith.addf %add3A_964, %get3A_969 : vector<16xf32>
        %get3A_971 = arith.constant 31 : i32
        %get3A_972 = arith.index_cast %get3A_971 : i32 to index
        %get3A_973 = arith.index_cast %mul3A_770 : i32 to index
        %get3A_974 = tpu.vector_load %arg7[%get3A_972, %get3A_973] {strides = array<i32>} : memref<72x768xf32, #tpu.memory_space<vmem>>, vector<1x16xf32>,
        %get3A_975 = vector.shape_cast %get3A_974 : vector<1x16xf32> to vector<16xf32>
        %add3A_976 = arith.addf %add3A_970, %get3A_975 : vector<16xf32>
        %get3A_977 = arith.constant 32 : i32
        %get3A_978 = arith.index_cast %get3A_977 : i32 to index
        %get3A_979 = arith.index_cast %mul3A_770 : i32 to index
        %get3A_980 = tpu.vector_load %arg7[%get3A_978, %get3A_979] {strides = array<i32>} : memref<72x768xf32, #tpu.memory_space<vmem>>, vector<1x16xf32>,
        %get3A_981 = vector.shape_cast %get3A_980 : vector<1x16xf32> to vector<16xf32>
        %add3A_982 = arith.addf %add3A_976, %get3A_981 : vector<16xf32>
        %get3A_983 = arith.constant 33 : i32
        %get3A_984 = arith.index_cast %get3A_983 : i32 to index
        %get3A_985 = arith.index_cast %mul3A_770 : i32 to index
        %get3A_986 = tpu.vector_load %arg7[%get3A_984, %get3A_985] {strides = array<i32>} : memref<72x768xf32, #tpu.memory_space<vmem>>, vector<1x16xf32>,
        %get3A_987 = vector.shape_cast %get3A_986 : vector<1x16xf32> to vector<16xf32>
        %add3A_988 = arith.addf %add3A_982, %get3A_987 : vector<16xf32>
        %get3A_989 = arith.constant 34 : i32
        %get3A_990 = arith.index_cast %get3A_989 : i32 to index
        %get3A_991 = arith.index_cast %mul3A_770 : i32 to index
        %get3A_992 = tpu.vector_load %arg7[%get3A_990, %get3A_991] {strides = array<i32>} : memref<72x768xf32, #tpu.memory_space<vmem>>, vector<1x16xf32>,
        %get3A_993 = vector.shape_cast %get3A_992 : vector<1x16xf32> to vector<16xf32>
        %add3A_994 = arith.addf %add3A_988, %get3A_993 : vector<16xf32>
        %get3A_995 = arith.constant 35 : i32
        %get3A_996 = arith.index_cast %get3A_995 : i32 to index
        %get3A_997 = arith.index_cast %mul3A_770 : i32 to index
        %get3A_998 = tpu.vector_load %arg7[%get3A_996, %get3A_997] {strides = array<i32>} : memref<72x768xf32, #tpu.memory_space<vmem>>, vector<1x16xf32>,
        %get3A_999 = vector.shape_cast %get3A_998 : vector<1x16xf32> to vector<16xf32>
        %add3A_1000 = arith.addf %add3A_994, %get3A_999 : vector<16xf32>
        %add3A_1001 = arith.constant 2304 : i32
        %add3A_1002 = arith.addi %add3A_1001, %mul3A_770 : i32
        %swap3A_1003 = arith.index_cast %add3A_1002 : i32 to index
        %swap3A_1004 = tpu.vector_load %arg9[%swap3A_1003] {strides = array<i32>} : memref<6144xf32, #tpu.memory_space<vmem>>, vector<16xf32>,
        %swap3A_1005 = vector.shape_cast %swap3A_1004 : vector<16xf32> to vector<16xf32>
        %swap3A_1006 = vector.shape_cast %add3A_1000 : vector<16xf32> to vector<16xf32>
        tpu.vector_store %arg9[%swap3A_1003], %swap3A_1006 {strides = array<i32>} : memref<6144xf32, #tpu.memory_space<vmem>>, vector<16xf32>,
        %get3A_1007 = arith.constant 36 : i32
        %get3A_1008 = arith.index_cast %get3A_1007 : i32 to index
        %get3A_1009 = arith.index_cast %mul3A_770 : i32 to index
        %get3A_1010 = tpu.vector_load %arg7[%get3A_1008, %get3A_1009] {strides = array<i32>} : memref<72x768xf32, #tpu.memory_space<vmem>>, vector<1x16xf32>,
        %get3A_1011 = vector.shape_cast %get3A_1010 : vector<1x16xf32> to vector<16xf32>
        %get3A_1012 = arith.constant 37 : i32
        %get3A_1013 = arith.index_cast %get3A_1012 : i32 to index
        %get3A_1014 = arith.index_cast %mul3A_770 : i32 to index
        %get3A_1015 = tpu.vector_load %arg7[%get3A_1013, %get3A_1014] {strides = array<i32>} : memref<72x768xf32, #tpu.memory_space<vmem>>, vector<1x16xf32>,
        %get3A_1016 = vector.shape_cast %get3A_1015 : vector<1x16xf32> to vector<16xf32>
        %add3A_1017 = arith.addf %get3A_1011, %get3A_1016 : vector<16xf32>
        %get3A_1018 = arith.constant 38 : i32
        %get3A_1019 = arith.index_cast %get3A_1018 : i32 to index
        %get3A_1020 = arith.index_cast %mul3A_770 : i32 to index
        %get3A_1021 = tpu.vector_load %arg7[%get3A_1019, %get3A_1020] {strides = array<i32>} : memref<72x768xf32, #tpu.memory_space<vmem>>, vector<1x16xf32>,
        %get3A_1022 = vector.shape_cast %get3A_1021 : vector<1x16xf32> to vector<16xf32>
        %add3A_1023 = arith.addf %add3A_1017, %get3A_1022 : vector<16xf32>
        %get3A_1024 = arith.constant 39 : i32
        %get3A_1025 = arith.index_cast %get3A_1024 : i32 to index
        %get3A_1026 = arith.index_cast %mul3A_770 : i32 to index
        %get3A_1027 = tpu.vector_load %arg7[%get3A_1025, %get3A_1026] {strides = array<i32>} : memref<72x768xf32, #tpu.memory_space<vmem>>, vector<1x16xf32>,
        %get3A_1028 = vector.shape_cast %get3A_1027 : vector<1x16xf32> to vector<16xf32>
        %add3A_1029 = arith.addf %add3A_1023, %get3A_1028 : vector<16xf32>
        %get3A_1030 = arith.constant 40 : i32
        %get3A_1031 = arith.index_cast %get3A_1030 : i32 to index
        %get3A_1032 = arith.index_cast %mul3A_770 : i32 to index
        %get3A_1033 = tpu.vector_load %arg7[%get3A_1031, %get3A_1032] {strides = array<i32>} : memref<72x768xf32, #tpu.memory_space<vmem>>, vector<1x16xf32>,
        %get3A_1034 = vector.shape_cast %get3A_1033 : vector<1x16xf32> to vector<16xf32>
        %add3A_1035 = arith.addf %add3A_1029, %get3A_1034 : vector<16xf32>
        %get3A_1036 = arith.constant 41 : i32
        %get3A_1037 = arith.index_cast %get3A_1036 : i32 to index
        %get3A_1038 = arith.index_cast %mul3A_770 : i32 to index
        %get3A_1039 = tpu.vector_load %arg7[%get3A_1037, %get3A_1038] {strides = array<i32>} : memref<72x768xf32, #tpu.memory_space<vmem>>, vector<1x16xf32>,
        %get3A_1040 = vector.shape_cast %get3A_1039 : vector<1x16xf32> to vector<16xf32>
        %add3A_1041 = arith.addf %add3A_1035, %get3A_1040 : vector<16xf32>
        %get3A_1042 = arith.constant 42 : i32
        %get3A_1043 = arith.index_cast %get3A_1042 : i32 to index
        %get3A_1044 = arith.index_cast %mul3A_770 : i32 to index
        %get3A_1045 = tpu.vector_load %arg7[%get3A_1043, %get3A_1044] {strides = array<i32>} : memref<72x768xf32, #tpu.memory_space<vmem>>, vector<1x16xf32>,
        %get3A_1046 = vector.shape_cast %get3A_1045 : vector<1x16xf32> to vector<16xf32>
        %add3A_1047 = arith.addf %add3A_1041, %get3A_1046 : vector<16xf32>
        %get3A_1048 = arith.constant 43 : i32
        %get3A_1049 = arith.index_cast %get3A_1048 : i32 to index
        %get3A_1050 = arith.index_cast %mul3A_770 : i32 to index
        %get3A_1051 = tpu.vector_load %arg7[%get3A_1049, %get3A_1050] {strides = array<i32>} : memref<72x768xf32, #tpu.memory_space<vmem>>, vector<1x16xf32>,
        %get3A_1052 = vector.shape_cast %get3A_1051 : vector<1x16xf32> to vector<16xf32>
        %add3A_1053 = arith.addf %add3A_1047, %get3A_1052 : vector<16xf32>
        %get3A_1054 = arith.constant 44 : i32
        %get3A_1055 = arith.index_cast %get3A_1054 : i32 to index
        %get3A_1056 = arith.index_cast %mul3A_770 : i32 to index
        %get3A_1057 = tpu.vector_load %arg7[%get3A_1055, %get3A_1056] {strides = array<i32>} : memref<72x768xf32, #tpu.memory_space<vmem>>, vector<1x16xf32>,
        %get3A_1058 = vector.shape_cast %get3A_1057 : vector<1x16xf32> to vector<16xf32>
        %add3A_1059 = arith.addf %add3A_1053, %get3A_1058 : vector<16xf32>
        %add3A_1060 = arith.constant 3072 : i32
        %add3A_1061 = arith.addi %add3A_1060, %mul3A_770 : i32
        %swap3A_1062 = arith.index_cast %add3A_1061 : i32 to index
        %swap3A_1063 = tpu.vector_load %arg9[%swap3A_1062] {strides = array<i32>} : memref<6144xf32, #tpu.memory_space<vmem>>, vector<16xf32>,
        %swap3A_1064 = vector.shape_cast %swap3A_1063 : vector<16xf32> to vector<16xf32>
        %swap3A_1065 = vector.shape_cast %add3A_1059 : vector<16xf32> to vector<16xf32>
        tpu.vector_store %arg9[%swap3A_1062], %swap3A_1065 {strides = array<i32>} : memref<6144xf32, #tpu.memory_space<vmem>>, vector<16xf32>,
        %get3A_1066 = arith.constant 45 : i32
        %get3A_1067 = arith.index_cast %get3A_1066 : i32 to index
        %get3A_1068 = arith.index_cast %mul3A_770 : i32 to index
        %get3A_1069 = tpu.vector_load %arg7[%get3A_1067, %get3A_1068] {strides = array<i32>} : memref<72x768xf32, #tpu.memory_space<vmem>>, vector<1x16xf32>,
        %get3A_1070 = vector.shape_cast %get3A_1069 : vector<1x16xf32> to vector<16xf32>
        %get3A_1071 = arith.constant 46 : i32
        %get3A_1072 = arith.index_cast %get3A_1071 : i32 to index
        %get3A_1073 = arith.index_cast %mul3A_770 : i32 to index
        %get3A_1074 = tpu.vector_load %arg7[%get3A_1072, %get3A_1073] {strides = array<i32>} : memref<72x768xf32, #tpu.memory_space<vmem>>, vector<1x16xf32>,
        %get3A_1075 = vector.shape_cast %get3A_1074 : vector<1x16xf32> to vector<16xf32>
        %add3A_1076 = arith.addf %get3A_1070, %get3A_1075 : vector<16xf32>
        %get3A_1077 = arith.constant 47 : i32
        %get3A_1078 = arith.index_cast %get3A_1077 : i32 to index
        %get3A_1079 = arith.index_cast %mul3A_770 : i32 to index
        %get3A_1080 = tpu.vector_load %arg7[%get3A_1078, %get3A_1079] {strides = array<i32>} : memref<72x768xf32, #tpu.memory_space<vmem>>, vector<1x16xf32>,
        %get3A_1081 = vector.shape_cast %get3A_1080 : vector<1x16xf32> to vector<16xf32>
        %add3A_1082 = arith.addf %add3A_1076, %get3A_1081 : vector<16xf32>
        %get3A_1083 = arith.constant 48 : i32
        %get3A_1084 = arith.index_cast %get3A_1083 : i32 to index
        %get3A_1085 = arith.index_cast %mul3A_770 : i32 to index
        %get3A_1086 = tpu.vector_load %arg7[%get3A_1084, %get3A_1085] {strides = array<i32>} : memref<72x768xf32, #tpu.memory_space<vmem>>, vector<1x16xf32>,
        %get3A_1087 = vector.shape_cast %get3A_1086 : vector<1x16xf32> to vector<16xf32>
        %add3A_1088 = arith.addf %add3A_1082, %get3A_1087 : vector<16xf32>
        %get3A_1089 = arith.constant 49 : i32
        %get3A_1090 = arith.index_cast %get3A_1089 : i32 to index
        %get3A_1091 = arith.index_cast %mul3A_770 : i32 to index
        %get3A_1092 = tpu.vector_load %arg7[%get3A_1090, %get3A_1091] {strides = array<i32>} : memref<72x768xf32, #tpu.memory_space<vmem>>, vector<1x16xf32>,
        %get3A_1093 = vector.shape_cast %get3A_1092 : vector<1x16xf32> to vector<16xf32>
        %add3A_1094 = arith.addf %add3A_1088, %get3A_1093 : vector<16xf32>
        %get3A_1095 = arith.constant 50 : i32
        %get3A_1096 = arith.index_cast %get3A_1095 : i32 to index
        %get3A_1097 = arith.index_cast %mul3A_770 : i32 to index
        %get3A_1098 = tpu.vector_load %arg7[%get3A_1096, %get3A_1097] {strides = array<i32>} : memref<72x768xf32, #tpu.memory_space<vmem>>, vector<1x16xf32>,
        %get3A_1099 = vector.shape_cast %get3A_1098 : vector<1x16xf32> to vector<16xf32>
        %add3A_1100 = arith.addf %add3A_1094, %get3A_1099 : vector<16xf32>
        %get3A_1101 = arith.constant 51 : i32
        %get3A_1102 = arith.index_cast %get3A_1101 : i32 to index
        %get3A_1103 = arith.index_cast %mul3A_770 : i32 to index
        %get3A_1104 = tpu.vector_load %arg7[%get3A_1102, %get3A_1103] {strides = array<i32>} : memref<72x768xf32, #tpu.memory_space<vmem>>, vector<1x16xf32>,
        %get3A_1105 = vector.shape_cast %get3A_1104 : vector<1x16xf32> to vector<16xf32>
        %add3A_1106 = arith.addf %add3A_1100, %get3A_1105 : vector<16xf32>
        %get3A_1107 = arith.constant 52 : i32
        %get3A_1108 = arith.index_cast %get3A_1107 : i32 to index
        %get3A_1109 = arith.index_cast %mul3A_770 : i32 to index
        %get3A_1110 = tpu.vector_load %arg7[%get3A_1108, %get3A_1109] {strides = array<i32>} : memref<72x768xf32, #tpu.memory_space<vmem>>, vector<1x16xf32>,
        %get3A_1111 = vector.shape_cast %get3A_1110 : vector<1x16xf32> to vector<16xf32>
        %add3A_1112 = arith.addf %add3A_1106, %get3A_1111 : vector<16xf32>
        %get3A_1113 = arith.constant 53 : i32
        %get3A_1114 = arith.index_cast %get3A_1113 : i32 to index
        %get3A_1115 = arith.index_cast %mul3A_770 : i32 to index
        %get3A_1116 = tpu.vector_load %arg7[%get3A_1114, %get3A_1115] {strides = array<i32>} : memref<72x768xf32, #tpu.memory_space<vmem>>, vector<1x16xf32>,
        %get3A_1117 = vector.shape_cast %get3A_1116 : vector<1x16xf32> to vector<16xf32>
        %add3A_1118 = arith.addf %add3A_1112, %get3A_1117 : vector<16xf32>
        %add3A_1119 = arith.constant 3840 : i32
        %add3A_1120 = arith.addi %add3A_1119, %mul3A_770 : i32
        %swap3A_1121 = arith.index_cast %add3A_1120 : i32 to index
        %swap3A_1122 = tpu.vector_load %arg9[%swap3A_1121] {strides = array<i32>} : memref<6144xf32, #tpu.memory_space<vmem>>, vector<16xf32>,
        %swap3A_1123 = vector.shape_cast %swap3A_1122 : vector<16xf32> to vector<16xf32>
        %swap3A_1124 = vector.shape_cast %add3A_1118 : vector<16xf32> to vector<16xf32>
        tpu.vector_store %arg9[%swap3A_1121], %swap3A_1124 {strides = array<i32>} : memref<6144xf32, #tpu.memory_space<vmem>>, vector<16xf32>,
        %get3A_1125 = arith.constant 54 : i32
        %get3A_1126 = arith.index_cast %get3A_1125 : i32 to index
        %get3A_1127 = arith.index_cast %mul3A_770 : i32 to index
        %get3A_1128 = tpu.vector_load %arg7[%get3A_1126, %get3A_1127] {strides = array<i32>} : memref<72x768xf32, #tpu.memory_space<vmem>>, vector<1x16xf32>,
        %get3A_1129 = vector.shape_cast %get3A_1128 : vector<1x16xf32> to vector<16xf32>
        %get3A_1130 = arith.constant 55 : i32
        %get3A_1131 = arith.index_cast %get3A_1130 : i32 to index
        %get3A_1132 = arith.index_cast %mul3A_770 : i32 to index
        %get3A_1133 = tpu.vector_load %arg7[%get3A_1131, %get3A_1132] {strides = array<i32>} : memref<72x768xf32, #tpu.memory_space<vmem>>, vector<1x16xf32>,
        %get3A_1134 = vector.shape_cast %get3A_1133 : vector<1x16xf32> to vector<16xf32>
        %add3A_1135 = arith.addf %get3A_1129, %get3A_1134 : vector<16xf32>
        %get3A_1136 = arith.constant 56 : i32
        %get3A_1137 = arith.index_cast %get3A_1136 : i32 to index
        %get3A_1138 = arith.index_cast %mul3A_770 : i32 to index
        %get3A_1139 = tpu.vector_load %arg7[%get3A_1137, %get3A_1138] {strides = array<i32>} : memref<72x768xf32, #tpu.memory_space<vmem>>, vector<1x16xf32>,
        %get3A_1140 = vector.shape_cast %get3A_1139 : vector<1x16xf32> to vector<16xf32>
        %add3A_1141 = arith.addf %add3A_1135, %get3A_1140 : vector<16xf32>
        %get3A_1142 = arith.constant 57 : i32
        %get3A_1143 = arith.index_cast %get3A_1142 : i32 to index
        %get3A_1144 = arith.index_cast %mul3A_770 : i32 to index
        %get3A_1145 = tpu.vector_load %arg7[%get3A_1143, %get3A_1144] {strides = array<i32>} : memref<72x768xf32, #tpu.memory_space<vmem>>, vector<1x16xf32>,
        %get3A_1146 = vector.shape_cast %get3A_1145 : vector<1x16xf32> to vector<16xf32>
        %add3A_1147 = arith.addf %add3A_1141, %get3A_1146 : vector<16xf32>
        %get3A_1148 = arith.constant 58 : i32
        %get3A_1149 = arith.index_cast %get3A_1148 : i32 to index
        %get3A_1150 = arith.index_cast %mul3A_770 : i32 to index
        %get3A_1151 = tpu.vector_load %arg7[%get3A_1149, %get3A_1150] {strides = array<i32>} : memref<72x768xf32, #tpu.memory_space<vmem>>, vector<1x16xf32>,
        %get3A_1152 = vector.shape_cast %get3A_1151 : vector<1x16xf32> to vector<16xf32>
        %add3A_1153 = arith.addf %add3A_1147, %get3A_1152 : vector<16xf32>
        %get3A_1154 = arith.constant 59 : i32
        %get3A_1155 = arith.index_cast %get3A_1154 : i32 to index
        %get3A_1156 = arith.index_cast %mul3A_770 : i32 to index
        %get3A_1157 = tpu.vector_load %arg7[%get3A_1155, %get3A_1156] {strides = array<i32>} : memref<72x768xf32, #tpu.memory_space<vmem>>, vector<1x16xf32>,
        %get3A_1158 = vector.shape_cast %get3A_1157 : vector<1x16xf32> to vector<16xf32>
        %add3A_1159 = arith.addf %add3A_1153, %get3A_1158 : vector<16xf32>
        %get3A_1160 = arith.constant 60 : i32
        %get3A_1161 = arith.index_cast %get3A_1160 : i32 to index
        %get3A_1162 = arith.index_cast %mul3A_770 : i32 to index
        %get3A_1163 = tpu.vector_load %arg7[%get3A_1161, %get3A_1162] {strides = array<i32>} : memref<72x768xf32, #tpu.memory_space<vmem>>, vector<1x16xf32>,
        %get3A_1164 = vector.shape_cast %get3A_1163 : vector<1x16xf32> to vector<16xf32>
        %add3A_1165 = arith.addf %add3A_1159, %get3A_1164 : vector<16xf32>
        %get3A_1166 = arith.constant 61 : i32
        %get3A_1167 = arith.index_cast %get3A_1166 : i32 to index
        %get3A_1168 = arith.index_cast %mul3A_770 : i32 to index
        %get3A_1169 = tpu.vector_load %arg7[%get3A_1167, %get3A_1168] {strides = array<i32>} : memref<72x768xf32, #tpu.memory_space<vmem>>, vector<1x16xf32>,
        %get3A_1170 = vector.shape_cast %get3A_1169 : vector<1x16xf32> to vector<16xf32>
        %add3A_1171 = arith.addf %add3A_1165, %get3A_1170 : vector<16xf32>
        %get3A_1172 = arith.constant 62 : i32
        %get3A_1173 = arith.index_cast %get3A_1172 : i32 to index
        %get3A_1174 = arith.index_cast %mul3A_770 : i32 to index
        %get3A_1175 = tpu.vector_load %arg7[%get3A_1173, %get3A_1174] {strides = array<i32>} : memref<72x768xf32, #tpu.memory_space<vmem>>, vector<1x16xf32>,
        %get3A_1176 = vector.shape_cast %get3A_1175 : vector<1x16xf32> to vector<16xf32>
        %add3A_1177 = arith.addf %add3A_1171, %get3A_1176 : vector<16xf32>
        %add3A_1178 = arith.constant 4608 : i32
        %add3A_1179 = arith.addi %add3A_1178, %mul3A_770 : i32
        %swap3A_1180 = arith.index_cast %add3A_1179 : i32 to index
        %swap3A_1181 = tpu.vector_load %arg9[%swap3A_1180] {strides = array<i32>} : memref<6144xf32, #tpu.memory_space<vmem>>, vector<16xf32>,
        %swap3A_1182 = vector.shape_cast %swap3A_1181 : vector<16xf32> to vector<16xf32>
        %swap3A_1183 = vector.shape_cast %add3A_1177 : vector<16xf32> to vector<16xf32>
        tpu.vector_store %arg9[%swap3A_1180], %swap3A_1183 {strides = array<i32>} : memref<6144xf32, #tpu.memory_space<vmem>>, vector<16xf32>,
        %get3A_1184 = arith.constant 63 : i32
        %get3A_1185 = arith.index_cast %get3A_1184 : i32 to index
        %get3A_1186 = arith.index_cast %mul3A_770 : i32 to index
        %get3A_1187 = tpu.vector_load %arg7[%get3A_1185, %get3A_1186] {strides = array<i32>} : memref<72x768xf32, #tpu.memory_space<vmem>>, vector<1x16xf32>,
        %get3A_1188 = vector.shape_cast %get3A_1187 : vector<1x16xf32> to vector<16xf32>
        %get3A_1189 = arith.constant 64 : i32
        %get3A_1190 = arith.index_cast %get3A_1189 : i32 to index
        %get3A_1191 = arith.index_cast %mul3A_770 : i32 to index
        %get3A_1192 = tpu.vector_load %arg7[%get3A_1190, %get3A_1191] {strides = array<i32>} : memref<72x768xf32, #tpu.memory_space<vmem>>, vector<1x16xf32>,
        %get3A_1193 = vector.shape_cast %get3A_1192 : vector<1x16xf32> to vector<16xf32>
        %add3A_1194 = arith.addf %get3A_1188, %get3A_1193 : vector<16xf32>
        %get3A_1195 = arith.constant 65 : i32
        %get3A_1196 = arith.index_cast %get3A_1195 : i32 to index
        %get3A_1197 = arith.index_cast %mul3A_770 : i32 to index
        %get3A_1198 = tpu.vector_load %arg7[%get3A_1196, %get3A_1197] {strides = array<i32>} : memref<72x768xf32, #tpu.memory_space<vmem>>, vector<1x16xf32>,
        %get3A_1199 = vector.shape_cast %get3A_1198 : vector<1x16xf32> to vector<16xf32>
        %add3A_1200 = arith.addf %add3A_1194, %get3A_1199 : vector<16xf32>
        %get3A_1201 = arith.constant 66 : i32
        %get3A_1202 = arith.index_cast %get3A_1201 : i32 to index
        %get3A_1203 = arith.index_cast %mul3A_770 : i32 to index
        %get3A_1204 = tpu.vector_load %arg7[%get3A_1202, %get3A_1203] {strides = array<i32>} : memref<72x768xf32, #tpu.memory_space<vmem>>, vector<1x16xf32>,
        %get3A_1205 = vector.shape_cast %get3A_1204 : vector<1x16xf32> to vector<16xf32>
        %add3A_1206 = arith.addf %add3A_1200, %get3A_1205 : vector<16xf32>
        %get3A_1207 = arith.constant 67 : i32
        %get3A_1208 = arith.index_cast %get3A_1207 : i32 to index
        %get3A_1209 = arith.index_cast %mul3A_770 : i32 to index
        %get3A_1210 = tpu.vector_load %arg7[%get3A_1208, %get3A_1209] {strides = array<i32>} : memref<72x768xf32, #tpu.memory_space<vmem>>, vector<1x16xf32>,
        %get3A_1211 = vector.shape_cast %get3A_1210 : vector<1x16xf32> to vector<16xf32>
        %add3A_1212 = arith.addf %add3A_1206, %get3A_1211 : vector<16xf32>
        %get3A_1213 = arith.constant 68 : i32
        %get3A_1214 = arith.index_cast %get3A_1213 : i32 to index
        %get3A_1215 = arith.index_cast %mul3A_770 : i32 to index
        %get3A_1216 = tpu.vector_load %arg7[%get3A_1214, %get3A_1215] {strides = array<i32>} : memref<72x768xf32, #tpu.memory_space<vmem>>, vector<1x16xf32>,
        %get3A_1217 = vector.shape_cast %get3A_1216 : vector<1x16xf32> to vector<16xf32>
        %add3A_1218 = arith.addf %add3A_1212, %get3A_1217 : vector<16xf32>
        %get3A_1219 = arith.constant 69 : i32
        %get3A_1220 = arith.index_cast %get3A_1219 : i32 to index
        %get3A_1221 = arith.index_cast %mul3A_770 : i32 to index
        %get3A_1222 = tpu.vector_load %arg7[%get3A_1220, %get3A_1221] {strides = array<i32>} : memref<72x768xf32, #tpu.memory_space<vmem>>, vector<1x16xf32>,
        %get3A_1223 = vector.shape_cast %get3A_1222 : vector<1x16xf32> to vector<16xf32>
        %add3A_1224 = arith.addf %add3A_1218, %get3A_1223 : vector<16xf32>
        %get3A_1225 = arith.constant 70 : i32
        %get3A_1226 = arith.index_cast %get3A_1225 : i32 to index
        %get3A_1227 = arith.index_cast %mul3A_770 : i32 to index
        %get3A_1228 = tpu.vector_load %arg7[%get3A_1226, %get3A_1227] {strides = array<i32>} : memref<72x768xf32, #tpu.memory_space<vmem>>, vector<1x16xf32>,
        %get3A_1229 = vector.shape_cast %get3A_1228 : vector<1x16xf32> to vector<16xf32>
        %add3A_1230 = arith.addf %add3A_1224, %get3A_1229 : vector<16xf32>
        %get3A_1231 = arith.constant 71 : i32
        %get3A_1232 = arith.index_cast %get3A_1231 : i32 to index
        %get3A_1233 = arith.index_cast %mul3A_770 : i32 to index
        %get3A_1234 = tpu.vector_load %arg7[%get3A_1232, %get3A_1233] {strides = array<i32>} : memref<72x768xf32, #tpu.memory_space<vmem>>, vector<1x16xf32>,
        %get3A_1235 = vector.shape_cast %get3A_1234 : vector<1x16xf32> to vector<16xf32>
        %add3A_1236 = arith.addf %add3A_1230, %get3A_1235 : vector<16xf32>
        %add3A_1237 = arith.constant 5376 : i32
        %add3A_1238 = arith.addi %add3A_1237, %mul3A_770 : i32
        %swap3A_1239 = arith.index_cast %add3A_1238 : i32 to index
        %swap3A_1240 = tpu.vector_load %arg9[%swap3A_1239] {strides = array<i32>} : memref<6144xf32, #tpu.memory_space<vmem>>, vector<16xf32>,
        %swap3A_1241 = vector.shape_cast %swap3A_1240 : vector<16xf32> to vector<16xf32>
        %swap3A_1242 = vector.shape_cast %add3A_1236 : vector<16xf32> to vector<16xf32>
        tpu.vector_store %arg9[%swap3A_1239], %swap3A_1242 {strides = array<i32>} : memref<6144xf32, #tpu.memory_space<vmem>>, vector<16xf32>,
      }
      %scan3A_162 = arith.constant 24 : i32
      %jit3A = arith.constant 16 : i32
      %div3A = arith.divsi %mul3A_138, %jit3A : i32
      %sign3A = arith.constant 0 : i32
      %sign3A_163 = arith.cmpi sgt, %mul3A_138, %sign3A : i32
      %sign3A_164 = arith.extui %sign3A_163 : i1 to i32
      %sign3A_165 = arith.constant 0 : i32
      %sign3A_166 = arith.cmpi slt, %mul3A_138, %sign3A_165 : i32
      %sign3A_167 = arith.extui %sign3A_166 : i1 to i32
      %sign3A_168 = arith.subi %sign3A_164, %sign3A_167 : i32
      %sign3A_169 = arith.constant 0 : i32
      %sign3A_170 = arith.cmpi sgt, %jit3A, %sign3A_169 : i32
      %sign3A_171 = arith.extui %sign3A_170 : i1 to i32
      %sign3A_172 = arith.constant 0 : i32
      %sign3A_173 = arith.cmpi slt, %jit3A, %sign3A_172 : i32
      %sign3A_174 = arith.extui %sign3A_173 : i1 to i32
      %sign3A_175 = arith.subi %sign3A_171, %sign3A_174 : i32
      %ne3A = arith.cmpi ne, %sign3A_168, %sign3A_175 : i32
      %rem3A = arith.remsi %mul3A_138, %jit3A : i32
      %ne3A_176 = arith.constant 0 : i32
      %ne3A_177 = arith.cmpi ne, %rem3A, %ne3A_176 : i32
      %and3A = arith.andi %ne3A, %ne3A_177 : i1
      %sub3A = arith.constant 1 : i32
      %sub3A_178 = arith.subi %div3A, %sub3A : i32
      %select_n3A = arith.select %and3A, %sub3A_178, %div3A : i32
      %jit3A_179 = arith.constant 16 : i32
      %eq3A = arith.constant 0 : i32
      %eq3A_180 = arith.cmpi eq, %jit3A_179, %eq3A : i32
      %jit3A_181 = arith.constant 1 : i32
      %select_n3A_182 = arith.select %eq3A_180, %jit3A_181, %jit3A_179 : i32
      %rem3A_183 = arith.remsi %mul3A_138, %select_n3A_182 : i32
      %ne3A_184 = arith.constant 0 : i32
      %ne3A_185 = arith.cmpi ne, %rem3A_183, %ne3A_184 : i32
      %lt3A = arith.constant 0 : i32
      %lt3A_186 = arith.cmpi slt, %rem3A_183, %lt3A : i32
      %lt3A_187 = arith.constant 0 : i32
      %lt3A_188 = arith.cmpi slt, %select_n3A_182, %lt3A_187 : i32
      %ne3A_189 = arith.xori %lt3A_186, %lt3A_188 : i1
      %and3A_190 = arith.andi %ne3A_189, %ne3A_185 : i1
      %add3A_191 = arith.addi %rem3A_183, %select_n3A_182 : i32
      %select_n3A_192 = arith.select %and3A_190, %add3A_191, %rem3A_183 : i32
      %mul3A_193 = arith.constant 8 : i32
      %mul3A_194 = arith.muli %select_n3A_192, %mul3A_193 : i32
      %mul3A_195 = arith.constant 8 : i32
      %mul3A_196 = arith.muli %add3A, %mul3A_195 : i32
      %add3A_197 = arith.addi %mul3A_196, %select_n3A : i32
      %mul3A_198 = arith.constant 129 : i32
      %mul3A_199 = arith.muli %add3A_197, %mul3A_198 : i32
      %add3A_200 = arith.constant 1 : i32
      %add3A_201 = arith.addi %mul3A_199, %add3A_200 : i32
      %add3A_202 = arith.addi %add3A_201, %mul3A_194 : i32
      %mul3A_203 = arith.constant 768 : i32
      %mul3A_204 = arith.muli %add3A_202, %mul3A_203 : i32
      %multiple_of3A_205 = tpu.assume_multiple %mul3A_204, 8 : i32
      %dma_start3A_206 = tpu.memref_slice %arg5[%multiple_of3A_205] : memref<25362432xf32, #tpu.memory_space<hbm>> -> memref<6144xf32, #tpu.memory_space<hbm>>
      %dma_start3A_207 = tpu.memref_slice %arg5[%multiple_of3A_205] : memref<25362432xf32, #tpu.memory_space<hbm>> -> memref<6144xf32, #tpu.memory_space<hbm>>
      tpu.enqueue_dma source(%arg9 : memref<6144xf32, #tpu.memory_space<vmem>>) target(%dma_start3A_207 : memref<6144xf32, #tpu.memory_space<hbm>>) target_semaphore(%arg13 : memref<!tpu.dma_semaphore, #tpu.memory_space<semaphore_mem>>)
      %add3A_208 = arith.constant 1 : i32
      %add3A_209 = arith.addi %add3A_140, %add3A_208 : i32
      %lt3A_210 = arith.constant 128 : i32
      %lt3A_211 = arith.cmpi slt, %add3A_209, %lt3A_210 : i32
      %convert_element_type3A_212 = arith.extui %lt3A_211 : i1 to i32
      %cond3A_213 = arith.constant 0 : i32
      %cond3A_214 = arith.cmpi ne, %convert_element_type3A_212, %cond3A_213 : i32
      scf.if %cond3A_214 {
        %add3A_288 = arith.constant 1 : i32
        %add3A_289 = arith.addi %add3A_140, %add3A_288 : i32
        %mul3A_290 = arith.constant 72 : i32
        %mul3A_291 = arith.muli %add3A_289, %mul3A_290 : i32
        %multiple_of3A_292 = tpu.assume_multiple %mul3A_291, 8 : i32
        %dma_start3A_293 = tpu.memref_slice %arg6[%multiple_of3A_292] : memref<9216xi32, #tpu.memory_space<vmem>> -> memref<72xi32, #tpu.memory_space<vmem>>
        %dma_start3A_294 = arith.constant 0 : i32
        %dma_start3A_295 = arith.constant 0 : i32
        %dma_start3A_296 = tpu.memref_slice %arg3[%dma_start3A_294, %dma_start3A_295] : memref<100000x768xf32, #tpu.memory_space<hbm>> -> memref<100000x768xf32, #tpu.memory_space<hbm>>
        tpu.enqueue_indirect_dma source(%dma_start3A_296 : memref<100000x768xf32, #tpu.memory_space<hbm>>) target(%arg7 : memref<72x768xf32, #tpu.memory_space<vmem>>) offsets(%dma_start3A_293 : memref<72xi32, #tpu.memory_space<vmem>>) semaphore(%arg11 : memref<!tpu.dma_semaphore, #tpu.memory_space<semaphore_mem>>)
      } else {
      }
      %mul3A_215 = arith.constant 72 : i32
      %mul3A_216 = arith.muli %add3A_140, %mul3A_215 : i32
      %multiple_of3A_217 = tpu.assume_multiple %mul3A_216, 8 : i32
      %dma_wait3A_218 = tpu.memref_slice %arg6[%multiple_of3A_217] : memref<9216xi32, #tpu.memory_space<vmem>> -> memref<72xi32, #tpu.memory_space<vmem>>
      %dma_wait3A_219 = arith.constant 0 : i32
      %dma_wait3A_220 = arith.constant 0 : i32
      %dma_wait3A_221 = tpu.memref_slice %arg3[%dma_wait3A_219, %dma_wait3A_220] : memref<100000x768xf32, #tpu.memory_space<hbm>> -> memref<100000x768xf32, #tpu.memory_space<hbm>>
      tpu.wait_indirect_dma semaphore(%arg12 : memref<!tpu.dma_semaphore, #tpu.memory_space<semaphore_mem>>) src(%dma_wait3A_221 : memref<100000x768xf32, #tpu.memory_space<hbm>>) dst(%arg8 : memref<72x768xf32, #tpu.memory_space<vmem>>)
      %gt3A_222 = arith.constant 0 : i32
      %gt3A_223 = arith.cmpi sgt, %add3A_140, %gt3A_222 : i32
      %convert_element_type3A_224 = arith.extui %gt3A_223 : i1 to i32
      %cond3A_225 = arith.constant 0 : i32
      %cond3A_226 = arith.cmpi ne, %convert_element_type3A_224, %cond3A_225 : i32
      scf.if %cond3A_226 {
        %jit3A_288 = arith.constant 16 : i32
        %div3A_289 = arith.divsi %add3A_140, %jit3A_288 : i32
        %sign3A_290 = arith.constant 0 : i32
        %sign3A_291 = arith.cmpi sgt, %add3A_140, %sign3A_290 : i32
        %sign3A_292 = arith.extui %sign3A_291 : i1 to i32
        %sign3A_293 = arith.constant 0 : i32
        %sign3A_294 = arith.cmpi slt, %add3A_140, %sign3A_293 : i32
        %sign3A_295 = arith.extui %sign3A_294 : i1 to i32
        %sign3A_296 = arith.subi %sign3A_292, %sign3A_295 : i32
        %sign3A_297 = arith.constant 0 : i32
        %sign3A_298 = arith.cmpi sgt, %jit3A_288, %sign3A_297 : i32
        %sign3A_299 = arith.extui %sign3A_298 : i1 to i32
        %sign3A_300 = arith.constant 0 : i32
        %sign3A_301 = arith.cmpi slt, %jit3A_288, %sign3A_300 : i32
        %sign3A_302 = arith.extui %sign3A_301 : i1 to i32
        %sign3A_303 = arith.subi %sign3A_299, %sign3A_302 : i32
        %ne3A_304 = arith.cmpi ne, %sign3A_296, %sign3A_303 : i32
        %rem3A_305 = arith.remsi %add3A_140, %jit3A_288 : i32
        %ne3A_306 = arith.constant 0 : i32
        %ne3A_307 = arith.cmpi ne, %rem3A_305, %ne3A_306 : i32
        %and3A_308 = arith.andi %ne3A_304, %ne3A_307 : i1
        %sub3A_309 = arith.constant 1 : i32
        %sub3A_310 = arith.subi %div3A_289, %sub3A_309 : i32
        %select_n3A_311 = arith.select %and3A_308, %sub3A_310, %div3A_289 : i32
        %jit3A_312 = arith.constant 16 : i32
        %eq3A_313 = arith.constant 0 : i32
        %eq3A_314 = arith.cmpi eq, %jit3A_312, %eq3A_313 : i32
        %jit3A_315 = arith.constant 1 : i32
        %select_n3A_316 = arith.select %eq3A_314, %jit3A_315, %jit3A_312 : i32
        %rem3A_317 = arith.remsi %add3A_140, %select_n3A_316 : i32
        %ne3A_318 = arith.constant 0 : i32
        %ne3A_319 = arith.cmpi ne, %rem3A_317, %ne3A_318 : i32
        %lt3A_320 = arith.constant 0 : i32
        %lt3A_321 = arith.cmpi slt, %rem3A_317, %lt3A_320 : i32
        %lt3A_322 = arith.constant 0 : i32
        %lt3A_323 = arith.cmpi slt, %select_n3A_316, %lt3A_322 : i32
        %ne3A_324 = arith.xori %lt3A_321, %lt3A_323 : i1
        %and3A_325 = arith.andi %ne3A_324, %ne3A_319 : i1
        %add3A_326 = arith.addi %rem3A_317, %select_n3A_316 : i32
        %select_n3A_327 = arith.select %and3A_325, %add3A_326, %rem3A_317 : i32
        %mul3A_328 = arith.constant 8 : i32
        %mul3A_329 = arith.muli %select_n3A_327, %mul3A_328 : i32
        %mul3A_330 = arith.constant 8 : i32
        %mul3A_331 = arith.muli %add3A, %mul3A_330 : i32
        %add3A_332 = arith.addi %mul3A_331, %select_n3A_311 : i32
        %mul3A_333 = arith.constant 129 : i32
        %mul3A_334 = arith.muli %add3A_332, %mul3A_333 : i32
        %add3A_335 = arith.constant 1 : i32
        %add3A_336 = arith.addi %mul3A_334, %add3A_335 : i32
        %add3A_337 = arith.addi %add3A_336, %mul3A_329 : i32
        %mul3A_338 = arith.constant 768 : i32
        %mul3A_339 = arith.muli %add3A_337, %mul3A_338 : i32
        %multiple_of3A_340 = tpu.assume_multiple %mul3A_339, 8 : i32
        %dma_wait3A_341 = tpu.memref_slice %arg5[%multiple_of3A_340] : memref<25362432xf32, #tpu.memory_space<hbm>> -> memref<6144xf32, #tpu.memory_space<hbm>>
        %dma_wait3A_342 = tpu.memref_slice %arg5[%multiple_of3A_340] : memref<25362432xf32, #tpu.memory_space<hbm>> -> memref<6144xf32, #tpu.memory_space<hbm>>
        tpu.wait_dma2 semaphore(%arg13 : memref<!tpu.dma_semaphore, #tpu.memory_space<semaphore_mem>>) src(%arg9 : memref<6144xf32, #tpu.memory_space<vmem>>) dst(%dma_wait3A_342 : memref<6144xf32, #tpu.memory_space<hbm>>)
      } else {
      }
      %scan3A_227 = arith.constant 0 : i32
      %scan3A_228 = arith.constant 0 : i32
      %scan3A_229 = arith.constant 24 : i32
      %scan3A_230 = arith.addi %scan3A_228, %scan3A_229 : i32
      %scan3A_231 = arith.constant 1 : i32
      scf.for %scan3A_288 = %scan3A_228 to %scan3A_230 step %scan3A_231  : i32 {
        %mul3A_289 = arith.constant 2 : i32
        %mul3A_290 = arith.muli %mul3A_289, %scan3A_288 : i32
        %add3A_291 = arith.constant 0 : i32
        %add3A_292 = arith.addi %mul3A_290, %add3A_291 : i32
        %mul3A_293 = arith.constant 16 : i32
        %mul3A_294 = arith.muli %add3A_292, %mul3A_293 : i32
        %get3A = arith.constant 0 : i32
        %get3A_295 = arith.index_cast %get3A : i32 to index
        %get3A_296 = arith.index_cast %mul3A_294 : i32 to index
        %get3A_297 = tpu.vector_load %arg8[%get3A_295, %get3A_296] {strides = array<i32>} : memref<72x768xf32, #tpu.memory_space<vmem>>, vector<1x16xf32>,
        %get3A_298 = vector.shape_cast %get3A_297 : vector<1x16xf32> to vector<16xf32>
        %get3A_299 = arith.constant 1 : i32
        %get3A_300 = arith.index_cast %get3A_299 : i32 to index
        %get3A_301 = arith.index_cast %mul3A_294 : i32 to index
        %get3A_302 = tpu.vector_load %arg8[%get3A_300, %get3A_301] {strides = array<i32>} : memref<72x768xf32, #tpu.memory_space<vmem>>, vector<1x16xf32>,
        %get3A_303 = vector.shape_cast %get3A_302 : vector<1x16xf32> to vector<16xf32>
        %add3A_304 = arith.addf %get3A_298, %get3A_303 : vector<16xf32>
        %get3A_305 = arith.constant 2 : i32
        %get3A_306 = arith.index_cast %get3A_305 : i32 to index
        %get3A_307 = arith.index_cast %mul3A_294 : i32 to index
        %get3A_308 = tpu.vector_load %arg8[%get3A_306, %get3A_307] {strides = array<i32>} : memref<72x768xf32, #tpu.memory_space<vmem>>, vector<1x16xf32>,
        %get3A_309 = vector.shape_cast %get3A_308 : vector<1x16xf32> to vector<16xf32>
        %add3A_310 = arith.addf %add3A_304, %get3A_309 : vector<16xf32>
        %get3A_311 = arith.constant 3 : i32
        %get3A_312 = arith.index_cast %get3A_311 : i32 to index
        %get3A_313 = arith.index_cast %mul3A_294 : i32 to index
        %get3A_314 = tpu.vector_load %arg8[%get3A_312, %get3A_313] {strides = array<i32>} : memref<72x768xf32, #tpu.memory_space<vmem>>, vector<1x16xf32>,
        %get3A_315 = vector.shape_cast %get3A_314 : vector<1x16xf32> to vector<16xf32>
        %add3A_316 = arith.addf %add3A_310, %get3A_315 : vector<16xf32>
        %get3A_317 = arith.constant 4 : i32
        %get3A_318 = arith.index_cast %get3A_317 : i32 to index
        %get3A_319 = arith.index_cast %mul3A_294 : i32 to index
        %get3A_320 = tpu.vector_load %arg8[%get3A_318, %get3A_319] {strides = array<i32>} : memref<72x768xf32, #tpu.memory_space<vmem>>, vector<1x16xf32>,
        %get3A_321 = vector.shape_cast %get3A_320 : vector<1x16xf32> to vector<16xf32>
        %add3A_322 = arith.addf %add3A_316, %get3A_321 : vector<16xf32>
        %get3A_323 = arith.constant 5 : i32
        %get3A_324 = arith.index_cast %get3A_323 : i32 to index
        %get3A_325 = arith.index_cast %mul3A_294 : i32 to index
        %get3A_326 = tpu.vector_load %arg8[%get3A_324, %get3A_325] {strides = array<i32>} : memref<72x768xf32, #tpu.memory_space<vmem>>, vector<1x16xf32>,
        %get3A_327 = vector.shape_cast %get3A_326 : vector<1x16xf32> to vector<16xf32>
        %add3A_328 = arith.addf %add3A_322, %get3A_327 : vector<16xf32>
        %get3A_329 = arith.constant 6 : i32
        %get3A_330 = arith.index_cast %get3A_329 : i32 to index
        %get3A_331 = arith.index_cast %mul3A_294 : i32 to index
        %get3A_332 = tpu.vector_load %arg8[%get3A_330, %get3A_331] {strides = array<i32>} : memref<72x768xf32, #tpu.memory_space<vmem>>, vector<1x16xf32>,
        %get3A_333 = vector.shape_cast %get3A_332 : vector<1x16xf32> to vector<16xf32>
        %add3A_334 = arith.addf %add3A_328, %get3A_333 : vector<16xf32>
        %get3A_335 = arith.constant 7 : i32
        %get3A_336 = arith.index_cast %get3A_335 : i32 to index
        %get3A_337 = arith.index_cast %mul3A_294 : i32 to index
        %get3A_338 = tpu.vector_load %arg8[%get3A_336, %get3A_337] {strides = array<i32>} : memref<72x768xf32, #tpu.memory_space<vmem>>, vector<1x16xf32>,
        %get3A_339 = vector.shape_cast %get3A_338 : vector<1x16xf32> to vector<16xf32>
        %add3A_340 = arith.addf %add3A_334, %get3A_339 : vector<16xf32>
        %get3A_341 = arith.constant 8 : i32
        %get3A_342 = arith.index_cast %get3A_341 : i32 to index
        %get3A_343 = arith.index_cast %mul3A_294 : i32 to index
        %get3A_344 = tpu.vector_load %arg8[%get3A_342, %get3A_343] {strides = array<i32>} : memref<72x768xf32, #tpu.memory_space<vmem>>, vector<1x16xf32>,
        %get3A_345 = vector.shape_cast %get3A_344 : vector<1x16xf32> to vector<16xf32>
        %add3A_346 = arith.addf %add3A_340, %get3A_345 : vector<16xf32>
        %add3A_347 = arith.constant 0 : i32
        %add3A_348 = arith.addi %add3A_347, %mul3A_294 : i32
        %swap3A = arith.index_cast %add3A_348 : i32 to index
        %swap3A_349 = tpu.vector_load %arg9[%swap3A] {strides = array<i32>} : memref<6144xf32, #tpu.memory_space<vmem>>, vector<16xf32>,
        %swap3A_350 = vector.shape_cast %swap3A_349 : vector<16xf32> to vector<16xf32>
        %swap3A_351 = vector.shape_cast %add3A_346 : vector<16xf32> to vector<16xf32>
        tpu.vector_store %arg9[%swap3A], %swap3A_351 {strides = array<i32>} : memref<6144xf32, #tpu.memory_space<vmem>>, vector<16xf32>,
        %get3A_352 = arith.constant 9 : i32
        %get3A_353 = arith.index_cast %get3A_352 : i32 to index
        %get3A_354 = arith.index_cast %mul3A_294 : i32 to index
        %get3A_355 = tpu.vector_load %arg8[%get3A_353, %get3A_354] {strides = array<i32>} : memref<72x768xf32, #tpu.memory_space<vmem>>, vector<1x16xf32>,
        %get3A_356 = vector.shape_cast %get3A_355 : vector<1x16xf32> to vector<16xf32>
        %get3A_357 = arith.constant 10 : i32
        %get3A_358 = arith.index_cast %get3A_357 : i32 to index
        %get3A_359 = arith.index_cast %mul3A_294 : i32 to index
        %get3A_360 = tpu.vector_load %arg8[%get3A_358, %get3A_359] {strides = array<i32>} : memref<72x768xf32, #tpu.memory_space<vmem>>, vector<1x16xf32>,
        %get3A_361 = vector.shape_cast %get3A_360 : vector<1x16xf32> to vector<16xf32>
        %add3A_362 = arith.addf %get3A_356, %get3A_361 : vector<16xf32>
        %get3A_363 = arith.constant 11 : i32
        %get3A_364 = arith.index_cast %get3A_363 : i32 to index
        %get3A_365 = arith.index_cast %mul3A_294 : i32 to index
        %get3A_366 = tpu.vector_load %arg8[%get3A_364, %get3A_365] {strides = array<i32>} : memref<72x768xf32, #tpu.memory_space<vmem>>, vector<1x16xf32>,
        %get3A_367 = vector.shape_cast %get3A_366 : vector<1x16xf32> to vector<16xf32>
        %add3A_368 = arith.addf %add3A_362, %get3A_367 : vector<16xf32>
        %get3A_369 = arith.constant 12 : i32
        %get3A_370 = arith.index_cast %get3A_369 : i32 to index
        %get3A_371 = arith.index_cast %mul3A_294 : i32 to index
        %get3A_372 = tpu.vector_load %arg8[%get3A_370, %get3A_371] {strides = array<i32>} : memref<72x768xf32, #tpu.memory_space<vmem>>, vector<1x16xf32>,
        %get3A_373 = vector.shape_cast %get3A_372 : vector<1x16xf32> to vector<16xf32>
        %add3A_374 = arith.addf %add3A_368, %get3A_373 : vector<16xf32>
        %get3A_375 = arith.constant 13 : i32
        %get3A_376 = arith.index_cast %get3A_375 : i32 to index
        %get3A_377 = arith.index_cast %mul3A_294 : i32 to index
        %get3A_378 = tpu.vector_load %arg8[%get3A_376, %get3A_377] {strides = array<i32>} : memref<72x768xf32, #tpu.memory_space<vmem>>, vector<1x16xf32>,
        %get3A_379 = vector.shape_cast %get3A_378 : vector<1x16xf32> to vector<16xf32>
        %add3A_380 = arith.addf %add3A_374, %get3A_379 : vector<16xf32>
        %get3A_381 = arith.constant 14 : i32
        %get3A_382 = arith.index_cast %get3A_381 : i32 to index
        %get3A_383 = arith.index_cast %mul3A_294 : i32 to index
        %get3A_384 = tpu.vector_load %arg8[%get3A_382, %get3A_383] {strides = array<i32>} : memref<72x768xf32, #tpu.memory_space<vmem>>, vector<1x16xf32>,
        %get3A_385 = vector.shape_cast %get3A_384 : vector<1x16xf32> to vector<16xf32>
        %add3A_386 = arith.addf %add3A_380, %get3A_385 : vector<16xf32>
        %get3A_387 = arith.constant 15 : i32
        %get3A_388 = arith.index_cast %get3A_387 : i32 to index
        %get3A_389 = arith.index_cast %mul3A_294 : i32 to index
        %get3A_390 = tpu.vector_load %arg8[%get3A_388, %get3A_389] {strides = array<i32>} : memref<72x768xf32, #tpu.memory_space<vmem>>, vector<1x16xf32>,
        %get3A_391 = vector.shape_cast %get3A_390 : vector<1x16xf32> to vector<16xf32>
        %add3A_392 = arith.addf %add3A_386, %get3A_391 : vector<16xf32>
        %get3A_393 = arith.constant 16 : i32
        %get3A_394 = arith.index_cast %get3A_393 : i32 to index
        %get3A_395 = arith.index_cast %mul3A_294 : i32 to index
        %get3A_396 = tpu.vector_load %arg8[%get3A_394, %get3A_395] {strides = array<i32>} : memref<72x768xf32, #tpu.memory_space<vmem>>, vector<1x16xf32>,
        %get3A_397 = vector.shape_cast %get3A_396 : vector<1x16xf32> to vector<16xf32>
        %add3A_398 = arith.addf %add3A_392, %get3A_397 : vector<16xf32>
        %get3A_399 = arith.constant 17 : i32
        %get3A_400 = arith.index_cast %get3A_399 : i32 to index
        %get3A_401 = arith.index_cast %mul3A_294 : i32 to index
        %get3A_402 = tpu.vector_load %arg8[%get3A_400, %get3A_401] {strides = array<i32>} : memref<72x768xf32, #tpu.memory_space<vmem>>, vector<1x16xf32>,
        %get3A_403 = vector.shape_cast %get3A_402 : vector<1x16xf32> to vector<16xf32>
        %add3A_404 = arith.addf %add3A_398, %get3A_403 : vector<16xf32>
        %add3A_405 = arith.constant 768 : i32
        %add3A_406 = arith.addi %add3A_405, %mul3A_294 : i32
        %swap3A_407 = arith.index_cast %add3A_406 : i32 to index
        %swap3A_408 = tpu.vector_load %arg9[%swap3A_407] {strides = array<i32>} : memref<6144xf32, #tpu.memory_space<vmem>>, vector<16xf32>,
        %swap3A_409 = vector.shape_cast %swap3A_408 : vector<16xf32> to vector<16xf32>
        %swap3A_410 = vector.shape_cast %add3A_404 : vector<16xf32> to vector<16xf32>
        tpu.vector_store %arg9[%swap3A_407], %swap3A_410 {strides = array<i32>} : memref<6144xf32, #tpu.memory_space<vmem>>, vector<16xf32>,
        %get3A_411 = arith.constant 18 : i32
        %get3A_412 = arith.index_cast %get3A_411 : i32 to index
        %get3A_413 = arith.index_cast %mul3A_294 : i32 to index
        %get3A_414 = tpu.vector_load %arg8[%get3A_412, %get3A_413] {strides = array<i32>} : memref<72x768xf32, #tpu.memory_space<vmem>>, vector<1x16xf32>,
        %get3A_415 = vector.shape_cast %get3A_414 : vector<1x16xf32> to vector<16xf32>
        %get3A_416 = arith.constant 19 : i32
        %get3A_417 = arith.index_cast %get3A_416 : i32 to index
        %get3A_418 = arith.index_cast %mul3A_294 : i32 to index
        %get3A_419 = tpu.vector_load %arg8[%get3A_417, %get3A_418] {strides = array<i32>} : memref<72x768xf32, #tpu.memory_space<vmem>>, vector<1x16xf32>,
        %get3A_420 = vector.shape_cast %get3A_419 : vector<1x16xf32> to vector<16xf32>
        %add3A_421 = arith.addf %get3A_415, %get3A_420 : vector<16xf32>
        %get3A_422 = arith.constant 20 : i32
        %get3A_423 = arith.index_cast %get3A_422 : i32 to index
        %get3A_424 = arith.index_cast %mul3A_294 : i32 to index
        %get3A_425 = tpu.vector_load %arg8[%get3A_423, %get3A_424] {strides = array<i32>} : memref<72x768xf32, #tpu.memory_space<vmem>>, vector<1x16xf32>,
        %get3A_426 = vector.shape_cast %get3A_425 : vector<1x16xf32> to vector<16xf32>
        %add3A_427 = arith.addf %add3A_421, %get3A_426 : vector<16xf32>
        %get3A_428 = arith.constant 21 : i32
        %get3A_429 = arith.index_cast %get3A_428 : i32 to index
        %get3A_430 = arith.index_cast %mul3A_294 : i32 to index
        %get3A_431 = tpu.vector_load %arg8[%get3A_429, %get3A_430] {strides = array<i32>} : memref<72x768xf32, #tpu.memory_space<vmem>>, vector<1x16xf32>,
        %get3A_432 = vector.shape_cast %get3A_431 : vector<1x16xf32> to vector<16xf32>
        %add3A_433 = arith.addf %add3A_427, %get3A_432 : vector<16xf32>
        %get3A_434 = arith.constant 22 : i32
        %get3A_435 = arith.index_cast %get3A_434 : i32 to index
        %get3A_436 = arith.index_cast %mul3A_294 : i32 to index
        %get3A_437 = tpu.vector_load %arg8[%get3A_435, %get3A_436] {strides = array<i32>} : memref<72x768xf32, #tpu.memory_space<vmem>>, vector<1x16xf32>,
        %get3A_438 = vector.shape_cast %get3A_437 : vector<1x16xf32> to vector<16xf32>
        %add3A_439 = arith.addf %add3A_433, %get3A_438 : vector<16xf32>
        %get3A_440 = arith.constant 23 : i32
        %get3A_441 = arith.index_cast %get3A_440 : i32 to index
        %get3A_442 = arith.index_cast %mul3A_294 : i32 to index
        %get3A_443 = tpu.vector_load %arg8[%get3A_441, %get3A_442] {strides = array<i32>} : memref<72x768xf32, #tpu.memory_space<vmem>>, vector<1x16xf32>,
        %get3A_444 = vector.shape_cast %get3A_443 : vector<1x16xf32> to vector<16xf32>
        %add3A_445 = arith.addf %add3A_439, %get3A_444 : vector<16xf32>
        %get3A_446 = arith.constant 24 : i32
        %get3A_447 = arith.index_cast %get3A_446 : i32 to index
        %get3A_448 = arith.index_cast %mul3A_294 : i32 to index
        %get3A_449 = tpu.vector_load %arg8[%get3A_447, %get3A_448] {strides = array<i32>} : memref<72x768xf32, #tpu.memory_space<vmem>>, vector<1x16xf32>,
        %get3A_450 = vector.shape_cast %get3A_449 : vector<1x16xf32> to vector<16xf32>
        %add3A_451 = arith.addf %add3A_445, %get3A_450 : vector<16xf32>
        %get3A_452 = arith.constant 25 : i32
        %get3A_453 = arith.index_cast %get3A_452 : i32 to index
        %get3A_454 = arith.index_cast %mul3A_294 : i32 to index
        %get3A_455 = tpu.vector_load %arg8[%get3A_453, %get3A_454] {strides = array<i32>} : memref<72x768xf32, #tpu.memory_space<vmem>>, vector<1x16xf32>,
        %get3A_456 = vector.shape_cast %get3A_455 : vector<1x16xf32> to vector<16xf32>
        %add3A_457 = arith.addf %add3A_451, %get3A_456 : vector<16xf32>
        %get3A_458 = arith.constant 26 : i32
        %get3A_459 = arith.index_cast %get3A_458 : i32 to index
        %get3A_460 = arith.index_cast %mul3A_294 : i32 to index
        %get3A_461 = tpu.vector_load %arg8[%get3A_459, %get3A_460] {strides = array<i32>} : memref<72x768xf32, #tpu.memory_space<vmem>>, vector<1x16xf32>,
        %get3A_462 = vector.shape_cast %get3A_461 : vector<1x16xf32> to vector<16xf32>
        %add3A_463 = arith.addf %add3A_457, %get3A_462 : vector<16xf32>
        %add3A_464 = arith.constant 1536 : i32
        %add3A_465 = arith.addi %add3A_464, %mul3A_294 : i32
        %swap3A_466 = arith.index_cast %add3A_465 : i32 to index
        %swap3A_467 = tpu.vector_load %arg9[%swap3A_466] {strides = array<i32>} : memref<6144xf32, #tpu.memory_space<vmem>>, vector<16xf32>,
        %swap3A_468 = vector.shape_cast %swap3A_467 : vector<16xf32> to vector<16xf32>
        %swap3A_469 = vector.shape_cast %add3A_463 : vector<16xf32> to vector<16xf32>
        tpu.vector_store %arg9[%swap3A_466], %swap3A_469 {strides = array<i32>} : memref<6144xf32, #tpu.memory_space<vmem>>, vector<16xf32>,
        %get3A_470 = arith.constant 27 : i32
        %get3A_471 = arith.index_cast %get3A_470 : i32 to index
        %get3A_472 = arith.index_cast %mul3A_294 : i32 to index
        %get3A_473 = tpu.vector_load %arg8[%get3A_471, %get3A_472] {strides = array<i32>} : memref<72x768xf32, #tpu.memory_space<vmem>>, vector<1x16xf32>,
        %get3A_474 = vector.shape_cast %get3A_473 : vector<1x16xf32> to vector<16xf32>
        %get3A_475 = arith.constant 28 : i32
        %get3A_476 = arith.index_cast %get3A_475 : i32 to index
        %get3A_477 = arith.index_cast %mul3A_294 : i32 to index
        %get3A_478 = tpu.vector_load %arg8[%get3A_476, %get3A_477] {strides = array<i32>} : memref<72x768xf32, #tpu.memory_space<vmem>>, vector<1x16xf32>,
        %get3A_479 = vector.shape_cast %get3A_478 : vector<1x16xf32> to vector<16xf32>
        %add3A_480 = arith.addf %get3A_474, %get3A_479 : vector<16xf32>
        %get3A_481 = arith.constant 29 : i32
        %get3A_482 = arith.index_cast %get3A_481 : i32 to index
        %get3A_483 = arith.index_cast %mul3A_294 : i32 to index
        %get3A_484 = tpu.vector_load %arg8[%get3A_482, %get3A_483] {strides = array<i32>} : memref<72x768xf32, #tpu.memory_space<vmem>>, vector<1x16xf32>,
        %get3A_485 = vector.shape_cast %get3A_484 : vector<1x16xf32> to vector<16xf32>
        %add3A_486 = arith.addf %add3A_480, %get3A_485 : vector<16xf32>
        %get3A_487 = arith.constant 30 : i32
        %get3A_488 = arith.index_cast %get3A_487 : i32 to index
        %get3A_489 = arith.index_cast %mul3A_294 : i32 to index
        %get3A_490 = tpu.vector_load %arg8[%get3A_488, %get3A_489] {strides = array<i32>} : memref<72x768xf32, #tpu.memory_space<vmem>>, vector<1x16xf32>,
        %get3A_491 = vector.shape_cast %get3A_490 : vector<1x16xf32> to vector<16xf32>
        %add3A_492 = arith.addf %add3A_486, %get3A_491 : vector<16xf32>
        %get3A_493 = arith.constant 31 : i32
        %get3A_494 = arith.index_cast %get3A_493 : i32 to index
        %get3A_495 = arith.index_cast %mul3A_294 : i32 to index
        %get3A_496 = tpu.vector_load %arg8[%get3A_494, %get3A_495] {strides = array<i32>} : memref<72x768xf32, #tpu.memory_space<vmem>>, vector<1x16xf32>,
        %get3A_497 = vector.shape_cast %get3A_496 : vector<1x16xf32> to vector<16xf32>
        %add3A_498 = arith.addf %add3A_492, %get3A_497 : vector<16xf32>
        %get3A_499 = arith.constant 32 : i32
        %get3A_500 = arith.index_cast %get3A_499 : i32 to index
        %get3A_501 = arith.index_cast %mul3A_294 : i32 to index
        %get3A_502 = tpu.vector_load %arg8[%get3A_500, %get3A_501] {strides = array<i32>} : memref<72x768xf32, #tpu.memory_space<vmem>>, vector<1x16xf32>,
        %get3A_503 = vector.shape_cast %get3A_502 : vector<1x16xf32> to vector<16xf32>
        %add3A_504 = arith.addf %add3A_498, %get3A_503 : vector<16xf32>
        %get3A_505 = arith.constant 33 : i32
        %get3A_506 = arith.index_cast %get3A_505 : i32 to index
        %get3A_507 = arith.index_cast %mul3A_294 : i32 to index
        %get3A_508 = tpu.vector_load %arg8[%get3A_506, %get3A_507] {strides = array<i32>} : memref<72x768xf32, #tpu.memory_space<vmem>>, vector<1x16xf32>,
        %get3A_509 = vector.shape_cast %get3A_508 : vector<1x16xf32> to vector<16xf32>
        %add3A_510 = arith.addf %add3A_504, %get3A_509 : vector<16xf32>
        %get3A_511 = arith.constant 34 : i32
        %get3A_512 = arith.index_cast %get3A_511 : i32 to index
        %get3A_513 = arith.index_cast %mul3A_294 : i32 to index
        %get3A_514 = tpu.vector_load %arg8[%get3A_512, %get3A_513] {strides = array<i32>} : memref<72x768xf32, #tpu.memory_space<vmem>>, vector<1x16xf32>,
        %get3A_515 = vector.shape_cast %get3A_514 : vector<1x16xf32> to vector<16xf32>
        %add3A_516 = arith.addf %add3A_510, %get3A_515 : vector<16xf32>
        %get3A_517 = arith.constant 35 : i32
        %get3A_518 = arith.index_cast %get3A_517 : i32 to index
        %get3A_519 = arith.index_cast %mul3A_294 : i32 to index
        %get3A_520 = tpu.vector_load %arg8[%get3A_518, %get3A_519] {strides = array<i32>} : memref<72x768xf32, #tpu.memory_space<vmem>>, vector<1x16xf32>,
        %get3A_521 = vector.shape_cast %get3A_520 : vector<1x16xf32> to vector<16xf32>
        %add3A_522 = arith.addf %add3A_516, %get3A_521 : vector<16xf32>
        %add3A_523 = arith.constant 2304 : i32
        %add3A_524 = arith.addi %add3A_523, %mul3A_294 : i32
        %swap3A_525 = arith.index_cast %add3A_524 : i32 to index
        %swap3A_526 = tpu.vector_load %arg9[%swap3A_525] {strides = array<i32>} : memref<6144xf32, #tpu.memory_space<vmem>>, vector<16xf32>,
        %swap3A_527 = vector.shape_cast %swap3A_526 : vector<16xf32> to vector<16xf32>
        %swap3A_528 = vector.shape_cast %add3A_522 : vector<16xf32> to vector<16xf32>
        tpu.vector_store %arg9[%swap3A_525], %swap3A_528 {strides = array<i32>} : memref<6144xf32, #tpu.memory_space<vmem>>, vector<16xf32>,
        %get3A_529 = arith.constant 36 : i32
        %get3A_530 = arith.index_cast %get3A_529 : i32 to index
        %get3A_531 = arith.index_cast %mul3A_294 : i32 to index
        %get3A_532 = tpu.vector_load %arg8[%get3A_530, %get3A_531] {strides = array<i32>} : memref<72x768xf32, #tpu.memory_space<vmem>>, vector<1x16xf32>,
        %get3A_533 = vector.shape_cast %get3A_532 : vector<1x16xf32> to vector<16xf32>
        %get3A_534 = arith.constant 37 : i32
        %get3A_535 = arith.index_cast %get3A_534 : i32 to index
        %get3A_536 = arith.index_cast %mul3A_294 : i32 to index
        %get3A_537 = tpu.vector_load %arg8[%get3A_535, %get3A_536] {strides = array<i32>} : memref<72x768xf32, #tpu.memory_space<vmem>>, vector<1x16xf32>,
        %get3A_538 = vector.shape_cast %get3A_537 : vector<1x16xf32> to vector<16xf32>
        %add3A_539 = arith.addf %get3A_533, %get3A_538 : vector<16xf32>
        %get3A_540 = arith.constant 38 : i32
        %get3A_541 = arith.index_cast %get3A_540 : i32 to index
        %get3A_542 = arith.index_cast %mul3A_294 : i32 to index
        %get3A_543 = tpu.vector_load %arg8[%get3A_541, %get3A_542] {strides = array<i32>} : memref<72x768xf32, #tpu.memory_space<vmem>>, vector<1x16xf32>,
        %get3A_544 = vector.shape_cast %get3A_543 : vector<1x16xf32> to vector<16xf32>
        %add3A_545 = arith.addf %add3A_539, %get3A_544 : vector<16xf32>
        %get3A_546 = arith.constant 39 : i32
        %get3A_547 = arith.index_cast %get3A_546 : i32 to index
        %get3A_548 = arith.index_cast %mul3A_294 : i32 to index
        %get3A_549 = tpu.vector_load %arg8[%get3A_547, %get3A_548] {strides = array<i32>} : memref<72x768xf32, #tpu.memory_space<vmem>>, vector<1x16xf32>,
        %get3A_550 = vector.shape_cast %get3A_549 : vector<1x16xf32> to vector<16xf32>
        %add3A_551 = arith.addf %add3A_545, %get3A_550 : vector<16xf32>
        %get3A_552 = arith.constant 40 : i32
        %get3A_553 = arith.index_cast %get3A_552 : i32 to index
        %get3A_554 = arith.index_cast %mul3A_294 : i32 to index
        %get3A_555 = tpu.vector_load %arg8[%get3A_553, %get3A_554] {strides = array<i32>} : memref<72x768xf32, #tpu.memory_space<vmem>>, vector<1x16xf32>,
        %get3A_556 = vector.shape_cast %get3A_555 : vector<1x16xf32> to vector<16xf32>
        %add3A_557 = arith.addf %add3A_551, %get3A_556 : vector<16xf32>
        %get3A_558 = arith.constant 41 : i32
        %get3A_559 = arith.index_cast %get3A_558 : i32 to index
        %get3A_560 = arith.index_cast %mul3A_294 : i32 to index
        %get3A_561 = tpu.vector_load %arg8[%get3A_559, %get3A_560] {strides = array<i32>} : memref<72x768xf32, #tpu.memory_space<vmem>>, vector<1x16xf32>,
        %get3A_562 = vector.shape_cast %get3A_561 : vector<1x16xf32> to vector<16xf32>
        %add3A_563 = arith.addf %add3A_557, %get3A_562 : vector<16xf32>
        %get3A_564 = arith.constant 42 : i32
        %get3A_565 = arith.index_cast %get3A_564 : i32 to index
        %get3A_566 = arith.index_cast %mul3A_294 : i32 to index
        %get3A_567 = tpu.vector_load %arg8[%get3A_565, %get3A_566] {strides = array<i32>} : memref<72x768xf32, #tpu.memory_space<vmem>>, vector<1x16xf32>,
        %get3A_568 = vector.shape_cast %get3A_567 : vector<1x16xf32> to vector<16xf32>
        %add3A_569 = arith.addf %add3A_563, %get3A_568 : vector<16xf32>
        %get3A_570 = arith.constant 43 : i32
        %get3A_571 = arith.index_cast %get3A_570 : i32 to index
        %get3A_572 = arith.index_cast %mul3A_294 : i32 to index
        %get3A_573 = tpu.vector_load %arg8[%get3A_571, %get3A_572] {strides = array<i32>} : memref<72x768xf32, #tpu.memory_space<vmem>>, vector<1x16xf32>,
        %get3A_574 = vector.shape_cast %get3A_573 : vector<1x16xf32> to vector<16xf32>
        %add3A_575 = arith.addf %add3A_569, %get3A_574 : vector<16xf32>
        %get3A_576 = arith.constant 44 : i32
        %get3A_577 = arith.index_cast %get3A_576 : i32 to index
        %get3A_578 = arith.index_cast %mul3A_294 : i32 to index
        %get3A_579 = tpu.vector_load %arg8[%get3A_577, %get3A_578] {strides = array<i32>} : memref<72x768xf32, #tpu.memory_space<vmem>>, vector<1x16xf32>,
        %get3A_580 = vector.shape_cast %get3A_579 : vector<1x16xf32> to vector<16xf32>
        %add3A_581 = arith.addf %add3A_575, %get3A_580 : vector<16xf32>
        %add3A_582 = arith.constant 3072 : i32
        %add3A_583 = arith.addi %add3A_582, %mul3A_294 : i32
        %swap3A_584 = arith.index_cast %add3A_583 : i32 to index
        %swap3A_585 = tpu.vector_load %arg9[%swap3A_584] {strides = array<i32>} : memref<6144xf32, #tpu.memory_space<vmem>>, vector<16xf32>,
        %swap3A_586 = vector.shape_cast %swap3A_585 : vector<16xf32> to vector<16xf32>
        %swap3A_587 = vector.shape_cast %add3A_581 : vector<16xf32> to vector<16xf32>
        tpu.vector_store %arg9[%swap3A_584], %swap3A_587 {strides = array<i32>} : memref<6144xf32, #tpu.memory_space<vmem>>, vector<16xf32>,
        %get3A_588 = arith.constant 45 : i32
        %get3A_589 = arith.index_cast %get3A_588 : i32 to index
        %get3A_590 = arith.index_cast %mul3A_294 : i32 to index
        %get3A_591 = tpu.vector_load %arg8[%get3A_589, %get3A_590] {strides = array<i32>} : memref<72x768xf32, #tpu.memory_space<vmem>>, vector<1x16xf32>,
        %get3A_592 = vector.shape_cast %get3A_591 : vector<1x16xf32> to vector<16xf32>
        %get3A_593 = arith.constant 46 : i32
        %get3A_594 = arith.index_cast %get3A_593 : i32 to index
        %get3A_595 = arith.index_cast %mul3A_294 : i32 to index
        %get3A_596 = tpu.vector_load %arg8[%get3A_594, %get3A_595] {strides = array<i32>} : memref<72x768xf32, #tpu.memory_space<vmem>>, vector<1x16xf32>,
        %get3A_597 = vector.shape_cast %get3A_596 : vector<1x16xf32> to vector<16xf32>
        %add3A_598 = arith.addf %get3A_592, %get3A_597 : vector<16xf32>
        %get3A_599 = arith.constant 47 : i32
        %get3A_600 = arith.index_cast %get3A_599 : i32 to index
        %get3A_601 = arith.index_cast %mul3A_294 : i32 to index
        %get3A_602 = tpu.vector_load %arg8[%get3A_600, %get3A_601] {strides = array<i32>} : memref<72x768xf32, #tpu.memory_space<vmem>>, vector<1x16xf32>,
        %get3A_603 = vector.shape_cast %get3A_602 : vector<1x16xf32> to vector<16xf32>
        %add3A_604 = arith.addf %add3A_598, %get3A_603 : vector<16xf32>
        %get3A_605 = arith.constant 48 : i32
        %get3A_606 = arith.index_cast %get3A_605 : i32 to index
        %get3A_607 = arith.index_cast %mul3A_294 : i32 to index
        %get3A_608 = tpu.vector_load %arg8[%get3A_606, %get3A_607] {strides = array<i32>} : memref<72x768xf32, #tpu.memory_space<vmem>>, vector<1x16xf32>,
        %get3A_609 = vector.shape_cast %get3A_608 : vector<1x16xf32> to vector<16xf32>
        %add3A_610 = arith.addf %add3A_604, %get3A_609 : vector<16xf32>
        %get3A_611 = arith.constant 49 : i32
        %get3A_612 = arith.index_cast %get3A_611 : i32 to index
        %get3A_613 = arith.index_cast %mul3A_294 : i32 to index
        %get3A_614 = tpu.vector_load %arg8[%get3A_612, %get3A_613] {strides = array<i32>} : memref<72x768xf32, #tpu.memory_space<vmem>>, vector<1x16xf32>,
        %get3A_615 = vector.shape_cast %get3A_614 : vector<1x16xf32> to vector<16xf32>
        %add3A_616 = arith.addf %add3A_610, %get3A_615 : vector<16xf32>
        %get3A_617 = arith.constant 50 : i32
        %get3A_618 = arith.index_cast %get3A_617 : i32 to index
        %get3A_619 = arith.index_cast %mul3A_294 : i32 to index
        %get3A_620 = tpu.vector_load %arg8[%get3A_618, %get3A_619] {strides = array<i32>} : memref<72x768xf32, #tpu.memory_space<vmem>>, vector<1x16xf32>,
        %get3A_621 = vector.shape_cast %get3A_620 : vector<1x16xf32> to vector<16xf32>
        %add3A_622 = arith.addf %add3A_616, %get3A_621 : vector<16xf32>
        %get3A_623 = arith.constant 51 : i32
        %get3A_624 = arith.index_cast %get3A_623 : i32 to index
        %get3A_625 = arith.index_cast %mul3A_294 : i32 to index
        %get3A_626 = tpu.vector_load %arg8[%get3A_624, %get3A_625] {strides = array<i32>} : memref<72x768xf32, #tpu.memory_space<vmem>>, vector<1x16xf32>,
        %get3A_627 = vector.shape_cast %get3A_626 : vector<1x16xf32> to vector<16xf32>
        %add3A_628 = arith.addf %add3A_622, %get3A_627 : vector<16xf32>
        %get3A_629 = arith.constant 52 : i32
        %get3A_630 = arith.index_cast %get3A_629 : i32 to index
        %get3A_631 = arith.index_cast %mul3A_294 : i32 to index
        %get3A_632 = tpu.vector_load %arg8[%get3A_630, %get3A_631] {strides = array<i32>} : memref<72x768xf32, #tpu.memory_space<vmem>>, vector<1x16xf32>,
        %get3A_633 = vector.shape_cast %get3A_632 : vector<1x16xf32> to vector<16xf32>
        %add3A_634 = arith.addf %add3A_628, %get3A_633 : vector<16xf32>
        %get3A_635 = arith.constant 53 : i32
        %get3A_636 = arith.index_cast %get3A_635 : i32 to index
        %get3A_637 = arith.index_cast %mul3A_294 : i32 to index
        %get3A_638 = tpu.vector_load %arg8[%get3A_636, %get3A_637] {strides = array<i32>} : memref<72x768xf32, #tpu.memory_space<vmem>>, vector<1x16xf32>,
        %get3A_639 = vector.shape_cast %get3A_638 : vector<1x16xf32> to vector<16xf32>
        %add3A_640 = arith.addf %add3A_634, %get3A_639 : vector<16xf32>
        %add3A_641 = arith.constant 3840 : i32
        %add3A_642 = arith.addi %add3A_641, %mul3A_294 : i32
        %swap3A_643 = arith.index_cast %add3A_642 : i32 to index
        %swap3A_644 = tpu.vector_load %arg9[%swap3A_643] {strides = array<i32>} : memref<6144xf32, #tpu.memory_space<vmem>>, vector<16xf32>,
        %swap3A_645 = vector.shape_cast %swap3A_644 : vector<16xf32> to vector<16xf32>
        %swap3A_646 = vector.shape_cast %add3A_640 : vector<16xf32> to vector<16xf32>
        tpu.vector_store %arg9[%swap3A_643], %swap3A_646 {strides = array<i32>} : memref<6144xf32, #tpu.memory_space<vmem>>, vector<16xf32>,
        %get3A_647 = arith.constant 54 : i32
        %get3A_648 = arith.index_cast %get3A_647 : i32 to index
        %get3A_649 = arith.index_cast %mul3A_294 : i32 to index
        %get3A_650 = tpu.vector_load %arg8[%get3A_648, %get3A_649] {strides = array<i32>} : memref<72x768xf32, #tpu.memory_space<vmem>>, vector<1x16xf32>,
        %get3A_651 = vector.shape_cast %get3A_650 : vector<1x16xf32> to vector<16xf32>
        %get3A_652 = arith.constant 55 : i32
        %get3A_653 = arith.index_cast %get3A_652 : i32 to index
        %get3A_654 = arith.index_cast %mul3A_294 : i32 to index
        %get3A_655 = tpu.vector_load %arg8[%get3A_653, %get3A_654] {strides = array<i32>} : memref<72x768xf32, #tpu.memory_space<vmem>>, vector<1x16xf32>,
        %get3A_656 = vector.shape_cast %get3A_655 : vector<1x16xf32> to vector<16xf32>
        %add3A_657 = arith.addf %get3A_651, %get3A_656 : vector<16xf32>
        %get3A_658 = arith.constant 56 : i32
        %get3A_659 = arith.index_cast %get3A_658 : i32 to index
        %get3A_660 = arith.index_cast %mul3A_294 : i32 to index
        %get3A_661 = tpu.vector_load %arg8[%get3A_659, %get3A_660] {strides = array<i32>} : memref<72x768xf32, #tpu.memory_space<vmem>>, vector<1x16xf32>,
        %get3A_662 = vector.shape_cast %get3A_661 : vector<1x16xf32> to vector<16xf32>
        %add3A_663 = arith.addf %add3A_657, %get3A_662 : vector<16xf32>
        %get3A_664 = arith.constant 57 : i32
        %get3A_665 = arith.index_cast %get3A_664 : i32 to index
        %get3A_666 = arith.index_cast %mul3A_294 : i32 to index
        %get3A_667 = tpu.vector_load %arg8[%get3A_665, %get3A_666] {strides = array<i32>} : memref<72x768xf32, #tpu.memory_space<vmem>>, vector<1x16xf32>,
        %get3A_668 = vector.shape_cast %get3A_667 : vector<1x16xf32> to vector<16xf32>
        %add3A_669 = arith.addf %add3A_663, %get3A_668 : vector<16xf32>
        %get3A_670 = arith.constant 58 : i32
        %get3A_671 = arith.index_cast %get3A_670 : i32 to index
        %get3A_672 = arith.index_cast %mul3A_294 : i32 to index
        %get3A_673 = tpu.vector_load %arg8[%get3A_671, %get3A_672] {strides = array<i32>} : memref<72x768xf32, #tpu.memory_space<vmem>>, vector<1x16xf32>,
        %get3A_674 = vector.shape_cast %get3A_673 : vector<1x16xf32> to vector<16xf32>
        %add3A_675 = arith.addf %add3A_669, %get3A_674 : vector<16xf32>
        %get3A_676 = arith.constant 59 : i32
        %get3A_677 = arith.index_cast %get3A_676 : i32 to index
        %get3A_678 = arith.index_cast %mul3A_294 : i32 to index
        %get3A_679 = tpu.vector_load %arg8[%get3A_677, %get3A_678] {strides = array<i32>} : memref<72x768xf32, #tpu.memory_space<vmem>>, vector<1x16xf32>,
        %get3A_680 = vector.shape_cast %get3A_679 : vector<1x16xf32> to vector<16xf32>
        %add3A_681 = arith.addf %add3A_675, %get3A_680 : vector<16xf32>
        %get3A_682 = arith.constant 60 : i32
        %get3A_683 = arith.index_cast %get3A_682 : i32 to index
        %get3A_684 = arith.index_cast %mul3A_294 : i32 to index
        %get3A_685 = tpu.vector_load %arg8[%get3A_683, %get3A_684] {strides = array<i32>} : memref<72x768xf32, #tpu.memory_space<vmem>>, vector<1x16xf32>,
        %get3A_686 = vector.shape_cast %get3A_685 : vector<1x16xf32> to vector<16xf32>
        %add3A_687 = arith.addf %add3A_681, %get3A_686 : vector<16xf32>
        %get3A_688 = arith.constant 61 : i32
        %get3A_689 = arith.index_cast %get3A_688 : i32 to index
        %get3A_690 = arith.index_cast %mul3A_294 : i32 to index
        %get3A_691 = tpu.vector_load %arg8[%get3A_689, %get3A_690] {strides = array<i32>} : memref<72x768xf32, #tpu.memory_space<vmem>>, vector<1x16xf32>,
        %get3A_692 = vector.shape_cast %get3A_691 : vector<1x16xf32> to vector<16xf32>
        %add3A_693 = arith.addf %add3A_687, %get3A_692 : vector<16xf32>
        %get3A_694 = arith.constant 62 : i32
        %get3A_695 = arith.index_cast %get3A_694 : i32 to index
        %get3A_696 = arith.index_cast %mul3A_294 : i32 to index
        %get3A_697 = tpu.vector_load %arg8[%get3A_695, %get3A_696] {strides = array<i32>} : memref<72x768xf32, #tpu.memory_space<vmem>>, vector<1x16xf32>,
        %get3A_698 = vector.shape_cast %get3A_697 : vector<1x16xf32> to vector<16xf32>
        %add3A_699 = arith.addf %add3A_693, %get3A_698 : vector<16xf32>
        %add3A_700 = arith.constant 4608 : i32
        %add3A_701 = arith.addi %add3A_700, %mul3A_294 : i32
        %swap3A_702 = arith.index_cast %add3A_701 : i32 to index
        %swap3A_703 = tpu.vector_load %arg9[%swap3A_702] {strides = array<i32>} : memref<6144xf32, #tpu.memory_space<vmem>>, vector<16xf32>,
        %swap3A_704 = vector.shape_cast %swap3A_703 : vector<16xf32> to vector<16xf32>
        %swap3A_705 = vector.shape_cast %add3A_699 : vector<16xf32> to vector<16xf32>
        tpu.vector_store %arg9[%swap3A_702], %swap3A_705 {strides = array<i32>} : memref<6144xf32, #tpu.memory_space<vmem>>, vector<16xf32>,
        %get3A_706 = arith.constant 63 : i32
        %get3A_707 = arith.index_cast %get3A_706 : i32 to index
        %get3A_708 = arith.index_cast %mul3A_294 : i32 to index
        %get3A_709 = tpu.vector_load %arg8[%get3A_707, %get3A_708] {strides = array<i32>} : memref<72x768xf32, #tpu.memory_space<vmem>>, vector<1x16xf32>,
        %get3A_710 = vector.shape_cast %get3A_709 : vector<1x16xf32> to vector<16xf32>
        %get3A_711 = arith.constant 64 : i32
        %get3A_712 = arith.index_cast %get3A_711 : i32 to index
        %get3A_713 = arith.index_cast %mul3A_294 : i32 to index
        %get3A_714 = tpu.vector_load %arg8[%get3A_712, %get3A_713] {strides = array<i32>} : memref<72x768xf32, #tpu.memory_space<vmem>>, vector<1x16xf32>,
        %get3A_715 = vector.shape_cast %get3A_714 : vector<1x16xf32> to vector<16xf32>
        %add3A_716 = arith.addf %get3A_710, %get3A_715 : vector<16xf32>
        %get3A_717 = arith.constant 65 : i32
        %get3A_718 = arith.index_cast %get3A_717 : i32 to index
        %get3A_719 = arith.index_cast %mul3A_294 : i32 to index
        %get3A_720 = tpu.vector_load %arg8[%get3A_718, %get3A_719] {strides = array<i32>} : memref<72x768xf32, #tpu.memory_space<vmem>>, vector<1x16xf32>,
        %get3A_721 = vector.shape_cast %get3A_720 : vector<1x16xf32> to vector<16xf32>
        %add3A_722 = arith.addf %add3A_716, %get3A_721 : vector<16xf32>
        %get3A_723 = arith.constant 66 : i32
        %get3A_724 = arith.index_cast %get3A_723 : i32 to index
        %get3A_725 = arith.index_cast %mul3A_294 : i32 to index
        %get3A_726 = tpu.vector_load %arg8[%get3A_724, %get3A_725] {strides = array<i32>} : memref<72x768xf32, #tpu.memory_space<vmem>>, vector<1x16xf32>,
        %get3A_727 = vector.shape_cast %get3A_726 : vector<1x16xf32> to vector<16xf32>
        %add3A_728 = arith.addf %add3A_722, %get3A_727 : vector<16xf32>
        %get3A_729 = arith.constant 67 : i32
        %get3A_730 = arith.index_cast %get3A_729 : i32 to index
        %get3A_731 = arith.index_cast %mul3A_294 : i32 to index
        %get3A_732 = tpu.vector_load %arg8[%get3A_730, %get3A_731] {strides = array<i32>} : memref<72x768xf32, #tpu.memory_space<vmem>>, vector<1x16xf32>,
        %get3A_733 = vector.shape_cast %get3A_732 : vector<1x16xf32> to vector<16xf32>
        %add3A_734 = arith.addf %add3A_728, %get3A_733 : vector<16xf32>
        %get3A_735 = arith.constant 68 : i32
        %get3A_736 = arith.index_cast %get3A_735 : i32 to index
        %get3A_737 = arith.index_cast %mul3A_294 : i32 to index
        %get3A_738 = tpu.vector_load %arg8[%get3A_736, %get3A_737] {strides = array<i32>} : memref<72x768xf32, #tpu.memory_space<vmem>>, vector<1x16xf32>,
        %get3A_739 = vector.shape_cast %get3A_738 : vector<1x16xf32> to vector<16xf32>
        %add3A_740 = arith.addf %add3A_734, %get3A_739 : vector<16xf32>
        %get3A_741 = arith.constant 69 : i32
        %get3A_742 = arith.index_cast %get3A_741 : i32 to index
        %get3A_743 = arith.index_cast %mul3A_294 : i32 to index
        %get3A_744 = tpu.vector_load %arg8[%get3A_742, %get3A_743] {strides = array<i32>} : memref<72x768xf32, #tpu.memory_space<vmem>>, vector<1x16xf32>,
        %get3A_745 = vector.shape_cast %get3A_744 : vector<1x16xf32> to vector<16xf32>
        %add3A_746 = arith.addf %add3A_740, %get3A_745 : vector<16xf32>
        %get3A_747 = arith.constant 70 : i32
        %get3A_748 = arith.index_cast %get3A_747 : i32 to index
        %get3A_749 = arith.index_cast %mul3A_294 : i32 to index
        %get3A_750 = tpu.vector_load %arg8[%get3A_748, %get3A_749] {strides = array<i32>} : memref<72x768xf32, #tpu.memory_space<vmem>>, vector<1x16xf32>,
        %get3A_751 = vector.shape_cast %get3A_750 : vector<1x16xf32> to vector<16xf32>
        %add3A_752 = arith.addf %add3A_746, %get3A_751 : vector<16xf32>
        %get3A_753 = arith.constant 71 : i32
        %get3A_754 = arith.index_cast %get3A_753 : i32 to index
        %get3A_755 = arith.index_cast %mul3A_294 : i32 to index
        %get3A_756 = tpu.vector_load %arg8[%get3A_754, %get3A_755] {strides = array<i32>} : memref<72x768xf32, #tpu.memory_space<vmem>>, vector<1x16xf32>,
        %get3A_757 = vector.shape_cast %get3A_756 : vector<1x16xf32> to vector<16xf32>
        %add3A_758 = arith.addf %add3A_752, %get3A_757 : vector<16xf32>
        %add3A_759 = arith.constant 5376 : i32
        %add3A_760 = arith.addi %add3A_759, %mul3A_294 : i32
        %swap3A_761 = arith.index_cast %add3A_760 : i32 to index
        %swap3A_762 = tpu.vector_load %arg9[%swap3A_761] {strides = array<i32>} : memref<6144xf32, #tpu.memory_space<vmem>>, vector<16xf32>,
        %swap3A_763 = vector.shape_cast %swap3A_762 : vector<16xf32> to vector<16xf32>
        %swap3A_764 = vector.shape_cast %add3A_758 : vector<16xf32> to vector<16xf32>
        tpu.vector_store %arg9[%swap3A_761], %swap3A_764 {strides = array<i32>} : memref<6144xf32, #tpu.memory_space<vmem>>, vector<16xf32>,
        %mul3A_765 = arith.constant 2 : i32
        %mul3A_766 = arith.muli %mul3A_765, %scan3A_288 : i32
        %add3A_767 = arith.constant 1 : i32
        %add3A_768 = arith.addi %mul3A_766, %add3A_767 : i32
        %mul3A_769 = arith.constant 16 : i32
        %mul3A_770 = arith.muli %add3A_768, %mul3A_769 : i32
        %get3A_771 = arith.constant 0 : i32
        %get3A_772 = arith.index_cast %get3A_771 : i32 to index
        %get3A_773 = arith.index_cast %mul3A_770 : i32 to index
        %get3A_774 = tpu.vector_load %arg8[%get3A_772, %get3A_773] {strides = array<i32>} : memref<72x768xf32, #tpu.memory_space<vmem>>, vector<1x16xf32>,
        %get3A_775 = vector.shape_cast %get3A_774 : vector<1x16xf32> to vector<16xf32>
        %get3A_776 = arith.constant 1 : i32
        %get3A_777 = arith.index_cast %get3A_776 : i32 to index
        %get3A_778 = arith.index_cast %mul3A_770 : i32 to index
        %get3A_779 = tpu.vector_load %arg8[%get3A_777, %get3A_778] {strides = array<i32>} : memref<72x768xf32, #tpu.memory_space<vmem>>, vector<1x16xf32>,
        %get3A_780 = vector.shape_cast %get3A_779 : vector<1x16xf32> to vector<16xf32>
        %add3A_781 = arith.addf %get3A_775, %get3A_780 : vector<16xf32>
        %get3A_782 = arith.constant 2 : i32
        %get3A_783 = arith.index_cast %get3A_782 : i32 to index
        %get3A_784 = arith.index_cast %mul3A_770 : i32 to index
        %get3A_785 = tpu.vector_load %arg8[%get3A_783, %get3A_784] {strides = array<i32>} : memref<72x768xf32, #tpu.memory_space<vmem>>, vector<1x16xf32>,
        %get3A_786 = vector.shape_cast %get3A_785 : vector<1x16xf32> to vector<16xf32>
        %add3A_787 = arith.addf %add3A_781, %get3A_786 : vector<16xf32>
        %get3A_788 = arith.constant 3 : i32
        %get3A_789 = arith.index_cast %get3A_788 : i32 to index
        %get3A_790 = arith.index_cast %mul3A_770 : i32 to index
        %get3A_791 = tpu.vector_load %arg8[%get3A_789, %get3A_790] {strides = array<i32>} : memref<72x768xf32, #tpu.memory_space<vmem>>, vector<1x16xf32>,
        %get3A_792 = vector.shape_cast %get3A_791 : vector<1x16xf32> to vector<16xf32>
        %add3A_793 = arith.addf %add3A_787, %get3A_792 : vector<16xf32>
        %get3A_794 = arith.constant 4 : i32
        %get3A_795 = arith.index_cast %get3A_794 : i32 to index
        %get3A_796 = arith.index_cast %mul3A_770 : i32 to index
        %get3A_797 = tpu.vector_load %arg8[%get3A_795, %get3A_796] {strides = array<i32>} : memref<72x768xf32, #tpu.memory_space<vmem>>, vector<1x16xf32>,
        %get3A_798 = vector.shape_cast %get3A_797 : vector<1x16xf32> to vector<16xf32>
        %add3A_799 = arith.addf %add3A_793, %get3A_798 : vector<16xf32>
        %get3A_800 = arith.constant 5 : i32
        %get3A_801 = arith.index_cast %get3A_800 : i32 to index
        %get3A_802 = arith.index_cast %mul3A_770 : i32 to index
        %get3A_803 = tpu.vector_load %arg8[%get3A_801, %get3A_802] {strides = array<i32>} : memref<72x768xf32, #tpu.memory_space<vmem>>, vector<1x16xf32>,
        %get3A_804 = vector.shape_cast %get3A_803 : vector<1x16xf32> to vector<16xf32>
        %add3A_805 = arith.addf %add3A_799, %get3A_804 : vector<16xf32>
        %get3A_806 = arith.constant 6 : i32
        %get3A_807 = arith.index_cast %get3A_806 : i32 to index
        %get3A_808 = arith.index_cast %mul3A_770 : i32 to index
        %get3A_809 = tpu.vector_load %arg8[%get3A_807, %get3A_808] {strides = array<i32>} : memref<72x768xf32, #tpu.memory_space<vmem>>, vector<1x16xf32>,
        %get3A_810 = vector.shape_cast %get3A_809 : vector<1x16xf32> to vector<16xf32>
        %add3A_811 = arith.addf %add3A_805, %get3A_810 : vector<16xf32>
        %get3A_812 = arith.constant 7 : i32
        %get3A_813 = arith.index_cast %get3A_812 : i32 to index
        %get3A_814 = arith.index_cast %mul3A_770 : i32 to index
        %get3A_815 = tpu.vector_load %arg8[%get3A_813, %get3A_814] {strides = array<i32>} : memref<72x768xf32, #tpu.memory_space<vmem>>, vector<1x16xf32>,
        %get3A_816 = vector.shape_cast %get3A_815 : vector<1x16xf32> to vector<16xf32>
        %add3A_817 = arith.addf %add3A_811, %get3A_816 : vector<16xf32>
        %get3A_818 = arith.constant 8 : i32
        %get3A_819 = arith.index_cast %get3A_818 : i32 to index
        %get3A_820 = arith.index_cast %mul3A_770 : i32 to index
        %get3A_821 = tpu.vector_load %arg8[%get3A_819, %get3A_820] {strides = array<i32>} : memref<72x768xf32, #tpu.memory_space<vmem>>, vector<1x16xf32>,
        %get3A_822 = vector.shape_cast %get3A_821 : vector<1x16xf32> to vector<16xf32>
        %add3A_823 = arith.addf %add3A_817, %get3A_822 : vector<16xf32>
        %add3A_824 = arith.constant 0 : i32
        %add3A_825 = arith.addi %add3A_824, %mul3A_770 : i32
        %swap3A_826 = arith.index_cast %add3A_825 : i32 to index
        %swap3A_827 = tpu.vector_load %arg9[%swap3A_826] {strides = array<i32>} : memref<6144xf32, #tpu.memory_space<vmem>>, vector<16xf32>,
        %swap3A_828 = vector.shape_cast %swap3A_827 : vector<16xf32> to vector<16xf32>
        %swap3A_829 = vector.shape_cast %add3A_823 : vector<16xf32> to vector<16xf32>
        tpu.vector_store %arg9[%swap3A_826], %swap3A_829 {strides = array<i32>} : memref<6144xf32, #tpu.memory_space<vmem>>, vector<16xf32>,
        %get3A_830 = arith.constant 9 : i32
        %get3A_831 = arith.index_cast %get3A_830 : i32 to index
        %get3A_832 = arith.index_cast %mul3A_770 : i32 to index
        %get3A_833 = tpu.vector_load %arg8[%get3A_831, %get3A_832] {strides = array<i32>} : memref<72x768xf32, #tpu.memory_space<vmem>>, vector<1x16xf32>,
        %get3A_834 = vector.shape_cast %get3A_833 : vector<1x16xf32> to vector<16xf32>
        %get3A_835 = arith.constant 10 : i32
        %get3A_836 = arith.index_cast %get3A_835 : i32 to index
        %get3A_837 = arith.index_cast %mul3A_770 : i32 to index
        %get3A_838 = tpu.vector_load %arg8[%get3A_836, %get3A_837] {strides = array<i32>} : memref<72x768xf32, #tpu.memory_space<vmem>>, vector<1x16xf32>,
        %get3A_839 = vector.shape_cast %get3A_838 : vector<1x16xf32> to vector<16xf32>
        %add3A_840 = arith.addf %get3A_834, %get3A_839 : vector<16xf32>
        %get3A_841 = arith.constant 11 : i32
        %get3A_842 = arith.index_cast %get3A_841 : i32 to index
        %get3A_843 = arith.index_cast %mul3A_770 : i32 to index
        %get3A_844 = tpu.vector_load %arg8[%get3A_842, %get3A_843] {strides = array<i32>} : memref<72x768xf32, #tpu.memory_space<vmem>>, vector<1x16xf32>,
        %get3A_845 = vector.shape_cast %get3A_844 : vector<1x16xf32> to vector<16xf32>
        %add3A_846 = arith.addf %add3A_840, %get3A_845 : vector<16xf32>
        %get3A_847 = arith.constant 12 : i32
        %get3A_848 = arith.index_cast %get3A_847 : i32 to index
        %get3A_849 = arith.index_cast %mul3A_770 : i32 to index
        %get3A_850 = tpu.vector_load %arg8[%get3A_848, %get3A_849] {strides = array<i32>} : memref<72x768xf32, #tpu.memory_space<vmem>>, vector<1x16xf32>,
        %get3A_851 = vector.shape_cast %get3A_850 : vector<1x16xf32> to vector<16xf32>
        %add3A_852 = arith.addf %add3A_846, %get3A_851 : vector<16xf32>
        %get3A_853 = arith.constant 13 : i32
        %get3A_854 = arith.index_cast %get3A_853 : i32 to index
        %get3A_855 = arith.index_cast %mul3A_770 : i32 to index
        %get3A_856 = tpu.vector_load %arg8[%get3A_854, %get3A_855] {strides = array<i32>} : memref<72x768xf32, #tpu.memory_space<vmem>>, vector<1x16xf32>,
        %get3A_857 = vector.shape_cast %get3A_856 : vector<1x16xf32> to vector<16xf32>
        %add3A_858 = arith.addf %add3A_852, %get3A_857 : vector<16xf32>
        %get3A_859 = arith.constant 14 : i32
        %get3A_860 = arith.index_cast %get3A_859 : i32 to index
        %get3A_861 = arith.index_cast %mul3A_770 : i32 to index
        %get3A_862 = tpu.vector_load %arg8[%get3A_860, %get3A_861] {strides = array<i32>} : memref<72x768xf32, #tpu.memory_space<vmem>>, vector<1x16xf32>,
        %get3A_863 = vector.shape_cast %get3A_862 : vector<1x16xf32> to vector<16xf32>
        %add3A_864 = arith.addf %add3A_858, %get3A_863 : vector<16xf32>
        %get3A_865 = arith.constant 15 : i32
        %get3A_866 = arith.index_cast %get3A_865 : i32 to index
        %get3A_867 = arith.index_cast %mul3A_770 : i32 to index
        %get3A_868 = tpu.vector_load %arg8[%get3A_866, %get3A_867] {strides = array<i32>} : memref<72x768xf32, #tpu.memory_space<vmem>>, vector<1x16xf32>,
        %get3A_869 = vector.shape_cast %get3A_868 : vector<1x16xf32> to vector<16xf32>
        %add3A_870 = arith.addf %add3A_864, %get3A_869 : vector<16xf32>
        %get3A_871 = arith.constant 16 : i32
        %get3A_872 = arith.index_cast %get3A_871 : i32 to index
        %get3A_873 = arith.index_cast %mul3A_770 : i32 to index
        %get3A_874 = tpu.vector_load %arg8[%get3A_872, %get3A_873] {strides = array<i32>} : memref<72x768xf32, #tpu.memory_space<vmem>>, vector<1x16xf32>,
        %get3A_875 = vector.shape_cast %get3A_874 : vector<1x16xf32> to vector<16xf32>
        %add3A_876 = arith.addf %add3A_870, %get3A_875 : vector<16xf32>
        %get3A_877 = arith.constant 17 : i32
        %get3A_878 = arith.index_cast %get3A_877 : i32 to index
        %get3A_879 = arith.index_cast %mul3A_770 : i32 to index
        %get3A_880 = tpu.vector_load %arg8[%get3A_878, %get3A_879] {strides = array<i32>} : memref<72x768xf32, #tpu.memory_space<vmem>>, vector<1x16xf32>,
        %get3A_881 = vector.shape_cast %get3A_880 : vector<1x16xf32> to vector<16xf32>
        %add3A_882 = arith.addf %add3A_876, %get3A_881 : vector<16xf32>
        %add3A_883 = arith.constant 768 : i32
        %add3A_884 = arith.addi %add3A_883, %mul3A_770 : i32
        %swap3A_885 = arith.index_cast %add3A_884 : i32 to index
        %swap3A_886 = tpu.vector_load %arg9[%swap3A_885] {strides = array<i32>} : memref<6144xf32, #tpu.memory_space<vmem>>, vector<16xf32>,
        %swap3A_887 = vector.shape_cast %swap3A_886 : vector<16xf32> to vector<16xf32>
        %swap3A_888 = vector.shape_cast %add3A_882 : vector<16xf32> to vector<16xf32>
        tpu.vector_store %arg9[%swap3A_885], %swap3A_888 {strides = array<i32>} : memref<6144xf32, #tpu.memory_space<vmem>>, vector<16xf32>,
        %get3A_889 = arith.constant 18 : i32
        %get3A_890 = arith.index_cast %get3A_889 : i32 to index
        %get3A_891 = arith.index_cast %mul3A_770 : i32 to index
        %get3A_892 = tpu.vector_load %arg8[%get3A_890, %get3A_891] {strides = array<i32>} : memref<72x768xf32, #tpu.memory_space<vmem>>, vector<1x16xf32>,
        %get3A_893 = vector.shape_cast %get3A_892 : vector<1x16xf32> to vector<16xf32>
        %get3A_894 = arith.constant 19 : i32
        %get3A_895 = arith.index_cast %get3A_894 : i32 to index
        %get3A_896 = arith.index_cast %mul3A_770 : i32 to index
        %get3A_897 = tpu.vector_load %arg8[%get3A_895, %get3A_896] {strides = array<i32>} : memref<72x768xf32, #tpu.memory_space<vmem>>, vector<1x16xf32>,
        %get3A_898 = vector.shape_cast %get3A_897 : vector<1x16xf32> to vector<16xf32>
        %add3A_899 = arith.addf %get3A_893, %get3A_898 : vector<16xf32>
        %get3A_900 = arith.constant 20 : i32
        %get3A_901 = arith.index_cast %get3A_900 : i32 to index
        %get3A_902 = arith.index_cast %mul3A_770 : i32 to index
        %get3A_903 = tpu.vector_load %arg8[%get3A_901, %get3A_902] {strides = array<i32>} : memref<72x768xf32, #tpu.memory_space<vmem>>, vector<1x16xf32>,
        %get3A_904 = vector.shape_cast %get3A_903 : vector<1x16xf32> to vector<16xf32>
        %add3A_905 = arith.addf %add3A_899, %get3A_904 : vector<16xf32>
        %get3A_906 = arith.constant 21 : i32
        %get3A_907 = arith.index_cast %get3A_906 : i32 to index
        %get3A_908 = arith.index_cast %mul3A_770 : i32 to index
        %get3A_909 = tpu.vector_load %arg8[%get3A_907, %get3A_908] {strides = array<i32>} : memref<72x768xf32, #tpu.memory_space<vmem>>, vector<1x16xf32>,
        %get3A_910 = vector.shape_cast %get3A_909 : vector<1x16xf32> to vector<16xf32>
        %add3A_911 = arith.addf %add3A_905, %get3A_910 : vector<16xf32>
        %get3A_912 = arith.constant 22 : i32
        %get3A_913 = arith.index_cast %get3A_912 : i32 to index
        %get3A_914 = arith.index_cast %mul3A_770 : i32 to index
        %get3A_915 = tpu.vector_load %arg8[%get3A_913, %get3A_914] {strides = array<i32>} : memref<72x768xf32, #tpu.memory_space<vmem>>, vector<1x16xf32>,
        %get3A_916 = vector.shape_cast %get3A_915 : vector<1x16xf32> to vector<16xf32>
        %add3A_917 = arith.addf %add3A_911, %get3A_916 : vector<16xf32>
        %get3A_918 = arith.constant 23 : i32
        %get3A_919 = arith.index_cast %get3A_918 : i32 to index
        %get3A_920 = arith.index_cast %mul3A_770 : i32 to index
        %get3A_921 = tpu.vector_load %arg8[%get3A_919, %get3A_920] {strides = array<i32>} : memref<72x768xf32, #tpu.memory_space<vmem>>, vector<1x16xf32>,
        %get3A_922 = vector.shape_cast %get3A_921 : vector<1x16xf32> to vector<16xf32>
        %add3A_923 = arith.addf %add3A_917, %get3A_922 : vector<16xf32>
        %get3A_924 = arith.constant 24 : i32
        %get3A_925 = arith.index_cast %get3A_924 : i32 to index
        %get3A_926 = arith.index_cast %mul3A_770 : i32 to index
        %get3A_927 = tpu.vector_load %arg8[%get3A_925, %get3A_926] {strides = array<i32>} : memref<72x768xf32, #tpu.memory_space<vmem>>, vector<1x16xf32>,
        %get3A_928 = vector.shape_cast %get3A_927 : vector<1x16xf32> to vector<16xf32>
        %add3A_929 = arith.addf %add3A_923, %get3A_928 : vector<16xf32>
        %get3A_930 = arith.constant 25 : i32
        %get3A_931 = arith.index_cast %get3A_930 : i32 to index
        %get3A_932 = arith.index_cast %mul3A_770 : i32 to index
        %get3A_933 = tpu.vector_load %arg8[%get3A_931, %get3A_932] {strides = array<i32>} : memref<72x768xf32, #tpu.memory_space<vmem>>, vector<1x16xf32>,
        %get3A_934 = vector.shape_cast %get3A_933 : vector<1x16xf32> to vector<16xf32>
        %add3A_935 = arith.addf %add3A_929, %get3A_934 : vector<16xf32>
        %get3A_936 = arith.constant 26 : i32
        %get3A_937 = arith.index_cast %get3A_936 : i32 to index
        %get3A_938 = arith.index_cast %mul3A_770 : i32 to index
        %get3A_939 = tpu.vector_load %arg8[%get3A_937, %get3A_938] {strides = array<i32>} : memref<72x768xf32, #tpu.memory_space<vmem>>, vector<1x16xf32>,
        %get3A_940 = vector.shape_cast %get3A_939 : vector<1x16xf32> to vector<16xf32>
        %add3A_941 = arith.addf %add3A_935, %get3A_940 : vector<16xf32>
        %add3A_942 = arith.constant 1536 : i32
        %add3A_943 = arith.addi %add3A_942, %mul3A_770 : i32
        %swap3A_944 = arith.index_cast %add3A_943 : i32 to index
        %swap3A_945 = tpu.vector_load %arg9[%swap3A_944] {strides = array<i32>} : memref<6144xf32, #tpu.memory_space<vmem>>, vector<16xf32>,
        %swap3A_946 = vector.shape_cast %swap3A_945 : vector<16xf32> to vector<16xf32>
        %swap3A_947 = vector.shape_cast %add3A_941 : vector<16xf32> to vector<16xf32>
        tpu.vector_store %arg9[%swap3A_944], %swap3A_947 {strides = array<i32>} : memref<6144xf32, #tpu.memory_space<vmem>>, vector<16xf32>,
        %get3A_948 = arith.constant 27 : i32
        %get3A_949 = arith.index_cast %get3A_948 : i32 to index
        %get3A_950 = arith.index_cast %mul3A_770 : i32 to index
        %get3A_951 = tpu.vector_load %arg8[%get3A_949, %get3A_950] {strides = array<i32>} : memref<72x768xf32, #tpu.memory_space<vmem>>, vector<1x16xf32>,
        %get3A_952 = vector.shape_cast %get3A_951 : vector<1x16xf32> to vector<16xf32>
        %get3A_953 = arith.constant 28 : i32
        %get3A_954 = arith.index_cast %get3A_953 : i32 to index
        %get3A_955 = arith.index_cast %mul3A_770 : i32 to index
        %get3A_956 = tpu.vector_load %arg8[%get3A_954, %get3A_955] {strides = array<i32>} : memref<72x768xf32, #tpu.memory_space<vmem>>, vector<1x16xf32>,
        %get3A_957 = vector.shape_cast %get3A_956 : vector<1x16xf32> to vector<16xf32>
        %add3A_958 = arith.addf %get3A_952, %get3A_957 : vector<16xf32>
        %get3A_959 = arith.constant 29 : i32
        %get3A_960 = arith.index_cast %get3A_959 : i32 to index
        %get3A_961 = arith.index_cast %mul3A_770 : i32 to index
        %get3A_962 = tpu.vector_load %arg8[%get3A_960, %get3A_961] {strides = array<i32>} : memref<72x768xf32, #tpu.memory_space<vmem>>, vector<1x16xf32>,
        %get3A_963 = vector.shape_cast %get3A_962 : vector<1x16xf32> to vector<16xf32>
        %add3A_964 = arith.addf %add3A_958, %get3A_963 : vector<16xf32>
        %get3A_965 = arith.constant 30 : i32
        %get3A_966 = arith.index_cast %get3A_965 : i32 to index
        %get3A_967 = arith.index_cast %mul3A_770 : i32 to index
        %get3A_968 = tpu.vector_load %arg8[%get3A_966, %get3A_967] {strides = array<i32>} : memref<72x768xf32, #tpu.memory_space<vmem>>, vector<1x16xf32>,
        %get3A_969 = vector.shape_cast %get3A_968 : vector<1x16xf32> to vector<16xf32>
        %add3A_970 = arith.addf %add3A_964, %get3A_969 : vector<16xf32>
        %get3A_971 = arith.constant 31 : i32
        %get3A_972 = arith.index_cast %get3A_971 : i32 to index
        %get3A_973 = arith.index_cast %mul3A_770 : i32 to index
        %get3A_974 = tpu.vector_load %arg8[%get3A_972, %get3A_973] {strides = array<i32>} : memref<72x768xf32, #tpu.memory_space<vmem>>, vector<1x16xf32>,
        %get3A_975 = vector.shape_cast %get3A_974 : vector<1x16xf32> to vector<16xf32>
        %add3A_976 = arith.addf %add3A_970, %get3A_975 : vector<16xf32>
        %get3A_977 = arith.constant 32 : i32
        %get3A_978 = arith.index_cast %get3A_977 : i32 to index
        %get3A_979 = arith.index_cast %mul3A_770 : i32 to index
        %get3A_980 = tpu.vector_load %arg8[%get3A_978, %get3A_979] {strides = array<i32>} : memref<72x768xf32, #tpu.memory_space<vmem>>, vector<1x16xf32>,
        %get3A_981 = vector.shape_cast %get3A_980 : vector<1x16xf32> to vector<16xf32>
        %add3A_982 = arith.addf %add3A_976, %get3A_981 : vector<16xf32>
        %get3A_983 = arith.constant 33 : i32
        %get3A_984 = arith.index_cast %get3A_983 : i32 to index
        %get3A_985 = arith.index_cast %mul3A_770 : i32 to index
        %get3A_986 = tpu.vector_load %arg8[%get3A_984, %get3A_985] {strides = array<i32>} : memref<72x768xf32, #tpu.memory_space<vmem>>, vector<1x16xf32>,
        %get3A_987 = vector.shape_cast %get3A_986 : vector<1x16xf32> to vector<16xf32>
        %add3A_988 = arith.addf %add3A_982, %get3A_987 : vector<16xf32>
        %get3A_989 = arith.constant 34 : i32
        %get3A_990 = arith.index_cast %get3A_989 : i32 to index
        %get3A_991 = arith.index_cast %mul3A_770 : i32 to index
        %get3A_992 = tpu.vector_load %arg8[%get3A_990, %get3A_991] {strides = array<i32>} : memref<72x768xf32, #tpu.memory_space<vmem>>, vector<1x16xf32>,
        %get3A_993 = vector.shape_cast %get3A_992 : vector<1x16xf32> to vector<16xf32>
        %add3A_994 = arith.addf %add3A_988, %get3A_993 : vector<16xf32>
        %get3A_995 = arith.constant 35 : i32
        %get3A_996 = arith.index_cast %get3A_995 : i32 to index
        %get3A_997 = arith.index_cast %mul3A_770 : i32 to index
        %get3A_998 = tpu.vector_load %arg8[%get3A_996, %get3A_997] {strides = array<i32>} : memref<72x768xf32, #tpu.memory_space<vmem>>, vector<1x16xf32>,
        %get3A_999 = vector.shape_cast %get3A_998 : vector<1x16xf32> to vector<16xf32>
        %add3A_1000 = arith.addf %add3A_994, %get3A_999 : vector<16xf32>
        %add3A_1001 = arith.constant 2304 : i32
        %add3A_1002 = arith.addi %add3A_1001, %mul3A_770 : i32
        %swap3A_1003 = arith.index_cast %add3A_1002 : i32 to index
        %swap3A_1004 = tpu.vector_load %arg9[%swap3A_1003] {strides = array<i32>} : memref<6144xf32, #tpu.memory_space<vmem>>, vector<16xf32>,
        %swap3A_1005 = vector.shape_cast %swap3A_1004 : vector<16xf32> to vector<16xf32>
        %swap3A_1006 = vector.shape_cast %add3A_1000 : vector<16xf32> to vector<16xf32>
        tpu.vector_store %arg9[%swap3A_1003], %swap3A_1006 {strides = array<i32>} : memref<6144xf32, #tpu.memory_space<vmem>>, vector<16xf32>,
        %get3A_1007 = arith.constant 36 : i32
        %get3A_1008 = arith.index_cast %get3A_1007 : i32 to index
        %get3A_1009 = arith.index_cast %mul3A_770 : i32 to index
        %get3A_1010 = tpu.vector_load %arg8[%get3A_1008, %get3A_1009] {strides = array<i32>} : memref<72x768xf32, #tpu.memory_space<vmem>>, vector<1x16xf32>,
        %get3A_1011 = vector.shape_cast %get3A_1010 : vector<1x16xf32> to vector<16xf32>
        %get3A_1012 = arith.constant 37 : i32
        %get3A_1013 = arith.index_cast %get3A_1012 : i32 to index
        %get3A_1014 = arith.index_cast %mul3A_770 : i32 to index
        %get3A_1015 = tpu.vector_load %arg8[%get3A_1013, %get3A_1014] {strides = array<i32>} : memref<72x768xf32, #tpu.memory_space<vmem>>, vector<1x16xf32>,
        %get3A_1016 = vector.shape_cast %get3A_1015 : vector<1x16xf32> to vector<16xf32>
        %add3A_1017 = arith.addf %get3A_1011, %get3A_1016 : vector<16xf32>
        %get3A_1018 = arith.constant 38 : i32
        %get3A_1019 = arith.index_cast %get3A_1018 : i32 to index
        %get3A_1020 = arith.index_cast %mul3A_770 : i32 to index
        %get3A_1021 = tpu.vector_load %arg8[%get3A_1019, %get3A_1020] {strides = array<i32>} : memref<72x768xf32, #tpu.memory_space<vmem>>, vector<1x16xf32>,
        %get3A_1022 = vector.shape_cast %get3A_1021 : vector<1x16xf32> to vector<16xf32>
        %add3A_1023 = arith.addf %add3A_1017, %get3A_1022 : vector<16xf32>
        %get3A_1024 = arith.constant 39 : i32
        %get3A_1025 = arith.index_cast %get3A_1024 : i32 to index
        %get3A_1026 = arith.index_cast %mul3A_770 : i32 to index
        %get3A_1027 = tpu.vector_load %arg8[%get3A_1025, %get3A_1026] {strides = array<i32>} : memref<72x768xf32, #tpu.memory_space<vmem>>, vector<1x16xf32>,
        %get3A_1028 = vector.shape_cast %get3A_1027 : vector<1x16xf32> to vector<16xf32>
        %add3A_1029 = arith.addf %add3A_1023, %get3A_1028 : vector<16xf32>
        %get3A_1030 = arith.constant 40 : i32
        %get3A_1031 = arith.index_cast %get3A_1030 : i32 to index
        %get3A_1032 = arith.index_cast %mul3A_770 : i32 to index
        %get3A_1033 = tpu.vector_load %arg8[%get3A_1031, %get3A_1032] {strides = array<i32>} : memref<72x768xf32, #tpu.memory_space<vmem>>, vector<1x16xf32>,
        %get3A_1034 = vector.shape_cast %get3A_1033 : vector<1x16xf32> to vector<16xf32>
        %add3A_1035 = arith.addf %add3A_1029, %get3A_1034 : vector<16xf32>
        %get3A_1036 = arith.constant 41 : i32
        %get3A_1037 = arith.index_cast %get3A_1036 : i32 to index
        %get3A_1038 = arith.index_cast %mul3A_770 : i32 to index
        %get3A_1039 = tpu.vector_load %arg8[%get3A_1037, %get3A_1038] {strides = array<i32>} : memref<72x768xf32, #tpu.memory_space<vmem>>, vector<1x16xf32>,
        %get3A_1040 = vector.shape_cast %get3A_1039 : vector<1x16xf32> to vector<16xf32>
        %add3A_1041 = arith.addf %add3A_1035, %get3A_1040 : vector<16xf32>
        %get3A_1042 = arith.constant 42 : i32
        %get3A_1043 = arith.index_cast %get3A_1042 : i32 to index
        %get3A_1044 = arith.index_cast %mul3A_770 : i32 to index
        %get3A_1045 = tpu.vector_load %arg8[%get3A_1043, %get3A_1044] {strides = array<i32>} : memref<72x768xf32, #tpu.memory_space<vmem>>, vector<1x16xf32>,
        %get3A_1046 = vector.shape_cast %get3A_1045 : vector<1x16xf32> to vector<16xf32>
        %add3A_1047 = arith.addf %add3A_1041, %get3A_1046 : vector<16xf32>
        %get3A_1048 = arith.constant 43 : i32
        %get3A_1049 = arith.index_cast %get3A_1048 : i32 to index
        %get3A_1050 = arith.index_cast %mul3A_770 : i32 to index
        %get3A_1051 = tpu.vector_load %arg8[%get3A_1049, %get3A_1050] {strides = array<i32>} : memref<72x768xf32, #tpu.memory_space<vmem>>, vector<1x16xf32>,
        %get3A_1052 = vector.shape_cast %get3A_1051 : vector<1x16xf32> to vector<16xf32>
        %add3A_1053 = arith.addf %add3A_1047, %get3A_1052 : vector<16xf32>
        %get3A_1054 = arith.constant 44 : i32
        %get3A_1055 = arith.index_cast %get3A_1054 : i32 to index
        %get3A_1056 = arith.index_cast %mul3A_770 : i32 to index
        %get3A_1057 = tpu.vector_load %arg8[%get3A_1055, %get3A_1056] {strides = array<i32>} : memref<72x768xf32, #tpu.memory_space<vmem>>, vector<1x16xf32>,
        %get3A_1058 = vector.shape_cast %get3A_1057 : vector<1x16xf32> to vector<16xf32>
        %add3A_1059 = arith.addf %add3A_1053, %get3A_1058 : vector<16xf32>
        %add3A_1060 = arith.constant 3072 : i32
        %add3A_1061 = arith.addi %add3A_1060, %mul3A_770 : i32
        %swap3A_1062 = arith.index_cast %add3A_1061 : i32 to index
        %swap3A_1063 = tpu.vector_load %arg9[%swap3A_1062] {strides = array<i32>} : memref<6144xf32, #tpu.memory_space<vmem>>, vector<16xf32>,
        %swap3A_1064 = vector.shape_cast %swap3A_1063 : vector<16xf32> to vector<16xf32>
        %swap3A_1065 = vector.shape_cast %add3A_1059 : vector<16xf32> to vector<16xf32>
        tpu.vector_store %arg9[%swap3A_1062], %swap3A_1065 {strides = array<i32>} : memref<6144xf32, #tpu.memory_space<vmem>>, vector<16xf32>,
        %get3A_1066 = arith.constant 45 : i32
        %get3A_1067 = arith.index_cast %get3A_1066 : i32 to index
        %get3A_1068 = arith.index_cast %mul3A_770 : i32 to index
        %get3A_1069 = tpu.vector_load %arg8[%get3A_1067, %get3A_1068] {strides = array<i32>} : memref<72x768xf32, #tpu.memory_space<vmem>>, vector<1x16xf32>,
        %get3A_1070 = vector.shape_cast %get3A_1069 : vector<1x16xf32> to vector<16xf32>
        %get3A_1071 = arith.constant 46 : i32
        %get3A_1072 = arith.index_cast %get3A_1071 : i32 to index
        %get3A_1073 = arith.index_cast %mul3A_770 : i32 to index
        %get3A_1074 = tpu.vector_load %arg8[%get3A_1072, %get3A_1073] {strides = array<i32>} : memref<72x768xf32, #tpu.memory_space<vmem>>, vector<1x16xf32>,
        %get3A_1075 = vector.shape_cast %get3A_1074 : vector<1x16xf32> to vector<16xf32>
        %add3A_1076 = arith.addf %get3A_1070, %get3A_1075 : vector<16xf32>
        %get3A_1077 = arith.constant 47 : i32
        %get3A_1078 = arith.index_cast %get3A_1077 : i32 to index
        %get3A_1079 = arith.index_cast %mul3A_770 : i32 to index
        %get3A_1080 = tpu.vector_load %arg8[%get3A_1078, %get3A_1079] {strides = array<i32>} : memref<72x768xf32, #tpu.memory_space<vmem>>, vector<1x16xf32>,
        %get3A_1081 = vector.shape_cast %get3A_1080 : vector<1x16xf32> to vector<16xf32>
        %add3A_1082 = arith.addf %add3A_1076, %get3A_1081 : vector<16xf32>
        %get3A_1083 = arith.constant 48 : i32
        %get3A_1084 = arith.index_cast %get3A_1083 : i32 to index
        %get3A_1085 = arith.index_cast %mul3A_770 : i32 to index
        %get3A_1086 = tpu.vector_load %arg8[%get3A_1084, %get3A_1085] {strides = array<i32>} : memref<72x768xf32, #tpu.memory_space<vmem>>, vector<1x16xf32>,
        %get3A_1087 = vector.shape_cast %get3A_1086 : vector<1x16xf32> to vector<16xf32>
        %add3A_1088 = arith.addf %add3A_1082, %get3A_1087 : vector<16xf32>
        %get3A_1089 = arith.constant 49 : i32
        %get3A_1090 = arith.index_cast %get3A_1089 : i32 to index
        %get3A_1091 = arith.index_cast %mul3A_770 : i32 to index
        %get3A_1092 = tpu.vector_load %arg8[%get3A_1090, %get3A_1091] {strides = array<i32>} : memref<72x768xf32, #tpu.memory_space<vmem>>, vector<1x16xf32>,
        %get3A_1093 = vector.shape_cast %get3A_1092 : vector<1x16xf32> to vector<16xf32>
        %add3A_1094 = arith.addf %add3A_1088, %get3A_1093 : vector<16xf32>
        %get3A_1095 = arith.constant 50 : i32
        %get3A_1096 = arith.index_cast %get3A_1095 : i32 to index
        %get3A_1097 = arith.index_cast %mul3A_770 : i32 to index
        %get3A_1098 = tpu.vector_load %arg8[%get3A_1096, %get3A_1097] {strides = array<i32>} : memref<72x768xf32, #tpu.memory_space<vmem>>, vector<1x16xf32>,
        %get3A_1099 = vector.shape_cast %get3A_1098 : vector<1x16xf32> to vector<16xf32>
        %add3A_1100 = arith.addf %add3A_1094, %get3A_1099 : vector<16xf32>
        %get3A_1101 = arith.constant 51 : i32
        %get3A_1102 = arith.index_cast %get3A_1101 : i32 to index
        %get3A_1103 = arith.index_cast %mul3A_770 : i32 to index
        %get3A_1104 = tpu.vector_load %arg8[%get3A_1102, %get3A_1103] {strides = array<i32>} : memref<72x768xf32, #tpu.memory_space<vmem>>, vector<1x16xf32>,
        %get3A_1105 = vector.shape_cast %get3A_1104 : vector<1x16xf32> to vector<16xf32>
        %add3A_1106 = arith.addf %add3A_1100, %get3A_1105 : vector<16xf32>
        %get3A_1107 = arith.constant 52 : i32
        %get3A_1108 = arith.index_cast %get3A_1107 : i32 to index
        %get3A_1109 = arith.index_cast %mul3A_770 : i32 to index
        %get3A_1110 = tpu.vector_load %arg8[%get3A_1108, %get3A_1109] {strides = array<i32>} : memref<72x768xf32, #tpu.memory_space<vmem>>, vector<1x16xf32>,
        %get3A_1111 = vector.shape_cast %get3A_1110 : vector<1x16xf32> to vector<16xf32>
        %add3A_1112 = arith.addf %add3A_1106, %get3A_1111 : vector<16xf32>
        %get3A_1113 = arith.constant 53 : i32
        %get3A_1114 = arith.index_cast %get3A_1113 : i32 to index
        %get3A_1115 = arith.index_cast %mul3A_770 : i32 to index
        %get3A_1116 = tpu.vector_load %arg8[%get3A_1114, %get3A_1115] {strides = array<i32>} : memref<72x768xf32, #tpu.memory_space<vmem>>, vector<1x16xf32>,
        %get3A_1117 = vector.shape_cast %get3A_1116 : vector<1x16xf32> to vector<16xf32>
        %add3A_1118 = arith.addf %add3A_1112, %get3A_1117 : vector<16xf32>
        %add3A_1119 = arith.constant 3840 : i32
        %add3A_1120 = arith.addi %add3A_1119, %mul3A_770 : i32
        %swap3A_1121 = arith.index_cast %add3A_1120 : i32 to index
        %swap3A_1122 = tpu.vector_load %arg9[%swap3A_1121] {strides = array<i32>} : memref<6144xf32, #tpu.memory_space<vmem>>, vector<16xf32>,
        %swap3A_1123 = vector.shape_cast %swap3A_1122 : vector<16xf32> to vector<16xf32>
        %swap3A_1124 = vector.shape_cast %add3A_1118 : vector<16xf32> to vector<16xf32>
        tpu.vector_store %arg9[%swap3A_1121], %swap3A_1124 {strides = array<i32>} : memref<6144xf32, #tpu.memory_space<vmem>>, vector<16xf32>,
        %get3A_1125 = arith.constant 54 : i32
        %get3A_1126 = arith.index_cast %get3A_1125 : i32 to index
        %get3A_1127 = arith.index_cast %mul3A_770 : i32 to index
        %get3A_1128 = tpu.vector_load %arg8[%get3A_1126, %get3A_1127] {strides = array<i32>} : memref<72x768xf32, #tpu.memory_space<vmem>>, vector<1x16xf32>,
        %get3A_1129 = vector.shape_cast %get3A_1128 : vector<1x16xf32> to vector<16xf32>
        %get3A_1130 = arith.constant 55 : i32
        %get3A_1131 = arith.index_cast %get3A_1130 : i32 to index
        %get3A_1132 = arith.index_cast %mul3A_770 : i32 to index
        %get3A_1133 = tpu.vector_load %arg8[%get3A_1131, %get3A_1132] {strides = array<i32>} : memref<72x768xf32, #tpu.memory_space<vmem>>, vector<1x16xf32>,
        %get3A_1134 = vector.shape_cast %get3A_1133 : vector<1x16xf32> to vector<16xf32>
        %add3A_1135 = arith.addf %get3A_1129, %get3A_1134 : vector<16xf32>
        %get3A_1136 = arith.constant 56 : i32
        %get3A_1137 = arith.index_cast %get3A_1136 : i32 to index
        %get3A_1138 = arith.index_cast %mul3A_770 : i32 to index
        %get3A_1139 = tpu.vector_load %arg8[%get3A_1137, %get3A_1138] {strides = array<i32>} : memref<72x768xf32, #tpu.memory_space<vmem>>, vector<1x16xf32>,
        %get3A_1140 = vector.shape_cast %get3A_1139 : vector<1x16xf32> to vector<16xf32>
        %add3A_1141 = arith.addf %add3A_1135, %get3A_1140 : vector<16xf32>
        %get3A_1142 = arith.constant 57 : i32
        %get3A_1143 = arith.index_cast %get3A_1142 : i32 to index
        %get3A_1144 = arith.index_cast %mul3A_770 : i32 to index
        %get3A_1145 = tpu.vector_load %arg8[%get3A_1143, %get3A_1144] {strides = array<i32>} : memref<72x768xf32, #tpu.memory_space<vmem>>, vector<1x16xf32>,
        %get3A_1146 = vector.shape_cast %get3A_1145 : vector<1x16xf32> to vector<16xf32>
        %add3A_1147 = arith.addf %add3A_1141, %get3A_1146 : vector<16xf32>
        %get3A_1148 = arith.constant 58 : i32
        %get3A_1149 = arith.index_cast %get3A_1148 : i32 to index
        %get3A_1150 = arith.index_cast %mul3A_770 : i32 to index
        %get3A_1151 = tpu.vector_load %arg8[%get3A_1149, %get3A_1150] {strides = array<i32>} : memref<72x768xf32, #tpu.memory_space<vmem>>, vector<1x16xf32>,
        %get3A_1152 = vector.shape_cast %get3A_1151 : vector<1x16xf32> to vector<16xf32>
        %add3A_1153 = arith.addf %add3A_1147, %get3A_1152 : vector<16xf32>
        %get3A_1154 = arith.constant 59 : i32
        %get3A_1155 = arith.index_cast %get3A_1154 : i32 to index
        %get3A_1156 = arith.index_cast %mul3A_770 : i32 to index
        %get3A_1157 = tpu.vector_load %arg8[%get3A_1155, %get3A_1156] {strides = array<i32>} : memref<72x768xf32, #tpu.memory_space<vmem>>, vector<1x16xf32>,
        %get3A_1158 = vector.shape_cast %get3A_1157 : vector<1x16xf32> to vector<16xf32>
        %add3A_1159 = arith.addf %add3A_1153, %get3A_1158 : vector<16xf32>
        %get3A_1160 = arith.constant 60 : i32
        %get3A_1161 = arith.index_cast %get3A_1160 : i32 to index
        %get3A_1162 = arith.index_cast %mul3A_770 : i32 to index
        %get3A_1163 = tpu.vector_load %arg8[%get3A_1161, %get3A_1162] {strides = array<i32>} : memref<72x768xf32, #tpu.memory_space<vmem>>, vector<1x16xf32>,
        %get3A_1164 = vector.shape_cast %get3A_1163 : vector<1x16xf32> to vector<16xf32>
        %add3A_1165 = arith.addf %add3A_1159, %get3A_1164 : vector<16xf32>
        %get3A_1166 = arith.constant 61 : i32
        %get3A_1167 = arith.index_cast %get3A_1166 : i32 to index
        %get3A_1168 = arith.index_cast %mul3A_770 : i32 to index
        %get3A_1169 = tpu.vector_load %arg8[%get3A_1167, %get3A_1168] {strides = array<i32>} : memref<72x768xf32, #tpu.memory_space<vmem>>, vector<1x16xf32>,
        %get3A_1170 = vector.shape_cast %get3A_1169 : vector<1x16xf32> to vector<16xf32>
        %add3A_1171 = arith.addf %add3A_1165, %get3A_1170 : vector<16xf32>
        %get3A_1172 = arith.constant 62 : i32
        %get3A_1173 = arith.index_cast %get3A_1172 : i32 to index
        %get3A_1174 = arith.index_cast %mul3A_770 : i32 to index
        %get3A_1175 = tpu.vector_load %arg8[%get3A_1173, %get3A_1174] {strides = array<i32>} : memref<72x768xf32, #tpu.memory_space<vmem>>, vector<1x16xf32>,
        %get3A_1176 = vector.shape_cast %get3A_1175 : vector<1x16xf32> to vector<16xf32>
        %add3A_1177 = arith.addf %add3A_1171, %get3A_1176 : vector<16xf32>
        %add3A_1178 = arith.constant 4608 : i32
        %add3A_1179 = arith.addi %add3A_1178, %mul3A_770 : i32
        %swap3A_1180 = arith.index_cast %add3A_1179 : i32 to index
        %swap3A_1181 = tpu.vector_load %arg9[%swap3A_1180] {strides = array<i32>} : memref<6144xf32, #tpu.memory_space<vmem>>, vector<16xf32>,
        %swap3A_1182 = vector.shape_cast %swap3A_1181 : vector<16xf32> to vector<16xf32>
        %swap3A_1183 = vector.shape_cast %add3A_1177 : vector<16xf32> to vector<16xf32>
        tpu.vector_store %arg9[%swap3A_1180], %swap3A_1183 {strides = array<i32>} : memref<6144xf32, #tpu.memory_space<vmem>>, vector<16xf32>,
        %get3A_1184 = arith.constant 63 : i32
        %get3A_1185 = arith.index_cast %get3A_1184 : i32 to index
        %get3A_1186 = arith.index_cast %mul3A_770 : i32 to index
        %get3A_1187 = tpu.vector_load %arg8[%get3A_1185, %get3A_1186] {strides = array<i32>} : memref<72x768xf32, #tpu.memory_space<vmem>>, vector<1x16xf32>,
        %get3A_1188 = vector.shape_cast %get3A_1187 : vector<1x16xf32> to vector<16xf32>
        %get3A_1189 = arith.constant 64 : i32
        %get3A_1190 = arith.index_cast %get3A_1189 : i32 to index
        %get3A_1191 = arith.index_cast %mul3A_770 : i32 to index
        %get3A_1192 = tpu.vector_load %arg8[%get3A_1190, %get3A_1191] {strides = array<i32>} : memref<72x768xf32, #tpu.memory_space<vmem>>, vector<1x16xf32>,
        %get3A_1193 = vector.shape_cast %get3A_1192 : vector<1x16xf32> to vector<16xf32>
        %add3A_1194 = arith.addf %get3A_1188, %get3A_1193 : vector<16xf32>
        %get3A_1195 = arith.constant 65 : i32
        %get3A_1196 = arith.index_cast %get3A_1195 : i32 to index
        %get3A_1197 = arith.index_cast %mul3A_770 : i32 to index
        %get3A_1198 = tpu.vector_load %arg8[%get3A_1196, %get3A_1197] {strides = array<i32>} : memref<72x768xf32, #tpu.memory_space<vmem>>, vector<1x16xf32>,
        %get3A_1199 = vector.shape_cast %get3A_1198 : vector<1x16xf32> to vector<16xf32>
        %add3A_1200 = arith.addf %add3A_1194, %get3A_1199 : vector<16xf32>
        %get3A_1201 = arith.constant 66 : i32
        %get3A_1202 = arith.index_cast %get3A_1201 : i32 to index
        %get3A_1203 = arith.index_cast %mul3A_770 : i32 to index
        %get3A_1204 = tpu.vector_load %arg8[%get3A_1202, %get3A_1203] {strides = array<i32>} : memref<72x768xf32, #tpu.memory_space<vmem>>, vector<1x16xf32>,
        %get3A_1205 = vector.shape_cast %get3A_1204 : vector<1x16xf32> to vector<16xf32>
        %add3A_1206 = arith.addf %add3A_1200, %get3A_1205 : vector<16xf32>
        %get3A_1207 = arith.constant 67 : i32
        %get3A_1208 = arith.index_cast %get3A_1207 : i32 to index
        %get3A_1209 = arith.index_cast %mul3A_770 : i32 to index
        %get3A_1210 = tpu.vector_load %arg8[%get3A_1208, %get3A_1209] {strides = array<i32>} : memref<72x768xf32, #tpu.memory_space<vmem>>, vector<1x16xf32>,
        %get3A_1211 = vector.shape_cast %get3A_1210 : vector<1x16xf32> to vector<16xf32>
        %add3A_1212 = arith.addf %add3A_1206, %get3A_1211 : vector<16xf32>
        %get3A_1213 = arith.constant 68 : i32
        %get3A_1214 = arith.index_cast %get3A_1213 : i32 to index
        %get3A_1215 = arith.index_cast %mul3A_770 : i32 to index
        %get3A_1216 = tpu.vector_load %arg8[%get3A_1214, %get3A_1215] {strides = array<i32>} : memref<72x768xf32, #tpu.memory_space<vmem>>, vector<1x16xf32>,
        %get3A_1217 = vector.shape_cast %get3A_1216 : vector<1x16xf32> to vector<16xf32>
        %add3A_1218 = arith.addf %add3A_1212, %get3A_1217 : vector<16xf32>
        %get3A_1219 = arith.constant 69 : i32
        %get3A_1220 = arith.index_cast %get3A_1219 : i32 to index
        %get3A_1221 = arith.index_cast %mul3A_770 : i32 to index
        %get3A_1222 = tpu.vector_load %arg8[%get3A_1220, %get3A_1221] {strides = array<i32>} : memref<72x768xf32, #tpu.memory_space<vmem>>, vector<1x16xf32>,
        %get3A_1223 = vector.shape_cast %get3A_1222 : vector<1x16xf32> to vector<16xf32>
        %add3A_1224 = arith.addf %add3A_1218, %get3A_1223 : vector<16xf32>
        %get3A_1225 = arith.constant 70 : i32
        %get3A_1226 = arith.index_cast %get3A_1225 : i32 to index
        %get3A_1227 = arith.index_cast %mul3A_770 : i32 to index
        %get3A_1228 = tpu.vector_load %arg8[%get3A_1226, %get3A_1227] {strides = array<i32>} : memref<72x768xf32, #tpu.memory_space<vmem>>, vector<1x16xf32>,
        %get3A_1229 = vector.shape_cast %get3A_1228 : vector<1x16xf32> to vector<16xf32>
        %add3A_1230 = arith.addf %add3A_1224, %get3A_1229 : vector<16xf32>
        %get3A_1231 = arith.constant 71 : i32
        %get3A_1232 = arith.index_cast %get3A_1231 : i32 to index
        %get3A_1233 = arith.index_cast %mul3A_770 : i32 to index
        %get3A_1234 = tpu.vector_load %arg8[%get3A_1232, %get3A_1233] {strides = array<i32>} : memref<72x768xf32, #tpu.memory_space<vmem>>, vector<1x16xf32>,
        %get3A_1235 = vector.shape_cast %get3A_1234 : vector<1x16xf32> to vector<16xf32>
        %add3A_1236 = arith.addf %add3A_1230, %get3A_1235 : vector<16xf32>
        %add3A_1237 = arith.constant 5376 : i32
        %add3A_1238 = arith.addi %add3A_1237, %mul3A_770 : i32
        %swap3A_1239 = arith.index_cast %add3A_1238 : i32 to index
        %swap3A_1240 = tpu.vector_load %arg9[%swap3A_1239] {strides = array<i32>} : memref<6144xf32, #tpu.memory_space<vmem>>, vector<16xf32>,
        %swap3A_1241 = vector.shape_cast %swap3A_1240 : vector<16xf32> to vector<16xf32>
        %swap3A_1242 = vector.shape_cast %add3A_1236 : vector<16xf32> to vector<16xf32>
        tpu.vector_store %arg9[%swap3A_1239], %swap3A_1242 {strides = array<i32>} : memref<6144xf32, #tpu.memory_space<vmem>>, vector<16xf32>,
      }
      %scan3A_232 = arith.constant 24 : i32
      %jit3A_233 = arith.constant 16 : i32
      %div3A_234 = arith.divsi %add3A_140, %jit3A_233 : i32
      %sign3A_235 = arith.constant 0 : i32
      %sign3A_236 = arith.cmpi sgt, %add3A_140, %sign3A_235 : i32
      %sign3A_237 = arith.extui %sign3A_236 : i1 to i32
      %sign3A_238 = arith.constant 0 : i32
      %sign3A_239 = arith.cmpi slt, %add3A_140, %sign3A_238 : i32
      %sign3A_240 = arith.extui %sign3A_239 : i1 to i32
      %sign3A_241 = arith.subi %sign3A_237, %sign3A_240 : i32
      %sign3A_242 = arith.constant 0 : i32
      %sign3A_243 = arith.cmpi sgt, %jit3A_233, %sign3A_242 : i32
      %sign3A_244 = arith.extui %sign3A_243 : i1 to i32
      %sign3A_245 = arith.constant 0 : i32
      %sign3A_246 = arith.cmpi slt, %jit3A_233, %sign3A_245 : i32
      %sign3A_247 = arith.extui %sign3A_246 : i1 to i32
      %sign3A_248 = arith.subi %sign3A_244, %sign3A_247 : i32
      %ne3A_249 = arith.cmpi ne, %sign3A_241, %sign3A_248 : i32
      %rem3A_250 = arith.remsi %add3A_140, %jit3A_233 : i32
      %ne3A_251 = arith.constant 0 : i32
      %ne3A_252 = arith.cmpi ne, %rem3A_250, %ne3A_251 : i32
      %and3A_253 = arith.andi %ne3A_249, %ne3A_252 : i1
      %sub3A_254 = arith.constant 1 : i32
      %sub3A_255 = arith.subi %div3A_234, %sub3A_254 : i32
      %select_n3A_256 = arith.select %and3A_253, %sub3A_255, %div3A_234 : i32
      %jit3A_257 = arith.constant 16 : i32
      %eq3A_258 = arith.constant 0 : i32
      %eq3A_259 = arith.cmpi eq, %jit3A_257, %eq3A_258 : i32
      %jit3A_260 = arith.constant 1 : i32
      %select_n3A_261 = arith.select %eq3A_259, %jit3A_260, %jit3A_257 : i32
      %rem3A_262 = arith.remsi %add3A_140, %select_n3A_261 : i32
      %ne3A_263 = arith.constant 0 : i32
      %ne3A_264 = arith.cmpi ne, %rem3A_262, %ne3A_263 : i32
      %lt3A_265 = arith.constant 0 : i32
      %lt3A_266 = arith.cmpi slt, %rem3A_262, %lt3A_265 : i32
      %lt3A_267 = arith.constant 0 : i32
      %lt3A_268 = arith.cmpi slt, %select_n3A_261, %lt3A_267 : i32
      %ne3A_269 = arith.xori %lt3A_266, %lt3A_268 : i1
      %and3A_270 = arith.andi %ne3A_269, %ne3A_264 : i1
      %add3A_271 = arith.addi %rem3A_262, %select_n3A_261 : i32
      %select_n3A_272 = arith.select %and3A_270, %add3A_271, %rem3A_262 : i32
      %mul3A_273 = arith.constant 8 : i32
      %mul3A_274 = arith.muli %select_n3A_272, %mul3A_273 : i32
      %mul3A_275 = arith.constant 8 : i32
      %mul3A_276 = arith.muli %add3A, %mul3A_275 : i32
      %add3A_277 = arith.addi %mul3A_276, %select_n3A_256 : i32
      %mul3A_278 = arith.constant 129 : i32
      %mul3A_279 = arith.muli %add3A_277, %mul3A_278 : i32
      %add3A_280 = arith.constant 1 : i32
      %add3A_281 = arith.addi %mul3A_279, %add3A_280 : i32
      %add3A_282 = arith.addi %add3A_281, %mul3A_274 : i32
      %mul3A_283 = arith.constant 768 : i32
      %mul3A_284 = arith.muli %add3A_282, %mul3A_283 : i32
      %multiple_of3A_285 = tpu.assume_multiple %mul3A_284, 8 : i32
      %dma_start3A_286 = tpu.memref_slice %arg5[%multiple_of3A_285] : memref<25362432xf32, #tpu.memory_space<hbm>> -> memref<6144xf32, #tpu.memory_space<hbm>>
      %dma_start3A_287 = tpu.memref_slice %arg5[%multiple_of3A_285] : memref<25362432xf32, #tpu.memory_space<hbm>> -> memref<6144xf32, #tpu.memory_space<hbm>>
      tpu.enqueue_dma source(%arg9 : memref<6144xf32, #tpu.memory_space<vmem>>) target(%dma_start3A_287 : memref<6144xf32, #tpu.memory_space<hbm>>) target_semaphore(%arg13 : memref<!tpu.dma_semaphore, #tpu.memory_space<semaphore_mem>>)
    }
    %scan3A_120 = arith.constant 64 : i32
    %mul3A_121 = arith.constant 8 : i32
    %mul3A_122 = arith.muli %add3A, %mul3A_121 : i32
    %add3A_123 = arith.constant 7 : i32
    %add3A_124 = arith.addi %mul3A_122, %add3A_123 : i32
    %mul3A_125 = arith.constant 129 : i32
    %mul3A_126 = arith.muli %add3A_124, %mul3A_125 : i32
    %add3A_127 = arith.constant 1 : i32
    %add3A_128 = arith.addi %mul3A_126, %add3A_127 : i32
    %add3A_129 = arith.constant 120 : i32
    %add3A_130 = arith.addi %add3A_128, %add3A_129 : i32
    %mul3A_131 = arith.constant 768 : i32
    %mul3A_132 = arith.muli %add3A_130, %mul3A_131 : i32
    %multiple_of3A_133 = tpu.assume_multiple %mul3A_132, 8 : i32
    %dma_wait3A_134 = tpu.memref_slice %arg5[%multiple_of3A_133] : memref<25362432xf32, #tpu.memory_space<hbm>> -> memref<6144xf32, #tpu.memory_space<hbm>>
    %dma_wait3A_135 = tpu.memref_slice %arg5[%multiple_of3A_133] : memref<25362432xf32, #tpu.memory_space<hbm>> -> memref<6144xf32, #tpu.memory_space<hbm>>
    tpu.wait_dma2 semaphore(%arg13 : memref<!tpu.dma_semaphore, #tpu.memory_space<semaphore_mem>>) src(%arg9 : memref<6144xf32, #tpu.memory_space<vmem>>) dst(%dma_wait3A_135 : memref<6144xf32, #tpu.memory_space<hbm>>)
    return
  }
}

</mosaic_0001>

<sc_bundles>
// kernel: kernel.3.cloned.1.call-start
scs
__scs_entry_jumppad:
0x0: {  	(pc) =	sbr.rel $0x88, $3  }
0x1: {  	(tag) =	ssettag $0x0;
	lr =	simm.s32 $0x1  }
0x2: {  	[smem:$0x3F9E] =	sst lr;
	_ =	strace $0xD0000000  }
0x3: {  	_ = 	snop  }
0x4: {  	_ = 	snop  }
0x5: {  	_ = 	snop  }
0x6: {  	_ = 	snop  }
0x7: {  	_ = 	snop  }
__scs_overlays_trampoline_lowered:
0x8: {  	[smem:$0x3FAD] =	sst s0  }
0x9: {  	[smem:$0x3FAE] =	sst s1  }
0xa: {  	[smem:$0x3FAF] =	sst s2  }
0xb: {  	[smem:$0x3FB0] =	sst s3  }
0xc: {  	[smem:$0x3FB1] =	sst s4  }
0xd: {  	[smem:$0x3FB2] =	sst s5  }
0xe: {  	[smem:$0x3FB3] =	sst s6  }
0xf: {  	[smem:$0x3FB4] =	sst s7  }
0x10: {  	[smem:$0x3FB5] =	sst s8  }
0x11: {  	[smem:$0x3FB6] =	sst s9;
	s0 =	simm.s32 @!p0 $0x0  }
0x12: {  	s1 =	sld [smem:$0x3F9C];
	s0 =	simm.s32 @p0 $0x1  }
0x13: {  	[smem:$0x3FB7] =	sst s0;
	s0 =	simm.s32 @!p1 $0x0  }
0x14: {  	s2 =	sld [smem:$0x3F9B];
	s0 =	simm.s32 @p1 $0x1  }
0x15: {  	[smem:$0x3FB8] =	sst s0;
	s0 =	simm.s32 @!p2 $0x0  }
0x16: {  	s3 =	sld [smem:$0x3FDB];
	s0 =	simm.s32 @p2 $0x1  }
0x17: {  	s4 =	simm.s32 $0x1BF5;
	[smem:$0x3FBA] =	sst s0  }
0x18: {  	s0 =	sld [smem:$0x3F9D];
	_ =	swait.ge [sflag:s4], $0x0  }
0x19: {  	s7 =	sld [smem:$0x3F9E]  }
0x1a: {  	s8 =	sadd.s32 $0xFFFFE003, lr  }
0x1b: {  	s9 =	sadd.s32 $0xFFFFFEF7, lr;
	s5 =	simm.s32 $0xFFFFFFFF;
	p2 =	slt.u32 s8, $0xFFFFF086  }
0x1c: {  	p1 =	slt.u32 s9, $0xF7A;
	s5 =	simm.s32 @!p2 $0x0  }
0x1d: {  	s5 =	simm.s32 @p1 $0x1;
	p0 =	seq.s32 s7, s2  }
0x1e: {  	s7 =	smul.u32 @!p0 $0xF7A, s2;
	p2 =	seq.s32 @!p0 s5, $0x0  }
0x1f: {  	s9 =	smul.u32 $0xF7A, s1;
	s8 =	simm.s32 @!p0 $0x1BF5;
	p2 =	por !p2, p0  }
0x20: {  	[sflag:s8] =	ssyncset.s32 @!p0 $0xFFFFF086;
	s6 =	sadd.s32 @!p0 s3, s7;
	s7 =	simm.s32 @!p0 $0x108  }
0x21: {  	s3 =	sadd.s32 s3, s9;
	s6 =	sadd.s32 @!p0 $0x88, s6;
	s7 =	simm.s32 @p2 $0x1082  }
0x22: {  	[simem:s7], [sflag:s8] =	dma.local @!p0 [hbm:s6], $0xF7A  }
0x23: {  	s9 =	sor.u32 $0xD0000000, s2;
	s6 =	simm.s32 $0x108;
	_ =	swait.ge @!p0 [sflag:s8], $0x0  }
0x24: {  	s3 =	sadd.s32 $0x88, s3;
	s6 =	simm.s32 @!p1 $0x1082;
	[sflag:s4] =	ssyncset.s32 $0xFFFFF086  }
0x25: {  	[simem:s6], [sflag:s4] =	dma.local [hbm:s3], $0xF7A  }
0x26: {  	[smem:$0x3F9E] =	sst s1;
	(tag) =	ssettag s2;
	_ =	strace s9  }
0x27: {  	s1 =	sld [smem:$0x3FAE]  }
0x28: {  	s2 =	sld [smem:$0x3FAF]  }
0x29: {  	s4 =	sld [smem:$0x3FB1]  }
0x2a: {  	p0 =	seq.s32 s5, $0x0;
	s5 =	sld [smem:$0x3FB2]  }
0x2b: {  	s6 =	sld [smem:$0x3FB3]  }
0x2c: {  	s7 =	sld [smem:$0x3FB4]  }
0x2d: {  	s3 =	simm.s32 $0x108;
	s8 =	sld [smem:$0x3FB5]  }
0x2e: {  	s3 =	simm.s32 @!p0 $0x1082;
	s9 =	sld [smem:$0x3FB6]  }
0x2f: {  	lr =	sadd.s32 s0, s3;
	s0 =	sld [smem:$0x3FAD]  }
0x30: {  	s3 =	sld [smem:$0x3FB0]  }
0x31: {  	[smem:$0x3FB9] =	sst s10  }
0x32: {  	s10 =	sld [smem:$0x3FB7];
	_ =	sdelay $0x3  }
0x33: {  	p0 =	seq.s32 s10, $0x1;
	s10 =	sld [smem:$0x3FB9];
	_ =	sdelay $0x3  }
0x34: {  	[smem:$0x3FB9] =	sst s10  }
0x35: {  	s10 =	sld [smem:$0x3FB8];
	_ =	sdelay $0x3  }
0x36: {  	p1 =	seq.s32 s10, $0x1;
	s10 =	sld [smem:$0x3FB9];
	_ =	sdelay $0x3  }
0x37: {  	[smem:$0x3FB9] =	sst s10  }
0x38: {  	s10 =	sld [smem:$0x3FBA]  }
0x39: {  	_ = 	snop;
	(pc) =	sbr.ind lr, $3  }
0x3a: {  	_ = 	snop  }
0x3b: {  	_ = 	snop  }
0x3c: {  	p2 =	seq.s32 s10, $0x1;
	s10 =	sld [smem:$0x3FB9]  }
0x3d: {  	_ =	shalt  }
0x3e: {  	_ =	shalt  }
0x3f: {  	_ =	shalt  }
0x40: {  	_ =	shalt  }
0x41: {  	_ =	shalt  }
0x42: {  	_ =	shalt  }
0x43: {  	_ =	shalt  }
0x44: {  	_ =	shalt  }
0x45: {  	_ =	shalt  }
0x46: {  	_ =	shalt  }
0x47: {  	_ =	shalt  }
0x48: {  	_ =	shalt  }
0x49: {  	_ =	shalt  }
0x4a: {  	_ =	shalt  }
0x4b: {  	_ =	shalt  }
0x4c: {  	_ =	shalt  }
0x4d: {  	_ =	shalt  }
0x4e: {  	_ =	shalt  }
0x4f: {  	_ =	shalt  }
0x50: {  	_ =	shalt  }
0x51: {  	_ =	shalt  }
0x52: {  	_ =	shalt  }
0x53: {  	_ =	shalt  }
0x54: {  	_ =	shalt  }
0x55: {  	_ =	shalt  }
0x56: {  	_ =	shalt  }
0x57: {  	_ =	shalt  }
0x58: {  	_ =	shalt  }
0x59: {  	_ =	shalt  }
0x5a: {  	_ =	shalt  }
0x5b: {  	_ =	shalt  }
0x5c: {  	_ =	shalt  }
0x5d: {  	_ =	shalt  }
0x5e: {  	_ =	shalt  }
0x5f: {  	_ =	shalt  }
0x60: {  	_ =	shalt  }
0x61: {  	_ =	shalt  }
0x62: {  	_ =	shalt  }
0x63: {  	_ =	shalt  }
0x64: {  	_ =	shalt  }
0x65: {  	_ =	shalt  }
0x66: {  	_ =	shalt  }
0x67: {  	_ =	shalt  }
0x68: {  	_ =	shalt  }
0x69: {  	_ =	shalt  }
0x6a: {  	_ =	shalt  }
0x6b: {  	_ =	shalt  }
0x6c: {  	_ =	shalt  }
0x6d: {  	_ =	shalt  }
0x6e: {  	_ =	shalt  }
0x6f: {  	_ =	shalt  }
0x70: {  	_ =	shalt  }
0x71: {  	_ =	shalt  }
0x72: {  	_ =	shalt  }
0x73: {  	_ =	shalt  }
0x74: {  	_ =	shalt  }
0x75: {  	_ =	shalt  }
0x76: {  	_ =	shalt  }
0x77: {  	_ =	shalt  }
0x78: {  	_ =	shalt  }
0x79: {  	_ =	shalt  }
0x7a: {  	_ =	shalt  }
0x7b: {  	_ =	shalt  }
0x7c: {  	_ =	shalt  }
0x7d: {  	_ =	shalt  }
0x7e: {  	_ =	shalt  }
0x7f: {  	_ =	shalt  }
0x80: {  	_ =	shalt  }
0x81: {  	_ =	shalt  }
0x82: {  	_ =	shalt  }
0x83: {  	_ =	shalt  }
0x84: {  	_ =	shalt  }
0x85: {  	_ =	shalt  }
0x86: {  	_ =	shalt  }
0x87: {  	_ =	shalt  }
.Lfunc_end0:
.L_simem_size_0:
called_computation.1_lowered:
.L_overlay_start_0:
0x88: {  	s2 =	sld [smem:$0x3FD9]  }
0x89: {  	s3 =	sld [smem:$0x3FFE];
	_ =	sdelay $0x1  }
0x8a: {  	s1 =	srdreg.scid  }
0x8b: {  	s0 =	sand.u32 $0x1, s1  }
0x8c: {  	s17 =	sshll.u32 s0, $0xA;
	s2 =	sadd.s32 s3, s2  }
0x8d: {  	s2 =	sadd.s32 s2, s17  }
0x8e: {  	[smem:$0x3FC5] =	sst s2  }
0x8f: {  	_ = 	snop  }
0x90: {  	s2 =	sld [smem:$0x3FD0];
	(tm) =	ssettm $0x1  }
0x91: {  	s18 =	sld [smem:$0x3FFB];
	_ =	sdelay $0x3  }
0x92: {  	_ =	strace s18  }
0x93: {  	s3 =	sld [smem:$0x3FFC];
	_ =	sdelay $0x3  }
0x94: {  	_ =	strace s3  }
0x95: {  	s3 =	sld [smem:$0x3FFD];
	_ =	sdelay $0x3  }
0x96: {  	_ =	strace s3  }
0x97: {  	_ =	strace $0x8FFFFFFF  }
0x98: {  	s19 =	sld [smem:$0x3FDB];
	_ =	sdelay $0x1  }
0x99: {  	s4 =	simm.s32 $_scs_section_size  }
0x9a: {  	s5 =	simm.s32 $_size__tile_overlayer_lowered;
	s6 =	simm.s32 $_tile_overlayer_lowered  }
0x9b: {  	s22 =	simm.s32 $0x1BFF;
	s21 =	sshll.u32 s6, $0x1;
	s3 =	sadd.s32 s4, s19  }
0x9c: {  	s7 =	simm.s32 $0x0;
	s20 =	sshll.u32 s5, $0x1;
	s5 =	sadd.s32 s21, s3  }
0x9d: {  	[timem:s7], [sflag:s22] =	dma.local [hbm:s5], s20  }
0x9e: {  	_ =	swait.ge [sflag:s22], s20  }
0x9f: {  	s4 =	ssub.s32 $0x0, s20;
	[sflag:s22] =	ssyncset.done $0x0  }
0xa0: {  	[sflag:s22] =	ssyncadd.s32 s4;
	_ =	sdelay $0x1  }
0xa1: {  	s23 =	simm.s32 $0x1B8B  }
0xa2: {  	_ =	swait.ge [sflag:s23], $0x1  }
0xa3: {  	[sflag:s23] =	ssyncset.done $0x0  }
0xa4: {  	s25 =	simm.s32 $0x1B8E;
	s24 =	sld [smem:$0x3FFE];
	[sflag:s23] =	ssyncadd.s32 $0xFFFFFFFF  }
0xa5: {  	s26 =	simm.s32 $execute0_lowered;
	[smem:$0x3FD2] =	sst s25  }
0xa6: {  	s5 =	sshll.u32 s26, $0x1;
	_ =	strace $0x80000046;
	[dreg:$0x1] =	wrdreg $0xFFFFFFFF  }
0xa7: {  	s28 =	simm.s32 $_size_execute0_lowered;
	s3 =	sadd.s32 s3, s5;
	[dreg:$0x0] =	wrdreg $0x0  }
0xa8: {  	s5 =	sshll.u32 s28, $0x1;
	[dreg:$0x2] =	wrdreg s3  }
0xa9: {  	[dreg:$0x3] =	wrdreg s5  }
0xaa: {  	[dreg:$0x4] =	wrdreg $0xC0  }
0xab: {  	_ =	task [dreg:s7], $0x5FFFF  }
0xac: {  	[dreg:$0x1] =	wrdreg $0xFFFFFFFF  }
0xad: {  	[dreg:$0x0] =	wrdreg $0x60  }
0xae: {  	[dreg:$0x2] =	wrdreg s24  }
0xaf: {  	[dreg:$0x3] =	wrdreg s2  }
0xb0: {  	[dreg:$0x4] =	wrdreg $0x9  }
0xb1: {  	_ =	task.clear_ibuf [dreg:s7], $0x5FFFF;
	_ =	strace $0x90000046  }
0xb2: {  	s29 =	simm.s32 $0x9;
	_ =	strace $0x80000048  }
0xb3: {  	_ =	swait.ge [sflag:s29], $0x1  }
0xb4: {  	[sflag:s29] =	ssyncadd.s32 $0xFFFFFFFF  }
0xb5: {  	_ =	strace $0x90000048  }
0xb6: {  	_ =	sfence  }
0xb7: {  	s30 =	sld [smem:$0x0];
	_ =	sdelay $0x2  }
0xb8: {  	s31 =	sshll.u32 s1, $0xD;
	s1 =	sshrl.u32 s1, $0x2  }
0xb9: {  	s3 =	sand.u32 $0x4000, s31;
	s1 =	sadd.s32 s1, s30  }
0xba: {  	s0 =	sor.u32 s3, s0;
	s1 =	sshll.u32 s1, $0x11  }
0xbb: {  	s0 =	sor.u32 s1, s0  }
0xbc: {  	s0 =	sadd.s32 $0x8F2B, s0  }
0xbd: {  	[sflag:s0] =	ssyncadd.remote.s32 $0x1  }
0xbe: {  	_ =	sfence.sel $0xFFFF  }
0xbf: {  	[dreg:$0x0] =	wrdreg $0xFFFFFFFF;
	(pc) =	sbr.abs _section_cstart, $3  }
0xc0: {  	[dreg:$0x1] =	wrdreg $0xFFFFFFFF  }
0xc1: {  	_ =	task.clear_ibuf [dreg:s7], $0x2FFFF;
	_ =	strace $0x9FFFFFFF  }
0xc2: {  	(tm) =	ssettm $0x7FFFFFFF  }
0xc3: {  	_ =	shalt  }
tec
execute0_lowered:
.L_overlay_start_1:
0x0: {  	(tag) =	ssettag $0x1  }
0x1: {  	s0 =	srdreg.scid  }
0x2: {  	s2 =	stileid.u32;
	s1 =	rddreg [dreg:$0x0]  }
0x3: {  	s17 =	simm.s32 $0x1EC00;
	s18 =	simm.s32 $0x4;
	s19 =	simm.s32 $0x1  }
0x4: {  	s20 =	simm.s32 $0x2;
	s21 =	simm.s32 $0x48;
	s22 =	simm.s32 $0x2400  }
0x5: {  	s23 =	simm.s32 $0xFC00;
	s24 =	simm.s32 $0x1D400;
	s25 =	simm.s32 $0x3  }
0x6: {  	s26 =	simm.s32 $0x0;
	s0 =	sand.u32 $0x1, s0;
	s3 =	sshll.u32 s2, $0x1  }
0x7: {  	s2 =	rddreg [dreg:$0x1];
	s5 =	sadd.s32 $0x931200, s1;
	s8 =	sor.u32 s0, s3  }
0x8: {  	s3 =	simm.s32 $0x0;
	s0 =	ssub.s32 $0x2, s0;
	s4 =	smul.u32 $0x480, s8  }
0x9: {  	[smem:$0x7FF] =	sst s3;
	s7 =	smul.u32 $0xC1800, s8;
	s30 =	sshrl.u32 s0, $0x1  }
0xa: {  	s9 =	smul.u32 $0x18300, s8;
	s8 =	sshll.u32 s8, $0x3;
	_ =	strace $0x80000047  }
0xb: {  	s0 =	ssub.s32 s0, s30;
	s6 =	sadd.s32 s4, s1;
	s31 =	sshrl.u32 s7, $0x3  }
0xc: {  	s4 =	sadd.s32 $0x9600, s1;
	s7 =	sadd.s32 s2, s9;
	s1 =	sadd.s32 s2, s31  }
0xd: {  	s16 =	smax.u32 s0, $0x1;
	s6 =	sadd.s32 $0x600, s6;
	s9 =	sadd.s32 $0x3060, s1  }
0xe: {  	s10 =	sadd.s32 $0x60C0, s1;
	s11 =	sadd.s32 $0x9120, s1;
	s12 =	sadd.s32 $0xC180, s1  }
0xf: {  	s13 =	sadd.s32 $0xF1E0, s1;
	s14 =	sadd.s32 $0x12240, s1;
	s15 =	sadd.s32 $0x152A0, s1  }
.LBB2_1:
0x10: {  	[tilespmem:s3], [sflag:$0x1] =	stream.linear.gather [hbm4b:s6+s3], $0x2400, $0x38;
	[tilespmem:$0x1EF00] =	vst v63  }
0x11: {  	_ = 	snop  }
0x12: {  	[tilespmem:s17], [sflag:$0x4] =	stream.linear.gather [hbm4b:s5+s3], $0x300, $0x38;
	[tilespmem:$0x1EF00] =	vst v63  }
0x13: {  	_ =	swait.ge [sflag:s18], $0x300  }
0x14: {  	[sflag:s18] =	ssyncset.done $0x0  }
0x15: {  	[sflag:s18] =	ssyncadd.s32 $0xFFFFFD00  }
0x16: {  	[hbm4b:s7+s3] =	stream.linear.scatter [tilespmem:s17], [sflag:$0x2], $0x300, $0x38;
	[tilespmem:$0x1EF00] =	vst v63  }
0x17: {  	_ = 	snop  }
0x18: {  	[hbm4b:s9+s3] =	stream.linear.scatter [tilespmem:s17], [sflag:$0x2], $0x300, $0x38;
	[tilespmem:$0x1EF00] =	vst v63  }
0x19: {  	_ = 	snop  }
0x1a: {  	[hbm4b:s10+s3] =	stream.linear.scatter [tilespmem:s17], [sflag:$0x2], $0x300, $0x38;
	[tilespmem:$0x1EF00] =	vst v63  }
0x1b: {  	_ = 	snop  }
0x1c: {  	[hbm4b:s11+s3] =	stream.linear.scatter [tilespmem:s17], [sflag:$0x2], $0x300, $0x38;
	[tilespmem:$0x1EF00] =	vst v63  }
0x1d: {  	_ = 	snop  }
0x1e: {  	[hbm4b:s12+s3] =	stream.linear.scatter [tilespmem:s17], [sflag:$0x2], $0x300, $0x38;
	[tilespmem:$0x1EF00] =	vst v63  }
0x1f: {  	_ = 	snop  }
0x20: {  	[hbm4b:s13+s3] =	stream.linear.scatter [tilespmem:s17], [sflag:$0x2], $0x300, $0x38;
	[tilespmem:$0x1EF00] =	vst v63  }
0x21: {  	_ = 	snop  }
0x22: {  	[hbm4b:s14+s3] =	stream.linear.scatter [tilespmem:s17], [sflag:$0x2], $0x300, $0x38;
	[tilespmem:$0x1EF00] =	vst v63  }
0x23: {  	_ = 	snop  }
0x24: {  	[hbm4b:s15+s3] =	stream.linear.scatter [tilespmem:s17], [sflag:$0x2], $0x300, $0x38;
	[tilespmem:$0x1EF00] =	vst v63  }
0x25: {  	_ =	swait.ge [sflag:s19], $0x2400  }
0x26: {  	[sflag:s19] =	ssyncset.done $0x0  }
0x27: {  	[sflag:s19] =	ssyncadd.s32 $0xFFFFDC00  }
0x28: {  	_ =	swait.ge [sflag:s20], $0x300  }
0x29: {  	[sflag:s20] =	ssyncset.done $0x0  }
0x2a: {  	[sflag:s20] =	ssyncadd.s32 $0xFFFFFD00  }
0x2b: {  	_ =	swait.ge [sflag:s20], $0x300  }
0x2c: {  	[sflag:s20] =	ssyncset.done $0x0  }
0x2d: {  	[sflag:s20] =	ssyncadd.s32 $0xFFFFFD00  }
0x2e: {  	_ =	swait.ge [sflag:s20], $0x300  }
0x2f: {  	[sflag:s20] =	ssyncset.done $0x0  }
0x30: {  	[sflag:s20] =	ssyncadd.s32 $0xFFFFFD00  }
0x31: {  	_ =	swait.ge [sflag:s20], $0x300  }
0x32: {  	[sflag:s20] =	ssyncset.done $0x0  }
0x33: {  	[sflag:s20] =	ssyncadd.s32 $0xFFFFFD00  }
0x34: {  	_ =	swait.ge [sflag:s20], $0x300  }
0x35: {  	[sflag:s20] =	ssyncset.done $0x0  }
0x36: {  	[sflag:s20] =	ssyncadd.s32 $0xFFFFFD00  }
0x37: {  	_ =	swait.ge [sflag:s20], $0x300  }
0x38: {  	[sflag:s20] =	ssyncset.done $0x0  }
0x39: {  	[sflag:s20] =	ssyncadd.s32 $0xFFFFFD00  }
0x3a: {  	_ =	swait.ge [sflag:s20], $0x300  }
0x3b: {  	[sflag:s20] =	ssyncset.done $0x0  }
0x3c: {  	[sflag:s20] =	ssyncadd.s32 $0xFFFFFD00  }
0x3d: {  	_ =	swait.ge [sflag:s20], $0x300  }
0x3e: {  	[sflag:s20] =	ssyncset.done $0x0  }
0x3f: {  	s28 =	simm.s32 $0x0;
	[sflag:s20] =	ssyncadd.s32 $0xFFFFFD00  }
0x40: {  	[tilespmem:s22], [sflag:$0x1] =	stream.indirect.gather [hbm4b:s4+s21], $0x300, s3, s21, $0xb8;
	[tilespmem:$0x1EF00] =	vst v63  }
.LBB2_2:
0x41: {  	s29 =	sshllo.u32 s28, $0x1  }
0x42: {  	s0 =	smul.u32 $0x120, s29;
	_ =	sdelay $0x1  }
0x43: {  	s0 =	sshra.s32 s0, $0x2  }
0x44: {  	[tilespmem:s23], [sflag:$0x2] =	stream.indirect.gather [hbm4b:s4+s21], $0x300, s0, s21, $0xb8;
	[tilespmem:$0x1EF00] =	vst v63  }
0x45: {  	_ =	swait.ge [sflag:s19], $0xD800  }
0x46: {  	p0 =	seq.s32 s28, $0x0;
	[sflag:s19] =	ssyncset.done $0x0  }
0x47: {  	s0 =	simm.s32 @!p0 $0x3;
	[sflag:s19] =	ssyncadd.s32 $0xFFFF2800  }
0x48: {  	_ =	swait.ge @!p0 [sflag:s0], $0x1800  }
0x49: {  	[sflag:s0] =	ssyncset.done @!p0 $0x0  }
0x4a: {  	s30 =	simm.s32 $0x0;
	[sflag:s0] =	ssyncadd.s32 @!p0 $0xFFFFE800  }
0x4b: {  	v0 =	vld [tilespmem:s30+$0xE110]  }
0x4c: {  	v1 =	vld [tilespmem:s30+$0xE410];
	_ =	sdelay $0x1  }
0x4d: {  	v3 =	vld [tilespmem:s30+$0xE710]  }
0x4e: {  	v6 =	vld [tilespmem:s30+$0x2400]  }
0x4f: {  	v5 =	vld [tilespmem:s30+$0xEA10]  }
0x50: {  	v2 =	vld [tilespmem:s30+$0x2700];
	v0 =	vadd.f32 v1, v0  }
0x51: {  	v1 =	vld [tilespmem:s30+$0xED10]  }
0x52: {  	v7 =	vld [tilespmem:s30+$0x4200];
	v0 =	vadd.f32 v3, v0  }
0x53: {  	v3 =	vld [tilespmem:s30+$0xF010]  }
0x54: {  	v8 =	vld [tilespmem:s30+$0x5A00];
	v0 =	vadd.f32 v5, v0  }
0x55: {  	v5 =	vld [tilespmem:s30+$0xF310]  }
0x56: {  	v9 =	vld [tilespmem:s30+$0x5D00];
	v0 =	vadd.f32 v1, v0  }
0x57: {  	v1 =	vld [tilespmem:s30+$0xF610]  }
0x58: {  	v10 =	vld [tilespmem:s30+$0x7500];
	v0 =	vadd.f32 v3, v0  }
0x59: {  	v3 =	vld [tilespmem:s30+$0xF910]  }
0x5a: {  	v11 =	vld [tilespmem:s30+$0x7800];
	v0 =	vadd.f32 v5, v0  }
0x5b: {  	v12 =	vld [tilespmem:s30+$0x9300]  }
0x5c: {  	v13 =	vld [tilespmem:s30+$0xAE00];
	v0 =	vadd.f32 v1, v0  }
0x5d: {  	v14 =	vld [tilespmem:s30+$0xC900]  }
0x5e: {  	v15 =	vld [tilespmem:s30+$0xE400];
	v0 =	vadd.f32 v3, v0  }
0x5f: {  	v16 =	vld [tilespmem:s30+$0x2410]  }
0x60: {  	[tilespmem:s30+$0x1E910] =	vst v0;
	v0 =	vld [tilespmem:s30+$0xB700]  }
0x61: {  	v17 =	vld [tilespmem:s30+$0x2710]  }
0x62: {  	v18 =	vld [tilespmem:s30+$0x3F10]  }
0x63: {  	v19 =	vld [tilespmem:s30+$0x4210]  }
0x64: {  	v20 =	vld [tilespmem:s30+$0x5A10]  }
0x65: {  	[tilespmem:$0x1FE90] =	vst v0;
	v0 =	vld [tilespmem:s30+$0xD200]  }
0x66: {  	v21 =	vld [tilespmem:s30+$0x5D10]  }
0x67: {  	v22 =	vld [tilespmem:s30+$0x7510]  }
0x68: {  	v23 =	vld [tilespmem:s30+$0x7810]  }
0x69: {  	v24 =	vld [tilespmem:s30+$0x9010]  }
0x6a: {  	[tilespmem:$0x1FEA0] =	vst v0;
	v0 =	vld [tilespmem:s30+$0xED00]  }
0x6b: {  	v25 =	vld [tilespmem:s30+$0x9310]  }
0x6c: {  	v26 =	vld [tilespmem:s30+$0xAB10]  }
0x6d: {  	v27 =	vld [tilespmem:s30+$0xAE10]  }
0x6e: {  	v28 =	vld [tilespmem:s30+$0xC610]  }
0x6f: {  	[tilespmem:$0x1FEB0] =	vst v0;
	v0 =	vld [tilespmem:s30+$0x3010]  }
0x70: {  	v29 =	vld [tilespmem:s30+$0xC910]  }
0x71: {  	v30 =	vld [tilespmem:s30+$0x2A00]  }
0x72: {  	v31 =	vld [tilespmem:s30+$0x4500]  }
0x73: {  	v32 =	vld [tilespmem:s30+$0x6000]  }
0x74: {  	[tilespmem:$0x1FEC0] =	vst v0;
	v0 =	vld [tilespmem:s30+$0x4B10]  }
0x75: {  	v33 =	vld [tilespmem:s30+$0x7B00]  }
0x76: {  	v34 =	vld [tilespmem:s30+$0x9600]  }
0x77: {  	v35 =	vld [tilespmem:s30+$0xB100]  }
0x78: {  	v36 =	vld [tilespmem:s30+$0xCC00]  }
0x79: {  	[tilespmem:$0x1FED0] =	vst v0;
	v0 =	vld [tilespmem:s30+$0x6610]  }
0x7a: {  	v37 =	vld [tilespmem:s30+$0xE700]  }
0x7b: {  	v38 =	vld [tilespmem:s30+$0x2A10]  }
0x7c: {  	v39 =	vld [tilespmem:s30+$0x4510]  }
0x7d: {  	v40 =	vld [tilespmem:s30+$0x6010]  }
0x7e: {  	[tilespmem:$0x1FEE0] =	vst v0;
	v0 =	vld [tilespmem:s30+$0x8110]  }
0x7f: {  	v41 =	vld [tilespmem:s30+$0x7B10]  }
0x80: {  	v42 =	vld [tilespmem:s30+$0x9610]  }
0x81: {  	v43 =	vld [tilespmem:s30+$0xB110]  }
0x82: {  	v44 =	vld [tilespmem:s30+$0xCC10]  }
0x83: {  	[tilespmem:$0x1FEF0] =	vst v0;
	v0 =	vld [tilespmem:s30+$0x9C10]  }
0x84: {  	v45 =	vld [tilespmem:s30+$0x2D00]  }
0x85: {  	v46 =	vld [tilespmem:s30+$0x4800]  }
0x86: {  	v47 =	vld [tilespmem:s30+$0x6300]  }
0x87: {  	v48 =	vld [tilespmem:s30+$0x7E00]  }
0x88: {  	[tilespmem:$0x1FF00] =	vst v0;
	v0 =	vld [tilespmem:s30+$0xB710]  }
0x89: {  	v49 =	vld [tilespmem:s30+$0x9900]  }
0x8a: {  	v50 =	vld [tilespmem:s30+$0xB400]  }
0x8b: {  	v51 =	vld [tilespmem:s30+$0xCF00]  }
0x8c: {  	v52 =	vld [tilespmem:s30+$0xEA00]  }
0x8d: {  	[tilespmem:$0x1FF10] =	vst v0;
	v0 =	vld [tilespmem:s30+$0xD210]  }
0x8e: {  	v53 =	vld [tilespmem:s30+$0x2D10]  }
0x8f: {  	v54 =	vld [tilespmem:s30+$0x4810]  }
0x90: {  	v55 =	vld [tilespmem:s30+$0x6310]  }
0x91: {  	v56 =	vld [tilespmem:s30+$0x7E10]  }
0x92: {  	[tilespmem:$0x1FF20] =	vst v0;
	v0 =	vld [tilespmem:s30+$0x3300]  }
0x93: {  	v57 =	vld [tilespmem:s30+$0x9910]  }
0x94: {  	v58 =	vld [tilespmem:s30+$0xB410]  }
0x95: {  	v59 =	vld [tilespmem:s30+$0xCF10]  }
0x96: {  	v60 =	vld [tilespmem:s30+$0x3000]  }
0x97: {  	[tilespmem:$0x1FF30] =	vst v0;
	v0 =	vld [tilespmem:s30+$0x4E00]  }
0x98: {  	v61 =	vld [tilespmem:s30+$0x4B00]  }
0x99: {  	v62 =	vld [tilespmem:s30+$0x6600]  }
0x9a: {  	v63 =	vld [tilespmem:s30+$0x8100]  }
0x9b: {  	[tilespmem:$0x1FE70] =	vst v2;
	v2 =	vld [tilespmem:s30+$0x3F00]  }
0x9c: {  	[tilespmem:$0x1FF40] =	vst v0;
	v0 =	vld [tilespmem:s30+$0x6900]  }
0x9d: {  	v4 =	vld [tilespmem:s30+$0x9C00]  }
0x9e: {  	v8 =	vadd.f32 v9, v8;
	v9 =	vadd.f32 v11, v10;
	v10 =	vld [tilespmem:s30+$0xBA10]  }
0x9f: {  	v11 =	vld [tilespmem:s30+$0xD510]  }
0xa0: {  	v8 =	vadd.f32 v32, v8;
	[tilespmem:$0x1FE80] =	vst v2;
	v2 =	vld [tilespmem:s30+$0xAB00]  }
0xa1: {  	[tilespmem:$0x1FF50] =	vst v0;
	v0 =	vld [tilespmem:s30+$0x8400]  }
0xa2: {  	v32 =	vld [tilespmem:s30+$0xBD10];
	v8 =	vadd.f32 v47, v8  }
0xa3: {  	v9 =	vadd.f32 v33, v9;
	v33 =	vld [tilespmem:s30+$0xD810]  }
0xa4: {  	v8 =	vadd.f32 v62, v8;
	v62 =	vld [tilespmem:s30+$0x5700]  }
0xa5: {  	v5 =	vld [tilespmem:s30+$0x9000]  }
0xa6: {  	v2 =	vadd.f32 v13, v2;
	[tilespmem:$0x1FF60] =	vst v0;
	v0 =	vld [tilespmem:s30+$0x9F00]  }
0xa7: {  	v13 =	vadd.f32 v17, v16;
	v16 =	vadd.f32 v21, v20;
	v21 =	vld [tilespmem:s30+$0x8700]  }
0xa8: {  	v17 =	vadd.f32 v23, v22;
	v23 =	vld [tilespmem:s30+$0xA200]  }
0xa9: {  	v20 =	vadd.f32 v27, v26;
	v26 =	vld [tilespmem:s30+$0xF300]  }
0xaa: {  	v27 =	vld [tilespmem:s30+$0x3610]  }
0xab: {  	[tilespmem:$0x1FF70] =	vst v0;
	v0 =	vld [tilespmem:s30+$0xBA00]  }
0xac: {  	v22 =	vadd.f32 v29, v28;
	v28 =	vld [tilespmem:s30+$0x5110]  }
0xad: {  	v29 =	vld [tilespmem:s30+$0x6C10]  }
0xae: {  	v1 =	vld [tilespmem:s30+$0xE100]  }
0xaf: {  	v2 =	vadd.f32 v35, v2;
	v35 =	vld [tilespmem:s30+$0x5400]  }
0xb0: {  	[tilespmem:$0x1FF80] =	vst v0;
	v0 =	vld [tilespmem:s30+$0xD500]  }
0xb1: {  	v13 =	vadd.f32 v38, v13;
	v38 =	vld [tilespmem:s30+$0xA500]  }
0xb2: {  	v16 =	vadd.f32 v40, v16;
	v40 =	vld [tilespmem:s30+$0x3910]  }
0xb3: {  	v17 =	vadd.f32 v41, v17;
	v41 =	vld [tilespmem:s30+$0x5410]  }
0xb4: {  	v20 =	vadd.f32 v43, v20;
	v43 =	vld [tilespmem:s30+$0x8A10]  }
0xb5: {  	[tilespmem:$0x1FF90] =	vst v0;
	v0 =	vld [tilespmem:s30+$0xF000]  }
0xb6: {  	v3 =	vld [tilespmem:s30+$0xC600]  }
0xb7: {  	v5 =	vadd.f32 v12, v5;
	v12 =	vld [tilespmem:s30+$0x3600]  }
0xb8: {  	v1 =	vadd.f32 v15, v1;
	v15 =	vld [tilespmem:s30+$0x5100]  }
0xb9: {  	v5 =	vadd.f32 v34, v5;
	v34 =	vld [tilespmem:s30+$0x3900]  }
0xba: {  	[tilespmem:$0x1FFA0] =	vst v0;
	v0 =	vld [tilespmem:s30+$0x3310]  }
0xbb: {  	v3 =	vadd.f32 v14, v3;
	v14 =	vadd.f32 v19, v18;
	v18 =	vld [tilespmem:s30+$0x6C00]  }
0xbc: {  	v19 =	vadd.f32 v25, v24;
	v24 =	vld [tilespmem:s30+$0xBD00]  }
0xbd: {  	v25 =	vld [tilespmem:s30+$0xD800]  }
0xbe: {  	v1 =	vadd.f32 v37, v1;
	v37 =	vld [tilespmem:s30+$0x8A00]  }
0xbf: {  	[tilespmem:$0x1FFB0] =	vst v0;
	v0 =	vld [tilespmem:s30+$0x4E10]  }
0xc0: {  	v5 =	vadd.f32 v49, v5;
	v3 =	vadd.f32 v36, v3;
	v36 =	vld [tilespmem:s30+$0x6F00]  }
0xc1: {  	v14 =	vadd.f32 v39, v14;
	v39 =	vld [tilespmem:s30+$0xC000]  }
0xc2: {  	v4 =	vadd.f32 v4, v5;
	v5 =	vld [tilespmem:s30+$0xDB00]  }
0xc3: {  	v19 =	vadd.f32 v42, v19;
	v42 =	vld [tilespmem:s30+$0x6F10]  }
0xc4: {  	[tilespmem:$0x1FFC0] =	vst v0;
	v0 =	vld [tilespmem:s30+$0x6910]  }
0xc5: {  	v22 =	vadd.f32 v44, v22;
	v44 =	vld [tilespmem:$0x1FEB0]  }
0xc6: {  	v47 =	vld [tilespmem:$0x1FEE0]  }
0xc7: {  	v9 =	vadd.f32 v48, v9;
	v48 =	vld [tilespmem:$0x1FEF0]  }
0xc8: {  	v49 =	vld [tilespmem:$0x1FF00]  }
0xc9: {  	[tilespmem:$0x1FFD0] =	vst v0;
	v0 =	vld [tilespmem:s30+$0x8410]  }
0xca: {  	v2 =	vadd.f32 v50, v2;
	v50 =	vld [tilespmem:$0x1FF10]  }
0xcb: {  	v9 =	vadd.f32 v63, v9;
	v3 =	vadd.f32 v51, v3;
	v51 =	vld [tilespmem:$0x1FF20]  }
0xcc: {  	v13 =	vadd.f32 v53, v13;
	v14 =	vadd.f32 v54, v14;
	v54 =	vld [tilespmem:$0x1FF50]  }
0xcd: {  	v16 =	vadd.f32 v55, v16;
	v17 =	vadd.f32 v56, v17;
	v55 =	vld [tilespmem:$0x1FF60]  }
0xce: {  	v20 =	vadd.f32 v58, v20;
	v1 =	vadd.f32 v52, v1;
	[tilespmem:$0x1FFE0] =	vst v0;
	v0 =	vld [tilespmem:$0x1FE70]  }
0xcf: {  	v22 =	vadd.f32 v59, v22;
	v19 =	vadd.f32 v57, v19;
	v56 =	vld [tilespmem:$0x1FF70]  }
0xd0: {  	v1 =	vadd.f32 v44, v1;
	v16 =	vadd.f32 v47, v16;
	v52 =	vld [tilespmem:$0x1FF30]  }
0xd1: {  	v17 =	vadd.f32 v48, v17;
	v19 =	vadd.f32 v49, v19;
	v53 =	vld [tilespmem:$0x1FF40]  }
0xd2: {  	v20 =	vadd.f32 v50, v20;
	v8 =	vadd.f32 v54, v8;
	v54 =	vld [tilespmem:s30+$0x8D00]  }
0xd3: {  	v9 =	vadd.f32 v55, v9;
	v0 =	vadd.f32 v0, v6;
	v6 =	vld [tilespmem:$0x1FE80]  }
0xd4: {  	v8 =	vadd.f32 v18, v8;
	v4 =	vadd.f32 v56, v4;
	v56 =	vld [tilespmem:s30+$0xA800]  }
0xd5: {  	v9 =	vadd.f32 v21, v9;
	v59 =	vld [tilespmem:$0x1FFA0];
	v0 =	vadd.f32 v30, v0  }
0xd6: {  	v22 =	vadd.f32 v51, v22;
	v8 =	vadd.f32 v36, v8;
	v63 =	vld [tilespmem:$0x1FFC0]  }
0xd7: {  	v9 =	vadd.f32 v37, v9;
	v55 =	vld [tilespmem:$0x1FFE0];
	v0 =	vadd.f32 v45, v0  }
0xd8: {  	v4 =	vadd.f32 v23, v4;
	v7 =	vadd.f32 v7, v6;
	v6 =	vld [tilespmem:s30+$0x9F10]  }
0xd9: {  	v9 =	vadd.f32 v54, v9;
	v45 =	vld [tilespmem:$0x1FEC0];
	v0 =	vadd.f32 v60, v0  }
0xda: {  	v4 =	vadd.f32 v38, v4;
	v60 =	vld [tilespmem:s30+$0x3C00];
	v7 =	vadd.f32 v31, v7  }
0xdb: {  	v1 =	vadd.f32 v59, v1;
	v0 =	vadd.f32 v52, v0;
	v52 =	vld [tilespmem:$0x1FFD0]  }
0xdc: {  	v4 =	vadd.f32 v56, v4;
	v7 =	vadd.f32 v46, v7;
	v46 =	vld [tilespmem:$0x1FED0]  }
0xdd: {  	v1 =	vadd.f32 v26, v1;
	[tilespmem:$0x1FFF0] =	vst v6;
	v6 =	vld [tilespmem:$0x1FE90];
	v0 =	vadd.f32 v12, v0  }
0xde: {  	v17 =	vadd.f32 v55, v17;
	v7 =	vadd.f32 v61, v7;
	v61 =	vld [tilespmem:$0x1FFB0]  }
0xdf: {  	v30 =	vld [tilespmem:s30+$0x8710];
	v13 =	vadd.f32 v45, v13;
	v0 =	vadd.f32 v34, v0  }
0xe0: {  	v57 =	vld [tilespmem:$0x1FF80];
	v7 =	vadd.f32 v53, v7;
	v16 =	vadd.f32 v52, v16  }
0xe1: {  	v53 =	vld [tilespmem:s30+$0x7200];
	v14 =	vadd.f32 v46, v14;
	v0 =	vadd.f32 v60, v0  }
0xe2: {  	v44 =	vld [tilespmem:s30+$0xA510];
	v2 =	vadd.f32 v6, v2;
	v7 =	vadd.f32 v15, v7  }
0xe3: {  	v6 =	vld [tilespmem:$0x1FEA0];
	v13 =	vadd.f32 v61, v13;
	v14 =	vadd.f32 v63, v14  }
0xe4: {  	v58 =	vld [tilespmem:$0x1FF90];
	[tilespmem:s30+$0x1D400] =	vst v0;
	v0 =	vadd.f32 v10, v20;
	v63 =	vadd.f32 v30, v17  }
0xe5: {  	v59 =	vld [tilespmem:s30+$0xDE00];
	v2 =	vadd.f32 v57, v2;
	v7 =	vadd.f32 v35, v7  }
0xe6: {  	[tilespmem:s30+$0x1DD00] =	vst v9;
	v31 =	vld [tilespmem:s30+$0xA210];
	v8 =	vadd.f32 v53, v8;
	v9 =	vadd.f32 v28, v14  }
0xe7: {  	v60 =	vld [tilespmem:s30+$0x5710];
	v0 =	vadd.f32 v32, v0;
	v7 =	vadd.f32 v62, v7  }
0xe8: {  	v57 =	vld [tilespmem:s30+$0xC300];
	v2 =	vadd.f32 v24, v2;
	v3 =	vadd.f32 v6, v3  }
0xe9: {  	v62 =	vadd.f32 v29, v16;
	v6 =	vld [tilespmem:s30+$0xF600];
	[tilespmem:s30+$0x1DA00] =	vst v8;
	v8 =	vadd.f32 v27, v13  }
0xea: {  	v9 =	vadd.f32 v41, v9;
	v3 =	vadd.f32 v58, v3;
	v58 =	vld [tilespmem:$0x1FFF0]  }
0xeb: {  	v10 =	vld [tilespmem:s30+$0xF900];
	[tilespmem:s30+$0x1D700] =	vst v7;
	v7 =	vadd.f32 v11, v22;
	v2 =	vadd.f32 v39, v2  }
0xec: {  	v61 =	vld [tilespmem:s30+$0x7210];
	v8 =	vadd.f32 v40, v8;
	v9 =	vadd.f32 v60, v9  }
0xed: {  	v11 =	vld [tilespmem:s30+$0x3C10];
	v2 =	vadd.f32 v57, v2;
	v3 =	vadd.f32 v25, v3  }
0xee: {  	v45 =	vld [tilespmem:s30+$0xC010];
	v7 =	vadd.f32 v33, v7;
	v1 =	vadd.f32 v6, v1  }
0xef: {  	v46 =	vld [tilespmem:s30+$0xDB10];
	v3 =	vadd.f32 v5, v3;
	v19 =	vadd.f32 v58, v19  }
0xf0: {  	[tilespmem:s30+$0x1E000] =	vst v4;
	v4 =	vld [tilespmem:s30+$0x8D10];
	v1 =	vadd.f32 v10, v1;
	v10 =	vadd.f32 v42, v62  }
0xf1: {  	[tilespmem:s30+$0x1E300] =	vst v2;
	v5 =	vld [tilespmem:s30+$0xA810];
	v3 =	vadd.f32 v59, v3;
	v2 =	vadd.f32 v31, v19  }
0xf2: {  	v6 =	vld [tilespmem:s30+$0xC310];
	v11 =	vadd.f32 v11, v8;
	[tilespmem:s30+$0x1E900] =	vst v1;
	v10 =	vadd.f32 v61, v10  }
0xf3: {  	s1 =	simm.s32 $0x20;
	v8 =	vld [tilespmem:s30+$0xDE10];
	[tilespmem:s30+$0x1E600] =	vst v3;
	v3 =	vadd.f32 v43, v63;
	v1 =	vadd.f32 v44, v2  }
0xf4: {  	s31 =	simm.s32 $0x100;
	v2 =	vadd.f32 v45, v0;
	v0 =	vadd.f32 v46, v7;
	v7 =	vld [tilespmem:s1+$0xE110];
	[tilespmem:s30+$0x1D410] =	vst v11  }
.LBB2_3:
0xf5: {  	p0 =	sne.s32 s31, $0xB80;
	v11 =	vld [tilespmem:s1+$0xE410];
	[tilespmem:s30+$0x1D710] =	vst v9;
	v3 =	vadd.f32 v4, v3  }
0xf6: {  	v4 =	vld [tilespmem:s1+$0x2400];
	[tilespmem:s30+$0x1DA10] =	vst v10;
	v1 =	vadd.f32 v5, v1  }
0xf7: {  	v5 =	vld [tilespmem:s1+$0xE710];
	[tilespmem:s30+$0x1DD10] =	vst v3;
	v2 =	vadd.f32 v6, v2  }
0xf8: {  	v3 =	vld [tilespmem:s1+$0x2700];
	[tilespmem:s30+$0x1E010] =	vst v1;
	v0 =	vadd.f32 v8, v0  }
0xf9: {  	v1 =	vld [tilespmem:s1+$0xEA10];
	[tilespmem:s30+$0x1E310] =	vst v2  }
0xfa: {  	v2 =	vld [tilespmem:s1+$0x3F00];
	v6 =	vadd.f32 v11, v7;
	[tilespmem:s30+$0x1E610] =	vst v0;
	s30 =	smov.u32 s1  }
0xfb: {  	v0 =	vld [tilespmem:s30+$0xED10]  }
0xfc: {  	v7 =	vld [tilespmem:s30+$0x4200];
	v5 =	vadd.f32 v5, v6  }
0xfd: {  	v3 =	vadd.f32 v3, v4;
	v4 =	vld [tilespmem:s30+$0xF010]  }
0xfe: {  	v6 =	vld [tilespmem:s30+$0x5A00];
	v1 =	vadd.f32 v1, v5  }
0xff: {  	v5 =	vld [tilespmem:s30+$0xF310]  }
0x100: {  	v8 =	vld [tilespmem:s30+$0x5D00];
	v0 =	vadd.f32 v0, v1  }
0x101: {  	v1 =	vadd.f32 v7, v2;
	v2 =	vld [tilespmem:s30+$0xF610]  }
0x102: {  	v7 =	vld [tilespmem:s30+$0x7500];
	v0 =	vadd.f32 v4, v0  }
0x103: {  	v4 =	vld [tilespmem:s30+$0xF910]  }
0x104: {  	v9 =	vld [tilespmem:s30+$0x7800];
	v0 =	vadd.f32 v5, v0  }
0x105: {  	v5 =	vadd.f32 v8, v6;
	v6 =	vld [tilespmem:s30+$0x9000]  }
0x106: {  	v8 =	vld [tilespmem:s30+$0x9300];
	v0 =	vadd.f32 v2, v0  }
0x107: {  	v2 =	vld [tilespmem:s30+$0xAB00]  }
0x108: {  	v10 =	vld [tilespmem:s30+$0xAE00];
	v0 =	vadd.f32 v4, v0  }
0x109: {  	v4 =	vadd.f32 v9, v7;
	v7 =	vld [tilespmem:s30+$0xC600]  }
0x10a: {  	v9 =	vld [tilespmem:s30+$0xC900];
	[tilespmem:s30+$0x1E910] =	vst v0  }
0x10b: {  	v0 =	vadd.f32 v8, v6;
	v6 =	vld [tilespmem:s30+$0xE100]  }
0x10c: {  	v8 =	vld [tilespmem:s30+$0xE400]  }
0x10d: {  	v2 =	vadd.f32 v10, v2;
	v10 =	vld [tilespmem:s30+$0x2410]  }
0x10e: {  	v11 =	vld [tilespmem:s30+$0x2710]  }
0x10f: {  	v7 =	vadd.f32 v9, v7;
	v9 =	vld [tilespmem:s30+$0x3F10]  }
0x110: {  	v12 =	vld [tilespmem:s30+$0x4210]  }
0x111: {  	v6 =	vadd.f32 v8, v6;
	v8 =	vld [tilespmem:s30+$0x5A10]  }
0x112: {  	v13 =	vld [tilespmem:s30+$0x5D10]  }
0x113: {  	v10 =	vadd.f32 v11, v10;
	v11 =	vld [tilespmem:s30+$0x7510]  }
0x114: {  	v14 =	vld [tilespmem:s30+$0x7810]  }
0x115: {  	v9 =	vadd.f32 v12, v9;
	v12 =	vld [tilespmem:s30+$0x9010]  }
0x116: {  	v15 =	vld [tilespmem:s30+$0x9310]  }
0x117: {  	v8 =	vadd.f32 v13, v8;
	v13 =	vld [tilespmem:s30+$0xAB10]  }
0x118: {  	v16 =	vld [tilespmem:s30+$0xAE10]  }
0x119: {  	v11 =	vadd.f32 v14, v11;
	v14 =	vld [tilespmem:s30+$0xC610]  }
0x11a: {  	v17 =	vld [tilespmem:s30+$0xC910]  }
0x11b: {  	v18 =	vld [tilespmem:s30+$0x2A00];
	v12 =	vadd.f32 v15, v12  }
0x11c: {  	v15 =	vld [tilespmem:s30+$0x4500]  }
0x11d: {  	v19 =	vld [tilespmem:s30+$0x6000];
	v13 =	vadd.f32 v16, v13  }
0x11e: {  	v16 =	vld [tilespmem:s30+$0x7B00]  }
0x11f: {  	v20 =	vld [tilespmem:s30+$0x9600];
	v14 =	vadd.f32 v17, v14  }
0x120: {  	v3 =	vadd.f32 v18, v3;
	v17 =	vld [tilespmem:s30+$0xB100]  }
0x121: {  	v1 =	vadd.f32 v15, v1;
	v15 =	vld [tilespmem:s30+$0xCC00]  }
0x122: {  	v5 =	vadd.f32 v19, v5;
	v18 =	vld [tilespmem:s30+$0xE700]  }
0x123: {  	v4 =	vadd.f32 v16, v4;
	v16 =	vld [tilespmem:s30+$0x2A10]  }
0x124: {  	v0 =	vadd.f32 v20, v0;
	v19 =	vld [tilespmem:s30+$0x4510]  }
0x125: {  	v2 =	vadd.f32 v17, v2;
	v17 =	vld [tilespmem:s30+$0x6010]  }
0x126: {  	v7 =	vadd.f32 v15, v7;
	v15 =	vld [tilespmem:s30+$0x7B10]  }
0x127: {  	v6 =	vadd.f32 v18, v6;
	v18 =	vld [tilespmem:s30+$0x9610]  }
0x128: {  	v10 =	vadd.f32 v16, v10;
	v16 =	vld [tilespmem:s30+$0xB110]  }
0x129: {  	v9 =	vadd.f32 v19, v9;
	v19 =	vld [tilespmem:s30+$0xCC10]  }
0x12a: {  	v20 =	vld [tilespmem:s30+$0x2D00];
	v8 =	vadd.f32 v17, v8  }
0x12b: {  	v17 =	vld [tilespmem:s30+$0x4800];
	v11 =	vadd.f32 v15, v11  }
0x12c: {  	v15 =	vld [tilespmem:s30+$0x6300];
	v12 =	vadd.f32 v18, v12  }
0x12d: {  	v18 =	vld [tilespmem:s30+$0x7E00];
	v13 =	vadd.f32 v16, v13  }
0x12e: {  	v16 =	vld [tilespmem:s30+$0x9900];
	v14 =	vadd.f32 v19, v14  }
0x12f: {  	v3 =	vadd.f32 v20, v3;
	v19 =	vld [tilespmem:s30+$0xB400]  }
0x130: {  	v1 =	vadd.f32 v17, v1;
	v17 =	vld [tilespmem:s30+$0xCF00]  }
0x131: {  	v5 =	vadd.f32 v15, v5;
	v15 =	vld [tilespmem:s30+$0xEA00]  }
0x132: {  	v4 =	vadd.f32 v18, v4;
	v18 =	vld [tilespmem:s30+$0x2D10]  }
0x133: {  	v0 =	vadd.f32 v16, v0;
	v16 =	vld [tilespmem:s30+$0x4810]  }
0x134: {  	v2 =	vadd.f32 v19, v2;
	v19 =	vld [tilespmem:s30+$0x6310]  }
0x135: {  	v7 =	vadd.f32 v17, v7;
	v17 =	vld [tilespmem:s30+$0x7E10]  }
0x136: {  	v6 =	vadd.f32 v15, v6;
	v15 =	vld [tilespmem:s30+$0x9910]  }
0x137: {  	v10 =	vadd.f32 v18, v10;
	v18 =	vld [tilespmem:s30+$0xB410]  }
0x138: {  	v9 =	vadd.f32 v16, v9;
	v16 =	vld [tilespmem:s30+$0xCF10]  }
0x139: {  	v20 =	vld [tilespmem:s30+$0x3000];
	v8 =	vadd.f32 v19, v8  }
0x13a: {  	v19 =	vld [tilespmem:s30+$0x4B00];
	v11 =	vadd.f32 v17, v11  }
0x13b: {  	v17 =	vld [tilespmem:s30+$0x6600];
	v12 =	vadd.f32 v15, v12  }
0x13c: {  	v15 =	vld [tilespmem:s30+$0x8100];
	v13 =	vadd.f32 v18, v13  }
0x13d: {  	v18 =	vld [tilespmem:s30+$0x9C00];
	v14 =	vadd.f32 v16, v14  }
0x13e: {  	v3 =	vadd.f32 v20, v3;
	v16 =	vld [tilespmem:s30+$0xB700]  }
0x13f: {  	v1 =	vadd.f32 v19, v1;
	v19 =	vld [tilespmem:s30+$0xD200]  }
0x140: {  	v5 =	vadd.f32 v17, v5;
	v17 =	vld [tilespmem:s30+$0xED00]  }
0x141: {  	v4 =	vadd.f32 v15, v4;
	v15 =	vld [tilespmem:s30+$0x3010]  }
0x142: {  	v0 =	vadd.f32 v18, v0;
	v18 =	vld [tilespmem:s30+$0x4B10]  }
0x143: {  	v2 =	vadd.f32 v16, v2;
	v16 =	vld [tilespmem:s30+$0x6610]  }
0x144: {  	v7 =	vadd.f32 v19, v7;
	v19 =	vld [tilespmem:s30+$0x8110]  }
0x145: {  	v6 =	vadd.f32 v17, v6;
	v17 =	vld [tilespmem:s30+$0x9C10]  }
0x146: {  	v10 =	vadd.f32 v15, v10;
	v15 =	vld [tilespmem:s30+$0xB710]  }
0x147: {  	v9 =	vadd.f32 v18, v9;
	v18 =	vld [tilespmem:s30+$0xD210]  }
0x148: {  	v20 =	vld [tilespmem:s30+$0x3300];
	v8 =	vadd.f32 v16, v8  }
0x149: {  	v16 =	vld [tilespmem:s30+$0x4E00];
	v11 =	vadd.f32 v19, v11  }
0x14a: {  	v19 =	vld [tilespmem:s30+$0x6900];
	v12 =	vadd.f32 v17, v12  }
0x14b: {  	v17 =	vld [tilespmem:s30+$0x8400];
	v13 =	vadd.f32 v15, v13  }
0x14c: {  	v15 =	vld [tilespmem:s30+$0x9F00];
	v14 =	vadd.f32 v18, v14  }
0x14d: {  	v3 =	vadd.f32 v20, v3;
	v18 =	vld [tilespmem:s30+$0xBA00]  }
0x14e: {  	v1 =	vadd.f32 v16, v1;
	v16 =	vld [tilespmem:s30+$0xD500]  }
0x14f: {  	v5 =	vadd.f32 v19, v5;
	v19 =	vld [tilespmem:s30+$0xF000]  }
0x150: {  	v4 =	vadd.f32 v17, v4;
	v17 =	vld [tilespmem:s30+$0x3310]  }
0x151: {  	v0 =	vadd.f32 v15, v0;
	v15 =	vld [tilespmem:s30+$0x4E10]  }
0x152: {  	v2 =	vadd.f32 v18, v2;
	v18 =	vld [tilespmem:s30+$0x6910]  }
0x153: {  	v7 =	vadd.f32 v16, v7;
	v16 =	vld [tilespmem:s30+$0x8410]  }
0x154: {  	v6 =	vadd.f32 v19, v6;
	v19 =	vld [tilespmem:s30+$0x9F10]  }
0x155: {  	v10 =	vadd.f32 v17, v10;
	v17 =	vld [tilespmem:s30+$0xBA10]  }
0x156: {  	v9 =	vadd.f32 v15, v9;
	v15 =	vld [tilespmem:s30+$0xD510]  }
0x157: {  	v20 =	vld [tilespmem:s30+$0x3600];
	v8 =	vadd.f32 v18, v8  }
0x158: {  	v18 =	vld [tilespmem:s30+$0x5100];
	v11 =	vadd.f32 v16, v11  }
0x159: {  	v16 =	vld [tilespmem:s30+$0x6C00];
	v12 =	vadd.f32 v19, v12  }
0x15a: {  	v19 =	vld [tilespmem:s30+$0x8700];
	v13 =	vadd.f32 v17, v13  }
0x15b: {  	v17 =	vld [tilespmem:s30+$0xA200];
	v14 =	vadd.f32 v15, v14  }
0x15c: {  	v3 =	vadd.f32 v20, v3;
	v15 =	vld [tilespmem:s30+$0xBD00]  }
0x15d: {  	v1 =	vadd.f32 v18, v1;
	v18 =	vld [tilespmem:s30+$0xD800]  }
0x15e: {  	v5 =	vadd.f32 v16, v5;
	v16 =	vld [tilespmem:s30+$0xF300]  }
0x15f: {  	v4 =	vadd.f32 v19, v4;
	v19 =	vld [tilespmem:s30+$0x3610]  }
0x160: {  	v0 =	vadd.f32 v17, v0;
	v17 =	vld [tilespmem:s30+$0x5110]  }
0x161: {  	v2 =	vadd.f32 v15, v2;
	v15 =	vld [tilespmem:s30+$0x6C10]  }
0x162: {  	v7 =	vadd.f32 v18, v7;
	v18 =	vld [tilespmem:s30+$0x8710]  }
0x163: {  	v6 =	vadd.f32 v16, v6;
	v16 =	vld [tilespmem:s30+$0xA210]  }
0x164: {  	v10 =	vadd.f32 v19, v10;
	v19 =	vld [tilespmem:s30+$0xBD10]  }
0x165: {  	v9 =	vadd.f32 v17, v9;
	v17 =	vld [tilespmem:s30+$0xD810]  }
0x166: {  	v20 =	vld [tilespmem:s30+$0x3900];
	v8 =	vadd.f32 v15, v8  }
0x167: {  	v15 =	vld [tilespmem:s30+$0x5400];
	v11 =	vadd.f32 v18, v11  }
0x168: {  	v18 =	vld [tilespmem:s30+$0x6F00];
	v12 =	vadd.f32 v16, v12  }
0x169: {  	v16 =	vld [tilespmem:s30+$0x8A00];
	v13 =	vadd.f32 v19, v13  }
0x16a: {  	v19 =	vld [tilespmem:s30+$0xA500];
	v14 =	vadd.f32 v17, v14  }
0x16b: {  	v17 =	vadd.f32 v20, v3;
	v3 =	vld [tilespmem:s30+$0xC000]  }
0x16c: {  	v15 =	vadd.f32 v15, v1;
	v1 =	vld [tilespmem:s30+$0xDB00]  }
0x16d: {  	v5 =	vadd.f32 v18, v5;
	v18 =	vld [tilespmem:s30+$0xF600]  }
0x16e: {  	v4 =	vadd.f32 v16, v4;
	v16 =	vld [tilespmem:s30+$0x3910]  }
0x16f: {  	v19 =	vadd.f32 v19, v0;
	v0 =	vld [tilespmem:s30+$0x5410]  }
0x170: {  	v20 =	vadd.f32 v3, v2;
	v2 =	vld [tilespmem:s30+$0x6F10]  }
0x171: {  	v7 =	vadd.f32 v1, v7;
	v1 =	vld [tilespmem:s30+$0x8A10]  }
0x172: {  	v6 =	vadd.f32 v18, v6;
	v18 =	vld [tilespmem:s30+$0xA510]  }
0x173: {  	v10 =	vadd.f32 v16, v10;
	v16 =	vld [tilespmem:s30+$0xC010]  }
0x174: {  	v9 =	vadd.f32 v0, v9;
	v0 =	vld [tilespmem:s30+$0xDB10]  }
0x175: {  	v21 =	vld [tilespmem:s30+$0x3C00];
	v22 =	vadd.f32 v2, v8  }
0x176: {  	v8 =	vld [tilespmem:s30+$0x5700];
	v3 =	vadd.f32 v1, v11  }
0x177: {  	v11 =	vld [tilespmem:s30+$0x7200];
	v1 =	vadd.f32 v18, v12  }
0x178: {  	v12 =	vld [tilespmem:s30+$0x8D00];
	v2 =	vadd.f32 v16, v13  }
0x179: {  	v13 =	vld [tilespmem:s30+$0xA800];
	v0 =	vadd.f32 v0, v14  }
0x17a: {  	v14 =	vadd.f32 v21, v17;
	v16 =	vld [tilespmem:s30+$0xC300]  }
0x17b: {  	v8 =	vadd.f32 v8, v15;
	v15 =	vld [tilespmem:s30+$0xDE00]  }
0x17c: {  	[tilespmem:s30+$0x1D400] =	vst v14;
	v5 =	vadd.f32 v11, v5;
	v11 =	vld [tilespmem:s30+$0xF900]  }
0x17d: {  	[tilespmem:s30+$0x1D700] =	vst v8;
	v4 =	vadd.f32 v12, v4;
	v8 =	vld [tilespmem:s30+$0x3C10]  }
0x17e: {  	[tilespmem:s30+$0x1DA00] =	vst v5;
	v5 =	vadd.f32 v13, v19;
	v12 =	vld [tilespmem:s30+$0x5710]  }
0x17f: {  	[tilespmem:s30+$0x1DD00] =	vst v4;
	v13 =	vadd.f32 v16, v20;
	v14 =	vld [tilespmem:s30+$0x7210]  }
.Ltmp0:
0x180: {  	[tilespmem:s30+$0x1E000] =	vst v5;
	v7 =	vadd.f32 v15, v7;
	v4 =	vld [tilespmem:s30+$0x8D10];
	(pc) =	sbr.rel @p0 .LBB2_3-.Ltmp0, $4  }
0x181: {  	[tilespmem:s30+$0x1E300] =	vst v13;
	v11 =	vadd.f32 v11, v6;
	v5 =	vld [tilespmem:s30+$0xA810]  }
0x182: {  	[tilespmem:s30+$0x1E600] =	vst v7;
	v10 =	vadd.f32 v8, v10;
	v6 =	vld [tilespmem:s30+$0xC310]  }
0x183: {  	s1 =	sshra.s32 s31, $0x2;
	[tilespmem:s30+$0x1E900] =	vst v11;
	v9 =	vadd.f32 v12, v9;
	v8 =	vld [tilespmem:s30+$0xDE10]  }
0x184: {  	s31 =	sadd.s32 $0x80, s31;
	v7 =	vld [tilespmem:s1+$0xE110];
	[tilespmem:s30+$0x1D410] =	vst v10;
	v10 =	vadd.f32 v14, v22  }
0x185: {  	v11 =	vld [tilespmem:s1+$0xE410];
	[tilespmem:s30+$0x1D710] =	vst v9;
	v3 =	vadd.f32 v4, v3  }
0x186: {  	v9 =	vld [tilespmem:s1+$0x2400];
	[tilespmem:s30+$0x1DA10] =	vst v10;
	v1 =	vadd.f32 v5, v1  }
0x187: {  	v4 =	vld [tilespmem:s1+$0xE710];
	[tilespmem:s30+$0x1DD10] =	vst v3;
	v2 =	vadd.f32 v6, v2  }
0x188: {  	v3 =	vld [tilespmem:s1+$0x2700];
	[tilespmem:s30+$0x1E010] =	vst v1;
	v0 =	vadd.f32 v8, v0  }
0x189: {  	v1 =	vld [tilespmem:s1+$0xEA10];
	[tilespmem:s30+$0x1E310] =	vst v2  }
0x18a: {  	v2 =	vld [tilespmem:s1+$0x3F00];
	[tilespmem:s30+$0x1E610] =	vst v0;
	v0 =	vadd.f32 v11, v7  }
0x18b: {  	v5 =	vld [tilespmem:s1+$0xED10]  }
0x18c: {  	v0 =	vadd.f32 v4, v0  }
0x18d: {  	v4 =	vld [tilespmem:s1+$0xF010]  }
0x18e: {  	v0 =	vadd.f32 v1, v0  }
0x18f: {  	v1 =	vld [tilespmem:s1+$0xF310]  }
0x190: {  	v6 =	vld [tilespmem:s1+$0x4200];
	v0 =	vadd.f32 v5, v0  }
0x191: {  	v5 =	vld [tilespmem:s1+$0xF610]  }
0x192: {  	v7 =	vld [tilespmem:s1+$0x5A00];
	v0 =	vadd.f32 v4, v0  }
0x193: {  	v4 =	vld [tilespmem:s1+$0xF910]  }
0x194: {  	v8 =	vld [tilespmem:s1+$0x5D00];
	v0 =	vadd.f32 v1, v0  }
0x195: {  	v10 =	vld [tilespmem:s1+$0x7500]  }
0x196: {  	v11 =	vld [tilespmem:s1+$0x7800];
	v0 =	vadd.f32 v5, v0  }
0x197: {  	v12 =	vld [tilespmem:s1+$0x9300]  }
0x198: {  	v13 =	vld [tilespmem:s1+$0xAE00];
	v0 =	vadd.f32 v4, v0  }
0x199: {  	v14 =	vld [tilespmem:s1+$0xC900]  }
0x19a: {  	[tilespmem:s1+$0x1E910] =	vst v0;
	v0 =	vld [tilespmem:s1+$0xB700]  }
0x19b: {  	v15 =	vld [tilespmem:s1+$0xE400]  }
0x19c: {  	v16 =	vld [tilespmem:s1+$0x2410]  }
0x19d: {  	v17 =	vld [tilespmem:s1+$0x2710]  }
0x19e: {  	v18 =	vld [tilespmem:s1+$0x3F10]  }
0x19f: {  	[tilespmem:$0x1FB70] =	vst v0;
	v0 =	vld [tilespmem:s1+$0xD200]  }
0x1a0: {  	v19 =	vld [tilespmem:s1+$0x4210]  }
0x1a1: {  	v20 =	vld [tilespmem:s1+$0x5A10]  }
0x1a2: {  	v21 =	vld [tilespmem:s1+$0x5D10]  }
0x1a3: {  	v22 =	vld [tilespmem:s1+$0x7510]  }
0x1a4: {  	[tilespmem:$0x1FB80] =	vst v0;
	v0 =	vld [tilespmem:s1+$0xED00]  }
0x1a5: {  	v23 =	vld [tilespmem:s1+$0x7810]  }
0x1a6: {  	v24 =	vld [tilespmem:s1+$0x9010]  }
0x1a7: {  	v25 =	vld [tilespmem:s1+$0x9310]  }
0x1a8: {  	v26 =	vld [tilespmem:s1+$0xAB10]  }
0x1a9: {  	[tilespmem:$0x1FB90] =	vst v0;
	v0 =	vld [tilespmem:s1+$0x3010]  }
0x1aa: {  	v27 =	vld [tilespmem:s1+$0xAE10]  }
0x1ab: {  	v28 =	vld [tilespmem:s1+$0xC610]  }
0x1ac: {  	v29 =	vld [tilespmem:s1+$0xC910]  }
0x1ad: {  	v30 =	vld [tilespmem:s1+$0x2A00]  }
0x1ae: {  	[tilespmem:$0x1FBA0] =	vst v0;
	v0 =	vld [tilespmem:s1+$0x4B10]  }
0x1af: {  	v31 =	vld [tilespmem:s1+$0x4500]  }
0x1b0: {  	v32 =	vld [tilespmem:s1+$0x6000]  }
0x1b1: {  	v33 =	vld [tilespmem:s1+$0x7B00]  }
0x1b2: {  	v34 =	vld [tilespmem:s1+$0x9600]  }
0x1b3: {  	[tilespmem:$0x1FBB0] =	vst v0;
	v0 =	vld [tilespmem:s1+$0x6610]  }
0x1b4: {  	v35 =	vld [tilespmem:s1+$0xB100]  }
0x1b5: {  	v36 =	vld [tilespmem:s1+$0xCC00]  }
0x1b6: {  	v37 =	vld [tilespmem:s1+$0xE700]  }
0x1b7: {  	v38 =	vld [tilespmem:s1+$0x2A10]  }
0x1b8: {  	[tilespmem:$0x1FBC0] =	vst v0;
	v0 =	vld [tilespmem:s1+$0x8110]  }
0x1b9: {  	v39 =	vld [tilespmem:s1+$0x4510]  }
0x1ba: {  	v40 =	vld [tilespmem:s1+$0x6010]  }
0x1bb: {  	v41 =	vld [tilespmem:s1+$0x7B10]  }
0x1bc: {  	v42 =	vld [tilespmem:s1+$0x9610]  }
0x1bd: {  	[tilespmem:$0x1FBD0] =	vst v0;
	v0 =	vld [tilespmem:s1+$0x9C10]  }
0x1be: {  	v43 =	vld [tilespmem:s1+$0xB110]  }
0x1bf: {  	v44 =	vld [tilespmem:s1+$0xCC10]  }
0x1c0: {  	v45 =	vld [tilespmem:s1+$0x2D00]  }
0x1c1: {  	v46 =	vld [tilespmem:s1+$0x4800]  }
0x1c2: {  	[tilespmem:$0x1FBE0] =	vst v0;
	v0 =	vld [tilespmem:s1+$0xB710]  }
0x1c3: {  	v47 =	vld [tilespmem:s1+$0x6300]  }
0x1c4: {  	v48 =	vld [tilespmem:s1+$0x7E00]  }
0x1c5: {  	v49 =	vld [tilespmem:s1+$0x9900]  }
0x1c6: {  	v50 =	vld [tilespmem:s1+$0xB400]  }
0x1c7: {  	[tilespmem:$0x1FBF0] =	vst v0;
	v0 =	vld [tilespmem:s1+$0xD210]  }
0x1c8: {  	v51 =	vld [tilespmem:s1+$0xCF00]  }
0x1c9: {  	v52 =	vld [tilespmem:s1+$0xEA00]  }
0x1ca: {  	v53 =	vld [tilespmem:s1+$0x2D10]  }
0x1cb: {  	v54 =	vld [tilespmem:s1+$0x4810]  }
0x1cc: {  	[tilespmem:$0x1FC00] =	vst v0;
	v0 =	vld [tilespmem:s1+$0x3300]  }
0x1cd: {  	v55 =	vld [tilespmem:s1+$0x6310]  }
0x1ce: {  	v56 =	vld [tilespmem:s1+$0x7E10]  }
0x1cf: {  	v57 =	vld [tilespmem:s1+$0x9910]  }
0x1d0: {  	v58 =	vld [tilespmem:s1+$0xB410]  }
0x1d1: {  	[tilespmem:$0x1FC10] =	vst v0;
	v0 =	vld [tilespmem:s1+$0x4E00]  }
0x1d2: {  	v59 =	vld [tilespmem:s1+$0xCF10]  }
0x1d3: {  	v60 =	vld [tilespmem:s1+$0x3000]  }
0x1d4: {  	v61 =	vld [tilespmem:s1+$0x4B00]  }
0x1d5: {  	v62 =	vld [tilespmem:s1+$0x6600]  }
0x1d6: {  	[tilespmem:$0x1FC20] =	vst v0;
	v0 =	vld [tilespmem:s1+$0x6900]  }
0x1d7: {  	v63 =	vld [tilespmem:s1+$0x8100]  }
0x1d8: {  	[tilespmem:$0x1FB50] =	vst v3;
	v3 =	vld [tilespmem:s1+$0x9C00]  }
0x1d9: {  	[tilespmem:$0x1FB60] =	vst v2;
	v2 =	vld [tilespmem:s1+$0x9000]  }
0x1da: {  	v7 =	vadd.f32 v8, v7;
	v8 =	vadd.f32 v11, v10;
	v10 =	vld [tilespmem:s1+$0xBA10]  }
0x1db: {  	[tilespmem:$0x1FC30] =	vst v0;
	v0 =	vld [tilespmem:s1+$0x8400]  }
0x1dc: {  	v11 =	vld [tilespmem:s1+$0xD510]  }
0x1dd: {  	v7 =	vadd.f32 v32, v7;
	v32 =	vld [tilespmem:s1+$0xBD10]  }
0x1de: {  	v8 =	vadd.f32 v33, v8;
	v33 =	vld [tilespmem:s1+$0xD810]  }
0x1df: {  	v1 =	vld [tilespmem:s1+$0xE100]  }
0x1e0: {  	[tilespmem:$0x1FC40] =	vst v0;
	v0 =	vld [tilespmem:s1+$0x9F00]  }
0x1e1: {  	v2 =	vadd.f32 v12, v2;
	v12 =	vld [tilespmem:s1+$0x3600]  }
0x1e2: {  	v5 =	vld [tilespmem:s1+$0xAB00]  }
0x1e3: {  	v2 =	vadd.f32 v34, v2;
	v34 =	vld [tilespmem:s1+$0x3900]  }
0x1e4: {  	v4 =	vld [tilespmem:s1+$0xC600]  }
0x1e5: {  	v2 =	vadd.f32 v49, v2;
	[tilespmem:$0x1FC50] =	vst v0;
	v0 =	vld [tilespmem:s1+$0xBA00]  }
0x1e6: {  	v1 =	vadd.f32 v15, v1;
	v15 =	vld [tilespmem:s1+$0x5100]  }
0x1e7: {  	v2 =	vadd.f32 v3, v2;
	v3 =	vld [tilespmem:s1+$0xDB00];
	v5 =	vadd.f32 v13, v5  }
0x1e8: {  	v13 =	vadd.f32 v17, v16;
	v16 =	vadd.f32 v21, v20;
	v21 =	vld [tilespmem:s1+$0x8700]  }
0x1e9: {  	v17 =	vadd.f32 v23, v22;
	v23 =	vld [tilespmem:s1+$0xA200]  }
0x1ea: {  	[tilespmem:$0x1FC60] =	vst v0;
	v0 =	vld [tilespmem:s1+$0xD500]  }
0x1eb: {  	v20 =	vadd.f32 v27, v26;
	v26 =	vld [tilespmem:s1+$0xF300]  }
0x1ec: {  	v27 =	vld [tilespmem:s1+$0x3610]  }
0x1ed: {  	v22 =	vadd.f32 v29, v28;
	v28 =	vld [tilespmem:s1+$0x5110]  }
0x1ee: {  	v29 =	vld [tilespmem:s1+$0x6C10]  }
0x1ef: {  	[tilespmem:$0x1FC70] =	vst v0;
	v0 =	vld [tilespmem:s1+$0xF000]  }
0x1f0: {  	v1 =	vadd.f32 v37, v1;
	v37 =	vld [tilespmem:s1+$0x8A00]  }
0x1f1: {  	v4 =	vadd.f32 v14, v4;
	v14 =	vadd.f32 v19, v18;
	v18 =	vld [tilespmem:s1+$0x6C00]  }
0x1f2: {  	v19 =	vadd.f32 v25, v24;
	v24 =	vld [tilespmem:s1+$0xBD00]  }
0x1f3: {  	v25 =	vld [tilespmem:s1+$0xD800]  }
0x1f4: {  	[tilespmem:$0x1FC80] =	vst v0;
	v0 =	vld [tilespmem:s1+$0x3310]  }
0x1f5: {  	v5 =	vadd.f32 v35, v5;
	v35 =	vld [tilespmem:s1+$0x5400]  }
0x1f6: {  	v13 =	vadd.f32 v38, v13;
	v38 =	vld [tilespmem:s1+$0xA500]  }
0x1f7: {  	v16 =	vadd.f32 v40, v16;
	v40 =	vld [tilespmem:s1+$0x3910]  }
0x1f8: {  	v17 =	vadd.f32 v41, v17;
	v41 =	vld [tilespmem:s1+$0x5410]  }
0x1f9: {  	[tilespmem:$0x1FC90] =	vst v0;
	v0 =	vld [tilespmem:s1+$0x4E10]  }
0x1fa: {  	v20 =	vadd.f32 v43, v20;
	v43 =	vld [tilespmem:s1+$0x8A10]  }
0x1fb: {  	v22 =	vadd.f32 v44, v22;
	v44 =	vld [tilespmem:s1+$0xA510]  }
0x1fc: {  	v4 =	vadd.f32 v36, v4;
	v36 =	vld [tilespmem:s1+$0x6F00]  }
0x1fd: {  	v13 =	vadd.f32 v53, v13;
	v53 =	vld [tilespmem:$0x1FB90]  }
0x1fe: {  	[tilespmem:$0x1FCA0] =	vst v0;
	v0 =	vld [tilespmem:s1+$0x6910]  }
0x1ff: {  	v14 =	vadd.f32 v39, v14;
	v39 =	vld [tilespmem:s1+$0xC000]  }
0x200: {  	v1 =	vadd.f32 v52, v1;
	v19 =	vadd.f32 v42, v19;
	v42 =	vld [tilespmem:s1+$0x6F10]  }
0x201: {  	v14 =	vadd.f32 v54, v14;
	v54 =	vld [tilespmem:$0x1FBA0]  }
0x202: {  	v1 =	vadd.f32 v53, v1;
	v53 =	vld [tilespmem:s1+$0x3C00]  }
0x203: {  	[tilespmem:$0x1FCB0] =	vst v0;
	v0 =	vld [tilespmem:s1+$0x8410]  }
0x204: {  	v16 =	vadd.f32 v55, v16;
	v55 =	vld [tilespmem:$0x1FBB0]  }
0x205: {  	v8 =	vadd.f32 v48, v8;
	v17 =	vadd.f32 v56, v17;
	v56 =	vld [tilespmem:$0x1FBC0]  }
0x206: {  	v20 =	vadd.f32 v58, v20;
	v58 =	vld [tilespmem:$0x1FBE0]  }
0x207: {  	v7 =	vadd.f32 v47, v7;
	v8 =	vadd.f32 v63, v8;
	v63 =	vld [tilespmem:$0x1FC30]  }
0x208: {  	[tilespmem:$0x1FCC0] =	vst v0;
	v0 =	vld [tilespmem:$0x1FB50]  }
0x209: {  	v7 =	vadd.f32 v62, v7;
	v22 =	vadd.f32 v59, v22;
	v59 =	vld [tilespmem:$0x1FBF0]  }
0x20a: {  	v5 =	vadd.f32 v50, v5;
	v19 =	vadd.f32 v57, v19;
	v48 =	vld [tilespmem:$0x1FC40]  }
0x20b: {  	v4 =	vadd.f32 v51, v4;
	v13 =	vadd.f32 v54, v13;
	v57 =	vld [tilespmem:$0x1FBD0]  }
0x20c: {  	v14 =	vadd.f32 v55, v14;
	v19 =	vadd.f32 v58, v19;
	v58 =	vld [tilespmem:s1+$0x7200]  }
0x20d: {  	v7 =	vadd.f32 v63, v7;
	v0 =	vadd.f32 v0, v9;
	v9 =	vld [tilespmem:$0x1FB60]  }
0x20e: {  	v16 =	vadd.f32 v56, v16;
	v20 =	vadd.f32 v59, v20;
	v49 =	vld [tilespmem:$0x1FC50]  }
0x20f: {  	v59 =	vld [tilespmem:s1+$0x8D00];
	v7 =	vadd.f32 v18, v7;
	v8 =	vadd.f32 v48, v8  }
0x210: {  	v17 =	vadd.f32 v57, v17;
	v62 =	vld [tilespmem:$0x1FC20];
	v0 =	vadd.f32 v30, v0  }
0x211: {  	v7 =	vadd.f32 v36, v7;
	v8 =	vadd.f32 v21, v8;
	v54 =	vld [tilespmem:$0x1FC90]  }
0x212: {  	v0 =	vadd.f32 v45, v0;
	v6 =	vadd.f32 v6, v9;
	v9 =	vld [tilespmem:s1+$0x9F10]  }
0x213: {  	v8 =	vadd.f32 v37, v8;
	v2 =	vadd.f32 v49, v2;
	v52 =	vld [tilespmem:$0x1FC80]  }
0x214: {  	v0 =	vadd.f32 v60, v0;
	v60 =	vld [tilespmem:$0x1FC00];
	v6 =	vadd.f32 v31, v6  }
0x215: {  	v7 =	vadd.f32 v58, v7;
	v2 =	vadd.f32 v23, v2;
	v56 =	vld [tilespmem:$0x1FCA0]  }
0x216: {  	v8 =	vadd.f32 v59, v8;
	v57 =	vld [tilespmem:$0x1FCB0];
	v6 =	vadd.f32 v46, v6  }
0x217: {  	v2 =	vadd.f32 v38, v2;
	v13 =	vadd.f32 v54, v13;
	[tilespmem:$0x1FCD0] =	vst v9;
	v9 =	vld [tilespmem:$0x1FB70]  }
0x218: {  	v1 =	vadd.f32 v52, v1;
	v6 =	vadd.f32 v61, v6;
	v61 =	vld [tilespmem:$0x1FC10]  }
0x219: {  	[tilespmem:s1+$0x1DD00] =	vst v8;
	v8 =	vadd.f32 v27, v13;
	v22 =	vadd.f32 v60, v22;
	v60 =	vld [tilespmem:$0x1FCC0]  }
0x21a: {  	v50 =	vld [tilespmem:$0x1FC60];
	v1 =	vadd.f32 v26, v1;
	v14 =	vadd.f32 v56, v14  }
0x21b: {  	v8 =	vadd.f32 v40, v8;
	v63 =	vld [tilespmem:$0x1FCD0];
	v6 =	vadd.f32 v62, v6  }
0x21c: {  	v55 =	vld [tilespmem:s1+$0x5700];
	v37 =	vadd.f32 v28, v14;
	v16 =	vadd.f32 v57, v16  }
0x21d: {  	v5 =	vadd.f32 v9, v5;
	v9 =	vld [tilespmem:$0x1FB80];
	v6 =	vadd.f32 v15, v6  }
0x21e: {  	v0 =	vadd.f32 v61, v0;
	v17 =	vadd.f32 v60, v17;
	v61 =	vld [tilespmem:s1+$0xA800]  }
0x21f: {  	v51 =	vld [tilespmem:$0x1FC70];
	v5 =	vadd.f32 v50, v5;
	v6 =	vadd.f32 v35, v6  }
0x220: {  	v30 =	vld [tilespmem:s1+$0x8710];
	v19 =	vadd.f32 v63, v19;
	v0 =	vadd.f32 v12, v0  }
0x221: {  	v31 =	vld [tilespmem:s1+$0xA210];
	v6 =	vadd.f32 v55, v6;
	v5 =	vadd.f32 v24, v5  }
0x222: {  	v4 =	vadd.f32 v9, v4;
	v9 =	vld [tilespmem:s1+$0xF600];
	v0 =	vadd.f32 v34, v0  }
0x223: {  	v62 =	vld [tilespmem:s1+$0xC300];
	[tilespmem:s1+$0x1D700] =	vst v6;
	v6 =	vadd.f32 v11, v22;
	v2 =	vadd.f32 v61, v2  }
0x224: {  	v35 =	vld [tilespmem:s1+$0xDE00];
	v4 =	vadd.f32 v51, v4;
	v0 =	vadd.f32 v53, v0  }
0x225: {  	v11 =	vld [tilespmem:s1+$0x3C10];
	v5 =	vadd.f32 v39, v5;
	[tilespmem:s1+$0x1E000] =	vst v2;
	v2 =	vadd.f32 v29, v16  }
0x226: {  	[tilespmem:s1+$0x1D400] =	vst v0;
	v0 =	vadd.f32 v10, v20;
	v10 =	vld [tilespmem:s1+$0xF900];
	v4 =	vadd.f32 v25, v4  }
0x227: {  	[tilespmem:s1+$0x1DA00] =	vst v7;
	v7 =	vld [tilespmem:s1+$0x5710];
	v1 =	vadd.f32 v9, v1;
	v2 =	vadd.f32 v42, v2  }
0x228: {  	v38 =	vld [tilespmem:s1+$0x7210];
	v3 =	vadd.f32 v3, v4;
	v4 =	vadd.f32 v62, v5  }
0x229: {  	v45 =	vld [tilespmem:s1+$0xC010];
	v5 =	vadd.f32 v30, v17;
	v0 =	vadd.f32 v32, v0  }
0x22a: {  	v46 =	vld [tilespmem:s1+$0xDB10];
	v8 =	vadd.f32 v11, v8;
	v3 =	vadd.f32 v35, v3  }
0x22b: {  	v9 =	vld [tilespmem:s1+$0xA810];
	[tilespmem:s1+$0x1E300] =	vst v4;
	v4 =	vadd.f32 v31, v19;
	v1 =	vadd.f32 v10, v1  }
0x22c: {  	s0 =	sshrl.u32 s28, $0x3;
	v39 =	vld [tilespmem:s1+$0x8D10];
	[tilespmem:s1+$0x1E600] =	vst v3;
	v3 =	vadd.f32 v33, v6;
	v6 =	vadd.f32 v41, v37  }
0x22d: {  	s0 =	sadd.s32 s8, s0;
	v2 =	vadd.f32 v38, v2;
	v10 =	vld [tilespmem:s1+$0xC310];
	v4 =	vadd.f32 v44, v4  }
0x22e: {  	s0 =	smul.u32 $0x81, s0;
	[tilespmem:s1+$0x1E900] =	vst v1;
	v1 =	vadd.f32 v43, v5;
	v5 =	vadd.f32 v7, v6;
	v6 =	vld [tilespmem:s1+$0xDE10]  }
0x22f: {  	s31 =	sshll.u32 s28, $0x4;
	[tilespmem:s1+$0x1D410] =	vst v8  }
0x230: {  	s30 =	sadd.s32 $0x1, s0;
	s0 =	sand.u32 $0x70, s31;
	v0 =	vadd.f32 v45, v0;
	[tilespmem:s1+$0x1DA10] =	vst v2;
	v2 =	vadd.f32 v9, v4  }
0x231: {  	s0 =	sadd.s32 s0, s30;
	v3 =	vadd.f32 v46, v3;
	v1 =	vadd.f32 v39, v1;
	[tilespmem:s1+$0x1D710] =	vst v5  }
0x232: {  	s0 =	smul.u32 $0x300, s0;
	v0 =	vadd.f32 v10, v0;
	[tilespmem:s1+$0x1E010] =	vst v2  }
0x233: {  	[tilespmem:s1+$0x1DD10] =	vst v1;
	v1 =	vadd.f32 v6, v3  }
0x234: {  	p0 =	seq.s32 s28, $0x3F;
	s0 =	sshrl.u32 s0, $0x3;
	[tilespmem:s1+$0x1E310] =	vst v0  }
0x235: {  	s0 =	sadd.s32 s2, s0;
	[tilespmem:s1+$0x1E610] =	vst v1;
	s1 =	smul.u32 @!p0 $0x240, s28  }
0x236: {  	[hbm4b:s0+s3] =	stream.linear.scatter [tilespmem:s24], [sflag:$0x3], $0x1800, $0x38;
	[tilespmem:$0x1EF00] =	vst v63  }
0x237: {  	s0 =	sshra.s32 @!p0 s1, $0x2  }
0x238: {  	s31 =	simm.s32 @!p0 $0x2400;
	s1 =	simm.s32 @!p0 $0x48;
	s0 =	sadd.s32 @!p0 $0x90, s0  }
0x239: {  	[tilespmem:s31], [sflag:$0x1] =	stream.indirect.gather @!p0 [hbm4b:s4+s1], $0x300, s0, s1, $0xb8;
	[tilespmem:$0x1EF00] =	vst v63  }
0x23a: {  	_ =	swait.ge [sflag:s20], $0xD800  }
0x23b: {  	[sflag:s20] =	ssyncset.done $0x0  }
0x23c: {  	[sflag:s20] =	ssyncadd.s32 $0xFFFF2800  }
0x23d: {  	_ =	swait.ge [sflag:s25], $0x1800  }
0x23e: {  	[sflag:s25] =	ssyncset.done $0x0  }
0x23f: {  	s31 =	simm.s32 $0x0;
	[sflag:s25] =	ssyncadd.s32 $0xFFFFE800  }
0x240: {  	v0 =	vld [tilespmem:s31+$0x1B910]  }
0x241: {  	v1 =	vld [tilespmem:s31+$0x1BC10];
	_ =	sdelay $0x1  }
0x242: {  	v3 =	vld [tilespmem:s31+$0x1BF10]  }
0x243: {  	v6 =	vld [tilespmem:s31+$0xFC00]  }
0x244: {  	v5 =	vld [tilespmem:s31+$0x1C210]  }
0x245: {  	v2 =	vld [tilespmem:s31+$0xFF00];
	v0 =	vadd.f32 v1, v0  }
0x246: {  	v1 =	vld [tilespmem:s31+$0x1C510]  }
0x247: {  	v7 =	vld [tilespmem:s31+$0x11A00];
	v0 =	vadd.f32 v3, v0  }
0x248: {  	v3 =	vld [tilespmem:s31+$0x1C810]  }
0x249: {  	v8 =	vld [tilespmem:s31+$0x13200];
	v0 =	vadd.f32 v5, v0  }
0x24a: {  	v5 =	vld [tilespmem:s31+$0x1CB10]  }
0x24b: {  	v9 =	vld [tilespmem:s31+$0x13500];
	v0 =	vadd.f32 v1, v0  }
0x24c: {  	v1 =	vld [tilespmem:s31+$0x1CE10]  }
0x24d: {  	v10 =	vld [tilespmem:s31+$0x14D00];
	v0 =	vadd.f32 v3, v0  }
0x24e: {  	v3 =	vld [tilespmem:s31+$0x1D110]  }
0x24f: {  	v11 =	vld [tilespmem:s31+$0x15000];
	v0 =	vadd.f32 v5, v0  }
0x250: {  	v12 =	vld [tilespmem:s31+$0x16B00]  }
0x251: {  	v13 =	vld [tilespmem:s31+$0x18600];
	v0 =	vadd.f32 v1, v0  }
0x252: {  	v14 =	vld [tilespmem:s31+$0x1A100]  }
0x253: {  	v15 =	vld [tilespmem:s31+$0x1BC00];
	v0 =	vadd.f32 v3, v0  }
0x254: {  	v16 =	vld [tilespmem:s31+$0xFC10]  }
0x255: {  	[tilespmem:s31+$0x1E910] =	vst v0;
	v0 =	vld [tilespmem:s31+$0x18F00]  }
0x256: {  	v17 =	vld [tilespmem:s31+$0xFF10]  }
0x257: {  	v18 =	vld [tilespmem:s31+$0x11710]  }
0x258: {  	v19 =	vld [tilespmem:s31+$0x11A10]  }
0x259: {  	v20 =	vld [tilespmem:s31+$0x13210]  }
0x25a: {  	[tilespmem:$0x1FD00] =	vst v0;
	v0 =	vld [tilespmem:s31+$0x1AA00]  }
0x25b: {  	v21 =	vld [tilespmem:s31+$0x13510]  }
0x25c: {  	v22 =	vld [tilespmem:s31+$0x14D10]  }
0x25d: {  	v23 =	vld [tilespmem:s31+$0x15010]  }
0x25e: {  	v24 =	vld [tilespmem:s31+$0x16810]  }
0x25f: {  	[tilespmem:$0x1FD10] =	vst v0;
	v0 =	vld [tilespmem:s31+$0x1C500]  }
0x260: {  	v25 =	vld [tilespmem:s31+$0x16B10]  }
0x261: {  	v26 =	vld [tilespmem:s31+$0x18310]  }
0x262: {  	v27 =	vld [tilespmem:s31+$0x18610]  }
0x263: {  	v28 =	vld [tilespmem:s31+$0x19E10]  }
0x264: {  	[tilespmem:$0x1FD20] =	vst v0;
	v0 =	vld [tilespmem:s31+$0x10810]  }
0x265: {  	v29 =	vld [tilespmem:s31+$0x1A110]  }
0x266: {  	v30 =	vld [tilespmem:s31+$0x10200]  }
0x267: {  	v31 =	vld [tilespmem:s31+$0x11D00]  }
0x268: {  	v32 =	vld [tilespmem:s31+$0x13800]  }
0x269: {  	[tilespmem:$0x1FD30] =	vst v0;
	v0 =	vld [tilespmem:s31+$0x12310]  }
0x26a: {  	v33 =	vld [tilespmem:s31+$0x15300]  }
0x26b: {  	v34 =	vld [tilespmem:s31+$0x16E00]  }
0x26c: {  	v35 =	vld [tilespmem:s31+$0x18900]  }
0x26d: {  	v36 =	vld [tilespmem:s31+$0x1A400]  }
0x26e: {  	[tilespmem:$0x1FD40] =	vst v0;
	v0 =	vld [tilespmem:s31+$0x13E10]  }
0x26f: {  	v37 =	vld [tilespmem:s31+$0x1BF00]  }
0x270: {  	v38 =	vld [tilespmem:s31+$0x10210]  }
0x271: {  	v39 =	vld [tilespmem:s31+$0x11D10]  }
0x272: {  	v40 =	vld [tilespmem:s31+$0x13810]  }
0x273: {  	[tilespmem:$0x1FD50] =	vst v0;
	v0 =	vld [tilespmem:s31+$0x15910]  }
0x274: {  	v41 =	vld [tilespmem:s31+$0x15310]  }
0x275: {  	v42 =	vld [tilespmem:s31+$0x16E10]  }
0x276: {  	v43 =	vld [tilespmem:s31+$0x18910]  }
0x277: {  	v44 =	vld [tilespmem:s31+$0x1A410]  }
0x278: {  	[tilespmem:$0x1FD60] =	vst v0;
	v0 =	vld [tilespmem:s31+$0x17410]  }
0x279: {  	v45 =	vld [tilespmem:s31+$0x10500]  }
0x27a: {  	v46 =	vld [tilespmem:s31+$0x12000]  }
0x27b: {  	v47 =	vld [tilespmem:s31+$0x13B00]  }
0x27c: {  	v48 =	vld [tilespmem:s31+$0x15600]  }
0x27d: {  	[tilespmem:$0x1FD70] =	vst v0;
	v0 =	vld [tilespmem:s31+$0x18F10]  }
0x27e: {  	v49 =	vld [tilespmem:s31+$0x17100]  }
0x27f: {  	v50 =	vld [tilespmem:s31+$0x18C00]  }
0x280: {  	v51 =	vld [tilespmem:s31+$0x1A700]  }
0x281: {  	v52 =	vld [tilespmem:s31+$0x1C200]  }
0x282: {  	[tilespmem:$0x1FD80] =	vst v0;
	v0 =	vld [tilespmem:s31+$0x1AA10]  }
0x283: {  	v53 =	vld [tilespmem:s31+$0x10510]  }
0x284: {  	v54 =	vld [tilespmem:s31+$0x12010]  }
0x285: {  	v55 =	vld [tilespmem:s31+$0x13B10]  }
0x286: {  	v56 =	vld [tilespmem:s31+$0x15610]  }
0x287: {  	[tilespmem:$0x1FD90] =	vst v0;
	v0 =	vld [tilespmem:s31+$0x10B00]  }
0x288: {  	v57 =	vld [tilespmem:s31+$0x17110]  }
0x289: {  	v58 =	vld [tilespmem:s31+$0x18C10]  }
0x28a: {  	v59 =	vld [tilespmem:s31+$0x1A710]  }
0x28b: {  	v60 =	vld [tilespmem:s31+$0x10800]  }
0x28c: {  	[tilespmem:$0x1FDA0] =	vst v0;
	v0 =	vld [tilespmem:s31+$0x12600]  }
0x28d: {  	v61 =	vld [tilespmem:s31+$0x12300]  }
0x28e: {  	v62 =	vld [tilespmem:s31+$0x13E00]  }
0x28f: {  	v63 =	vld [tilespmem:s31+$0x15900]  }
0x290: {  	[tilespmem:$0x1FCE0] =	vst v2;
	v2 =	vld [tilespmem:s31+$0x11700]  }
0x291: {  	[tilespmem:$0x1FDB0] =	vst v0;
	v0 =	vld [tilespmem:s31+$0x14100]  }
0x292: {  	v4 =	vld [tilespmem:s31+$0x17400]  }
0x293: {  	v8 =	vadd.f32 v9, v8;
	v9 =	vadd.f32 v11, v10;
	v10 =	vld [tilespmem:s31+$0x19210]  }
0x294: {  	v11 =	vld [tilespmem:s31+$0x1AD10]  }
0x295: {  	v8 =	vadd.f32 v32, v8;
	[tilespmem:$0x1FCF0] =	vst v2;
	v2 =	vld [tilespmem:s31+$0x18300]  }
0x296: {  	[tilespmem:$0x1FDC0] =	vst v0;
	v0 =	vld [tilespmem:s31+$0x15C00]  }
0x297: {  	v32 =	vld [tilespmem:s31+$0x19510];
	v8 =	vadd.f32 v47, v8  }
0x298: {  	v9 =	vadd.f32 v33, v9;
	v33 =	vld [tilespmem:s31+$0x1B010]  }
0x299: {  	v8 =	vadd.f32 v62, v8;
	v62 =	vld [tilespmem:s31+$0x12F00]  }
0x29a: {  	v5 =	vld [tilespmem:s31+$0x16800]  }
0x29b: {  	v2 =	vadd.f32 v13, v2;
	[tilespmem:$0x1FDD0] =	vst v0;
	v0 =	vld [tilespmem:s31+$0x17700]  }
0x29c: {  	v13 =	vadd.f32 v17, v16;
	v16 =	vadd.f32 v21, v20;
	v21 =	vld [tilespmem:s31+$0x15F00]  }
0x29d: {  	v17 =	vadd.f32 v23, v22;
	v23 =	vld [tilespmem:s31+$0x17A00]  }
0x29e: {  	v20 =	vadd.f32 v27, v26;
	v26 =	vld [tilespmem:s31+$0x1CB00]  }
0x29f: {  	v27 =	vld [tilespmem:s31+$0x10E10]  }
0x2a0: {  	[tilespmem:$0x1FDE0] =	vst v0;
	v0 =	vld [tilespmem:s31+$0x19200]  }
0x2a1: {  	v22 =	vadd.f32 v29, v28;
	v28 =	vld [tilespmem:s31+$0x12910]  }
0x2a2: {  	v29 =	vld [tilespmem:s31+$0x14410]  }
0x2a3: {  	v1 =	vld [tilespmem:s31+$0x1B900]  }
0x2a4: {  	v2 =	vadd.f32 v35, v2;
	v35 =	vld [tilespmem:s31+$0x12C00]  }
0x2a5: {  	[tilespmem:$0x1FDF0] =	vst v0;
	v0 =	vld [tilespmem:s31+$0x1AD00]  }
0x2a6: {  	v13 =	vadd.f32 v38, v13;
	v38 =	vld [tilespmem:s31+$0x17D00]  }
0x2a7: {  	v16 =	vadd.f32 v40, v16;
	v40 =	vld [tilespmem:s31+$0x11110]  }
0x2a8: {  	v17 =	vadd.f32 v41, v17;
	v41 =	vld [tilespmem:s31+$0x12C10]  }
0x2a9: {  	v20 =	vadd.f32 v43, v20;
	v43 =	vld [tilespmem:s31+$0x16210]  }
0x2aa: {  	[tilespmem:$0x1FE00] =	vst v0;
	v0 =	vld [tilespmem:s31+$0x1C800]  }
0x2ab: {  	v3 =	vld [tilespmem:s31+$0x19E00]  }
0x2ac: {  	v5 =	vadd.f32 v12, v5;
	v12 =	vld [tilespmem:s31+$0x10E00]  }
0x2ad: {  	v1 =	vadd.f32 v15, v1;
	v15 =	vld [tilespmem:s31+$0x12900]  }
0x2ae: {  	v5 =	vadd.f32 v34, v5;
	v34 =	vld [tilespmem:s31+$0x11100]  }
0x2af: {  	[tilespmem:$0x1FE10] =	vst v0;
	v0 =	vld [tilespmem:s31+$0x10B10]  }
0x2b0: {  	v3 =	vadd.f32 v14, v3;
	v14 =	vadd.f32 v19, v18;
	v18 =	vld [tilespmem:s31+$0x14400]  }
0x2b1: {  	v19 =	vadd.f32 v25, v24;
	v24 =	vld [tilespmem:s31+$0x19500]  }
0x2b2: {  	v25 =	vld [tilespmem:s31+$0x1B000]  }
0x2b3: {  	v1 =	vadd.f32 v37, v1;
	v37 =	vld [tilespmem:s31+$0x16200]  }
0x2b4: {  	[tilespmem:$0x1FE20] =	vst v0;
	v0 =	vld [tilespmem:s31+$0x12610]  }
0x2b5: {  	v5 =	vadd.f32 v49, v5;
	v3 =	vadd.f32 v36, v3;
	v36 =	vld [tilespmem:s31+$0x14700]  }
0x2b6: {  	v14 =	vadd.f32 v39, v14;
	v39 =	vld [tilespmem:s31+$0x19800]  }
0x2b7: {  	v4 =	vadd.f32 v4, v5;
	v5 =	vld [tilespmem:s31+$0x1B300]  }
0x2b8: {  	v19 =	vadd.f32 v42, v19;
	v42 =	vld [tilespmem:s31+$0x14710]  }
0x2b9: {  	[tilespmem:$0x1FE30] =	vst v0;
	v0 =	vld [tilespmem:s31+$0x14110]  }
0x2ba: {  	v22 =	vadd.f32 v44, v22;
	v44 =	vld [tilespmem:$0x1FD20]  }
0x2bb: {  	v47 =	vld [tilespmem:$0x1FD50]  }
0x2bc: {  	v9 =	vadd.f32 v48, v9;
	v48 =	vld [tilespmem:$0x1FD60]  }
0x2bd: {  	v49 =	vld [tilespmem:$0x1FD70]  }
0x2be: {  	[tilespmem:$0x1FE40] =	vst v0;
	v0 =	vld [tilespmem:s31+$0x15C10]  }
0x2bf: {  	v2 =	vadd.f32 v50, v2;
	v50 =	vld [tilespmem:$0x1FD80]  }
0x2c0: {  	v9 =	vadd.f32 v63, v9;
	v3 =	vadd.f32 v51, v3;
	v51 =	vld [tilespmem:$0x1FD90]  }
0x2c1: {  	v13 =	vadd.f32 v53, v13;
	v14 =	vadd.f32 v54, v14;
	v54 =	vld [tilespmem:$0x1FDC0]  }
0x2c2: {  	v16 =	vadd.f32 v55, v16;
	v17 =	vadd.f32 v56, v17;
	v55 =	vld [tilespmem:$0x1FDD0]  }
0x2c3: {  	v20 =	vadd.f32 v58, v20;
	v1 =	vadd.f32 v52, v1;
	[tilespmem:$0x1FE50] =	vst v0;
	v0 =	vld [tilespmem:$0x1FCE0]  }
0x2c4: {  	v22 =	vadd.f32 v59, v22;
	v19 =	vadd.f32 v57, v19;
	v56 =	vld [tilespmem:$0x1FDE0]  }
0x2c5: {  	v1 =	vadd.f32 v44, v1;
	v16 =	vadd.f32 v47, v16;
	v52 =	vld [tilespmem:$0x1FDA0]  }
0x2c6: {  	v17 =	vadd.f32 v48, v17;
	v19 =	vadd.f32 v49, v19;
	v53 =	vld [tilespmem:$0x1FDB0]  }
0x2c7: {  	v20 =	vadd.f32 v50, v20;
	v8 =	vadd.f32 v54, v8;
	v54 =	vld [tilespmem:s31+$0x16500]  }
0x2c8: {  	v9 =	vadd.f32 v55, v9;
	v0 =	vadd.f32 v0, v6;
	v6 =	vld [tilespmem:$0x1FCF0]  }
0x2c9: {  	v8 =	vadd.f32 v18, v8;
	v4 =	vadd.f32 v56, v4;
	v56 =	vld [tilespmem:s31+$0x18000]  }
0x2ca: {  	v9 =	vadd.f32 v21, v9;
	v59 =	vld [tilespmem:$0x1FE10];
	v0 =	vadd.f32 v30, v0  }
0x2cb: {  	v22 =	vadd.f32 v51, v22;
	v8 =	vadd.f32 v36, v8;
	v63 =	vld [tilespmem:$0x1FE30]  }
0x2cc: {  	v9 =	vadd.f32 v37, v9;
	v55 =	vld [tilespmem:$0x1FE50];
	v0 =	vadd.f32 v45, v0  }
0x2cd: {  	v4 =	vadd.f32 v23, v4;
	v7 =	vadd.f32 v7, v6;
	v6 =	vld [tilespmem:s31+$0x17710]  }
0x2ce: {  	v9 =	vadd.f32 v54, v9;
	v45 =	vld [tilespmem:$0x1FD30];
	v0 =	vadd.f32 v60, v0  }
0x2cf: {  	v4 =	vadd.f32 v38, v4;
	v60 =	vld [tilespmem:s31+$0x11400];
	v7 =	vadd.f32 v31, v7  }
0x2d0: {  	v1 =	vadd.f32 v59, v1;
	v0 =	vadd.f32 v52, v0;
	v52 =	vld [tilespmem:$0x1FE40]  }
0x2d1: {  	v4 =	vadd.f32 v56, v4;
	v7 =	vadd.f32 v46, v7;
	v46 =	vld [tilespmem:$0x1FD40]  }
0x2d2: {  	v1 =	vadd.f32 v26, v1;
	[tilespmem:$0x1FE60] =	vst v6;
	v6 =	vld [tilespmem:$0x1FD00];
	v0 =	vadd.f32 v12, v0  }
0x2d3: {  	v17 =	vadd.f32 v55, v17;
	v7 =	vadd.f32 v61, v7;
	v61 =	vld [tilespmem:$0x1FE20]  }
0x2d4: {  	v30 =	vld [tilespmem:s31+$0x15F10];
	v13 =	vadd.f32 v45, v13;
	v0 =	vadd.f32 v34, v0  }
0x2d5: {  	v57 =	vld [tilespmem:$0x1FDF0];
	v7 =	vadd.f32 v53, v7;
	v16 =	vadd.f32 v52, v16  }
0x2d6: {  	v53 =	vld [tilespmem:s31+$0x14A00];
	v14 =	vadd.f32 v46, v14;
	v0 =	vadd.f32 v60, v0  }
0x2d7: {  	v44 =	vld [tilespmem:s31+$0x17D10];
	v2 =	vadd.f32 v6, v2;
	v7 =	vadd.f32 v15, v7  }
0x2d8: {  	v6 =	vld [tilespmem:$0x1FD10];
	v13 =	vadd.f32 v61, v13;
	v14 =	vadd.f32 v63, v14  }
0x2d9: {  	v58 =	vld [tilespmem:$0x1FE00];
	[tilespmem:s31+$0x1D400] =	vst v0;
	v0 =	vadd.f32 v10, v20;
	v63 =	vadd.f32 v30, v17  }
0x2da: {  	v59 =	vld [tilespmem:s31+$0x1B600];
	v2 =	vadd.f32 v57, v2;
	v7 =	vadd.f32 v35, v7  }
0x2db: {  	[tilespmem:s31+$0x1DD00] =	vst v9;
	v31 =	vld [tilespmem:s31+$0x17A10];
	v8 =	vadd.f32 v53, v8;
	v9 =	vadd.f32 v28, v14  }
0x2dc: {  	v60 =	vld [tilespmem:s31+$0x12F10];
	v0 =	vadd.f32 v32, v0;
	v7 =	vadd.f32 v62, v7  }
0x2dd: {  	v57 =	vld [tilespmem:s31+$0x19B00];
	v2 =	vadd.f32 v24, v2;
	v3 =	vadd.f32 v6, v3  }
0x2de: {  	v62 =	vadd.f32 v29, v16;
	v6 =	vld [tilespmem:s31+$0x1CE00];
	[tilespmem:s31+$0x1DA00] =	vst v8;
	v8 =	vadd.f32 v27, v13  }
0x2df: {  	v9 =	vadd.f32 v41, v9;
	v3 =	vadd.f32 v58, v3;
	v58 =	vld [tilespmem:$0x1FE60]  }
0x2e0: {  	v10 =	vld [tilespmem:s31+$0x1D100];
	[tilespmem:s31+$0x1D700] =	vst v7;
	v7 =	vadd.f32 v11, v22;
	v2 =	vadd.f32 v39, v2  }
0x2e1: {  	v61 =	vld [tilespmem:s31+$0x14A10];
	v8 =	vadd.f32 v40, v8;
	v9 =	vadd.f32 v60, v9  }
0x2e2: {  	v11 =	vld [tilespmem:s31+$0x11410];
	v2 =	vadd.f32 v57, v2;
	v3 =	vadd.f32 v25, v3  }
0x2e3: {  	v45 =	vld [tilespmem:s31+$0x19810];
	v7 =	vadd.f32 v33, v7;
	v1 =	vadd.f32 v6, v1  }
0x2e4: {  	v46 =	vld [tilespmem:s31+$0x1B310];
	v3 =	vadd.f32 v5, v3;
	v19 =	vadd.f32 v58, v19  }
0x2e5: {  	[tilespmem:s31+$0x1E000] =	vst v4;
	v4 =	vld [tilespmem:s31+$0x16510];
	v1 =	vadd.f32 v10, v1;
	v10 =	vadd.f32 v42, v62  }
0x2e6: {  	[tilespmem:s31+$0x1E300] =	vst v2;
	v5 =	vld [tilespmem:s31+$0x18010];
	v3 =	vadd.f32 v59, v3;
	v2 =	vadd.f32 v31, v19  }
0x2e7: {  	v6 =	vld [tilespmem:s31+$0x19B10];
	v11 =	vadd.f32 v11, v8;
	[tilespmem:s31+$0x1E900] =	vst v1;
	v10 =	vadd.f32 v61, v10  }
0x2e8: {  	s0 =	simm.s32 $0x20;
	v8 =	vld [tilespmem:s31+$0x1B610];
	[tilespmem:s31+$0x1E600] =	vst v3;
	v3 =	vadd.f32 v43, v63;
	v1 =	vadd.f32 v44, v2  }
0x2e9: {  	s1 =	simm.s32 $0x100;
	v2 =	vadd.f32 v45, v0;
	v0 =	vadd.f32 v46, v7;
	v7 =	vld [tilespmem:s0+$0x1B910];
	[tilespmem:s31+$0x1D410] =	vst v11  }
.LBB2_5:
0x2ea: {  	p0 =	sne.s32 s1, $0xB80;
	v11 =	vld [tilespmem:s0+$0x1BC10];
	[tilespmem:s31+$0x1D710] =	vst v9;
	v3 =	vadd.f32 v4, v3  }
0x2eb: {  	v4 =	vld [tilespmem:s0+$0xFC00];
	[tilespmem:s31+$0x1DA10] =	vst v10;
	v1 =	vadd.f32 v5, v1  }
0x2ec: {  	v5 =	vld [tilespmem:s0+$0x1BF10];
	[tilespmem:s31+$0x1DD10] =	vst v3;
	v2 =	vadd.f32 v6, v2  }
0x2ed: {  	v3 =	vld [tilespmem:s0+$0xFF00];
	[tilespmem:s31+$0x1E010] =	vst v1;
	v0 =	vadd.f32 v8, v0  }
0x2ee: {  	v1 =	vld [tilespmem:s0+$0x1C210];
	[tilespmem:s31+$0x1E310] =	vst v2  }
0x2ef: {  	v2 =	vld [tilespmem:s0+$0x11700];
	v6 =	vadd.f32 v11, v7;
	[tilespmem:s31+$0x1E610] =	vst v0;
	s31 =	smov.u32 s0  }
0x2f0: {  	v0 =	vld [tilespmem:s31+$0x1C510]  }
0x2f1: {  	v7 =	vld [tilespmem:s31+$0x11A00];
	v5 =	vadd.f32 v5, v6  }
0x2f2: {  	v3 =	vadd.f32 v3, v4;
	v4 =	vld [tilespmem:s31+$0x1C810]  }
0x2f3: {  	v6 =	vld [tilespmem:s31+$0x13200];
	v1 =	vadd.f32 v1, v5  }
0x2f4: {  	v5 =	vld [tilespmem:s31+$0x1CB10]  }
0x2f5: {  	v8 =	vld [tilespmem:s31+$0x13500];
	v0 =	vadd.f32 v0, v1  }
0x2f6: {  	v1 =	vadd.f32 v7, v2;
	v2 =	vld [tilespmem:s31+$0x1CE10]  }
0x2f7: {  	v7 =	vld [tilespmem:s31+$0x14D00];
	v0 =	vadd.f32 v4, v0  }
0x2f8: {  	v4 =	vld [tilespmem:s31+$0x1D110]  }
0x2f9: {  	v9 =	vld [tilespmem:s31+$0x15000];
	v0 =	vadd.f32 v5, v0  }
0x2fa: {  	v5 =	vadd.f32 v8, v6;
	v6 =	vld [tilespmem:s31+$0x16800]  }
0x2fb: {  	v8 =	vld [tilespmem:s31+$0x16B00];
	v0 =	vadd.f32 v2, v0  }
0x2fc: {  	v2 =	vld [tilespmem:s31+$0x18300]  }
0x2fd: {  	v10 =	vld [tilespmem:s31+$0x18600];
	v0 =	vadd.f32 v4, v0  }
0x2fe: {  	v4 =	vadd.f32 v9, v7;
	v7 =	vld [tilespmem:s31+$0x19E00]  }
0x2ff: {  	v9 =	vld [tilespmem:s31+$0x1A100];
	[tilespmem:s31+$0x1E910] =	vst v0  }
0x300: {  	v0 =	vadd.f32 v8, v6;
	v6 =	vld [tilespmem:s31+$0x1B900]  }
0x301: {  	v8 =	vld [tilespmem:s31+$0x1BC00]  }
0x302: {  	v2 =	vadd.f32 v10, v2;
	v10 =	vld [tilespmem:s31+$0xFC10]  }
0x303: {  	v11 =	vld [tilespmem:s31+$0xFF10]  }
0x304: {  	v7 =	vadd.f32 v9, v7;
	v9 =	vld [tilespmem:s31+$0x11710]  }
0x305: {  	v12 =	vld [tilespmem:s31+$0x11A10]  }
0x306: {  	v6 =	vadd.f32 v8, v6;
	v8 =	vld [tilespmem:s31+$0x13210]  }
0x307: {  	v13 =	vld [tilespmem:s31+$0x13510]  }
0x308: {  	v10 =	vadd.f32 v11, v10;
	v11 =	vld [tilespmem:s31+$0x14D10]  }
0x309: {  	v14 =	vld [tilespmem:s31+$0x15010]  }
0x30a: {  	v9 =	vadd.f32 v12, v9;
	v12 =	vld [tilespmem:s31+$0x16810]  }
0x30b: {  	v15 =	vld [tilespmem:s31+$0x16B10]  }
0x30c: {  	v8 =	vadd.f32 v13, v8;
	v13 =	vld [tilespmem:s31+$0x18310]  }
0x30d: {  	v16 =	vld [tilespmem:s31+$0x18610]  }
0x30e: {  	v11 =	vadd.f32 v14, v11;
	v14 =	vld [tilespmem:s31+$0x19E10]  }
0x30f: {  	v17 =	vld [tilespmem:s31+$0x1A110]  }
0x310: {  	v18 =	vld [tilespmem:s31+$0x10200];
	v12 =	vadd.f32 v15, v12  }
0x311: {  	v15 =	vld [tilespmem:s31+$0x11D00]  }
0x312: {  	v19 =	vld [tilespmem:s31+$0x13800];
	v13 =	vadd.f32 v16, v13  }
0x313: {  	v16 =	vld [tilespmem:s31+$0x15300]  }
0x314: {  	v20 =	vld [tilespmem:s31+$0x16E00];
	v14 =	vadd.f32 v17, v14  }
0x315: {  	v3 =	vadd.f32 v18, v3;
	v17 =	vld [tilespmem:s31+$0x18900]  }
0x316: {  	v1 =	vadd.f32 v15, v1;
	v15 =	vld [tilespmem:s31+$0x1A400]  }
0x317: {  	v5 =	vadd.f32 v19, v5;
	v18 =	vld [tilespmem:s31+$0x1BF00]  }
0x318: {  	v4 =	vadd.f32 v16, v4;
	v16 =	vld [tilespmem:s31+$0x10210]  }
0x319: {  	v0 =	vadd.f32 v20, v0;
	v19 =	vld [tilespmem:s31+$0x11D10]  }
0x31a: {  	v2 =	vadd.f32 v17, v2;
	v17 =	vld [tilespmem:s31+$0x13810]  }
0x31b: {  	v7 =	vadd.f32 v15, v7;
	v15 =	vld [tilespmem:s31+$0x15310]  }
0x31c: {  	v6 =	vadd.f32 v18, v6;
	v18 =	vld [tilespmem:s31+$0x16E10]  }
0x31d: {  	v10 =	vadd.f32 v16, v10;
	v16 =	vld [tilespmem:s31+$0x18910]  }
0x31e: {  	v9 =	vadd.f32 v19, v9;
	v19 =	vld [tilespmem:s31+$0x1A410]  }
0x31f: {  	v20 =	vld [tilespmem:s31+$0x10500];
	v8 =	vadd.f32 v17, v8  }
0x320: {  	v17 =	vld [tilespmem:s31+$0x12000];
	v11 =	vadd.f32 v15, v11  }
0x321: {  	v15 =	vld [tilespmem:s31+$0x13B00];
	v12 =	vadd.f32 v18, v12  }
0x322: {  	v18 =	vld [tilespmem:s31+$0x15600];
	v13 =	vadd.f32 v16, v13  }
0x323: {  	v16 =	vld [tilespmem:s31+$0x17100];
	v14 =	vadd.f32 v19, v14  }
0x324: {  	v3 =	vadd.f32 v20, v3;
	v19 =	vld [tilespmem:s31+$0x18C00]  }
0x325: {  	v1 =	vadd.f32 v17, v1;
	v17 =	vld [tilespmem:s31+$0x1A700]  }
0x326: {  	v5 =	vadd.f32 v15, v5;
	v15 =	vld [tilespmem:s31+$0x1C200]  }
0x327: {  	v4 =	vadd.f32 v18, v4;
	v18 =	vld [tilespmem:s31+$0x10510]  }
0x328: {  	v0 =	vadd.f32 v16, v0;
	v16 =	vld [tilespmem:s31+$0x12010]  }
0x329: {  	v2 =	vadd.f32 v19, v2;
	v19 =	vld [tilespmem:s31+$0x13B10]  }
0x32a: {  	v7 =	vadd.f32 v17, v7;
	v17 =	vld [tilespmem:s31+$0x15610]  }
0x32b: {  	v6 =	vadd.f32 v15, v6;
	v15 =	vld [tilespmem:s31+$0x17110]  }
0x32c: {  	v10 =	vadd.f32 v18, v10;
	v18 =	vld [tilespmem:s31+$0x18C10]  }
0x32d: {  	v9 =	vadd.f32 v16, v9;
	v16 =	vld [tilespmem:s31+$0x1A710]  }
0x32e: {  	v20 =	vld [tilespmem:s31+$0x10800];
	v8 =	vadd.f32 v19, v8  }
0x32f: {  	v19 =	vld [tilespmem:s31+$0x12300];
	v11 =	vadd.f32 v17, v11  }
0x330: {  	v17 =	vld [tilespmem:s31+$0x13E00];
	v12 =	vadd.f32 v15, v12  }
0x331: {  	v15 =	vld [tilespmem:s31+$0x15900];
	v13 =	vadd.f32 v18, v13  }
0x332: {  	v18 =	vld [tilespmem:s31+$0x17400];
	v14 =	vadd.f32 v16, v14  }
0x333: {  	v3 =	vadd.f32 v20, v3;
	v16 =	vld [tilespmem:s31+$0x18F00]  }
0x334: {  	v1 =	vadd.f32 v19, v1;
	v19 =	vld [tilespmem:s31+$0x1AA00]  }
0x335: {  	v5 =	vadd.f32 v17, v5;
	v17 =	vld [tilespmem:s31+$0x1C500]  }
0x336: {  	v4 =	vadd.f32 v15, v4;
	v15 =	vld [tilespmem:s31+$0x10810]  }
0x337: {  	v0 =	vadd.f32 v18, v0;
	v18 =	vld [tilespmem:s31+$0x12310]  }
0x338: {  	v2 =	vadd.f32 v16, v2;
	v16 =	vld [tilespmem:s31+$0x13E10]  }
0x339: {  	v7 =	vadd.f32 v19, v7;
	v19 =	vld [tilespmem:s31+$0x15910]  }
0x33a: {  	v6 =	vadd.f32 v17, v6;
	v17 =	vld [tilespmem:s31+$0x17410]  }
0x33b: {  	v10 =	vadd.f32 v15, v10;
	v15 =	vld [tilespmem:s31+$0x18F10]  }
0x33c: {  	v9 =	vadd.f32 v18, v9;
	v18 =	vld [tilespmem:s31+$0x1AA10]  }
0x33d: {  	v20 =	vld [tilespmem:s31+$0x10B00];
	v8 =	vadd.f32 v16, v8  }
0x33e: {  	v16 =	vld [tilespmem:s31+$0x12600];
	v11 =	vadd.f32 v19, v11  }
0x33f: {  	v19 =	vld [tilespmem:s31+$0x14100];
	v12 =	vadd.f32 v17, v12  }
0x340: {  	v17 =	vld [tilespmem:s31+$0x15C00];
	v13 =	vadd.f32 v15, v13  }
0x341: {  	v15 =	vld [tilespmem:s31+$0x17700];
	v14 =	vadd.f32 v18, v14  }
0x342: {  	v3 =	vadd.f32 v20, v3;
	v18 =	vld [tilespmem:s31+$0x19200]  }
0x343: {  	v1 =	vadd.f32 v16, v1;
	v16 =	vld [tilespmem:s31+$0x1AD00]  }
0x344: {  	v5 =	vadd.f32 v19, v5;
	v19 =	vld [tilespmem:s31+$0x1C800]  }
0x345: {  	v4 =	vadd.f32 v17, v4;
	v17 =	vld [tilespmem:s31+$0x10B10]  }
0x346: {  	v0 =	vadd.f32 v15, v0;
	v15 =	vld [tilespmem:s31+$0x12610]  }
0x347: {  	v2 =	vadd.f32 v18, v2;
	v18 =	vld [tilespmem:s31+$0x14110]  }
0x348: {  	v7 =	vadd.f32 v16, v7;
	v16 =	vld [tilespmem:s31+$0x15C10]  }
0x349: {  	v6 =	vadd.f32 v19, v6;
	v19 =	vld [tilespmem:s31+$0x17710]  }
0x34a: {  	v10 =	vadd.f32 v17, v10;
	v17 =	vld [tilespmem:s31+$0x19210]  }
0x34b: {  	v9 =	vadd.f32 v15, v9;
	v15 =	vld [tilespmem:s31+$0x1AD10]  }
0x34c: {  	v20 =	vld [tilespmem:s31+$0x10E00];
	v8 =	vadd.f32 v18, v8  }
0x34d: {  	v18 =	vld [tilespmem:s31+$0x12900];
	v11 =	vadd.f32 v16, v11  }
0x34e: {  	v16 =	vld [tilespmem:s31+$0x14400];
	v12 =	vadd.f32 v19, v12  }
0x34f: {  	v19 =	vld [tilespmem:s31+$0x15F00];
	v13 =	vadd.f32 v17, v13  }
0x350: {  	v17 =	vld [tilespmem:s31+$0x17A00];
	v14 =	vadd.f32 v15, v14  }
0x351: {  	v3 =	vadd.f32 v20, v3;
	v15 =	vld [tilespmem:s31+$0x19500]  }
0x352: {  	v1 =	vadd.f32 v18, v1;
	v18 =	vld [tilespmem:s31+$0x1B000]  }
0x353: {  	v5 =	vadd.f32 v16, v5;
	v16 =	vld [tilespmem:s31+$0x1CB00]  }
0x354: {  	v4 =	vadd.f32 v19, v4;
	v19 =	vld [tilespmem:s31+$0x10E10]  }
0x355: {  	v0 =	vadd.f32 v17, v0;
	v17 =	vld [tilespmem:s31+$0x12910]  }
0x356: {  	v2 =	vadd.f32 v15, v2;
	v15 =	vld [tilespmem:s31+$0x14410]  }
0x357: {  	v7 =	vadd.f32 v18, v7;
	v18 =	vld [tilespmem:s31+$0x15F10]  }
0x358: {  	v6 =	vadd.f32 v16, v6;
	v16 =	vld [tilespmem:s31+$0x17A10]  }
0x359: {  	v10 =	vadd.f32 v19, v10;
	v19 =	vld [tilespmem:s31+$0x19510]  }
0x35a: {  	v9 =	vadd.f32 v17, v9;
	v17 =	vld [tilespmem:s31+$0x1B010]  }
0x35b: {  	v20 =	vld [tilespmem:s31+$0x11100];
	v8 =	vadd.f32 v15, v8  }
0x35c: {  	v15 =	vld [tilespmem:s31+$0x12C00];
	v11 =	vadd.f32 v18, v11  }
0x35d: {  	v18 =	vld [tilespmem:s31+$0x14700];
	v12 =	vadd.f32 v16, v12  }
0x35e: {  	v16 =	vld [tilespmem:s31+$0x16200];
	v13 =	vadd.f32 v19, v13  }
0x35f: {  	v19 =	vld [tilespmem:s31+$0x17D00];
	v14 =	vadd.f32 v17, v14  }
0x360: {  	v17 =	vadd.f32 v20, v3;
	v3 =	vld [tilespmem:s31+$0x19800]  }
0x361: {  	v15 =	vadd.f32 v15, v1;
	v1 =	vld [tilespmem:s31+$0x1B300]  }
0x362: {  	v5 =	vadd.f32 v18, v5;
	v18 =	vld [tilespmem:s31+$0x1CE00]  }
0x363: {  	v4 =	vadd.f32 v16, v4;
	v16 =	vld [tilespmem:s31+$0x11110]  }
0x364: {  	v19 =	vadd.f32 v19, v0;
	v0 =	vld [tilespmem:s31+$0x12C10]  }
0x365: {  	v20 =	vadd.f32 v3, v2;
	v2 =	vld [tilespmem:s31+$0x14710]  }
0x366: {  	v7 =	vadd.f32 v1, v7;
	v1 =	vld [tilespmem:s31+$0x16210]  }
0x367: {  	v6 =	vadd.f32 v18, v6;
	v18 =	vld [tilespmem:s31+$0x17D10]  }
0x368: {  	v10 =	vadd.f32 v16, v10;
	v16 =	vld [tilespmem:s31+$0x19810]  }
0x369: {  	v9 =	vadd.f32 v0, v9;
	v0 =	vld [tilespmem:s31+$0x1B310]  }
0x36a: {  	v21 =	vld [tilespmem:s31+$0x11400];
	v22 =	vadd.f32 v2, v8  }
0x36b: {  	v8 =	vld [tilespmem:s31+$0x12F00];
	v3 =	vadd.f32 v1, v11  }
0x36c: {  	v11 =	vld [tilespmem:s31+$0x14A00];
	v1 =	vadd.f32 v18, v12  }
0x36d: {  	v12 =	vld [tilespmem:s31+$0x16500];
	v2 =	vadd.f32 v16, v13  }
0x36e: {  	v13 =	vld [tilespmem:s31+$0x18000];
	v0 =	vadd.f32 v0, v14  }
0x36f: {  	v14 =	vadd.f32 v21, v17;
	v16 =	vld [tilespmem:s31+$0x19B00]  }
0x370: {  	v8 =	vadd.f32 v8, v15;
	v15 =	vld [tilespmem:s31+$0x1B600]  }
0x371: {  	[tilespmem:s31+$0x1D400] =	vst v14;
	v5 =	vadd.f32 v11, v5;
	v11 =	vld [tilespmem:s31+$0x1D100]  }
0x372: {  	[tilespmem:s31+$0x1D700] =	vst v8;
	v4 =	vadd.f32 v12, v4;
	v8 =	vld [tilespmem:s31+$0x11410]  }
0x373: {  	[tilespmem:s31+$0x1DA00] =	vst v5;
	v5 =	vadd.f32 v13, v19;
	v12 =	vld [tilespmem:s31+$0x12F10]  }
0x374: {  	[tilespmem:s31+$0x1DD00] =	vst v4;
	v13 =	vadd.f32 v16, v20;
	v14 =	vld [tilespmem:s31+$0x14A10]  }
.Ltmp1:
0x375: {  	[tilespmem:s31+$0x1E000] =	vst v5;
	v7 =	vadd.f32 v15, v7;
	v4 =	vld [tilespmem:s31+$0x16510];
	(pc) =	sbr.rel @p0 .LBB2_5-.Ltmp1, $4  }
0x376: {  	[tilespmem:s31+$0x1E300] =	vst v13;
	v11 =	vadd.f32 v11, v6;
	v5 =	vld [tilespmem:s31+$0x18010]  }
0x377: {  	[tilespmem:s31+$0x1E600] =	vst v7;
	v10 =	vadd.f32 v8, v10;
	v6 =	vld [tilespmem:s31+$0x19B10]  }
0x378: {  	s0 =	sshra.s32 s1, $0x2;
	[tilespmem:s31+$0x1E900] =	vst v11;
	v9 =	vadd.f32 v12, v9;
	v8 =	vld [tilespmem:s31+$0x1B610]  }
0x379: {  	s1 =	sadd.s32 $0x80, s1;
	v7 =	vld [tilespmem:s0+$0x1B910];
	[tilespmem:s31+$0x1D410] =	vst v10;
	v10 =	vadd.f32 v14, v22  }
0x37a: {  	v11 =	vld [tilespmem:s0+$0x1BC10];
	[tilespmem:s31+$0x1D710] =	vst v9;
	v3 =	vadd.f32 v4, v3  }
0x37b: {  	v9 =	vld [tilespmem:s0+$0xFC00];
	[tilespmem:s31+$0x1DA10] =	vst v10;
	v1 =	vadd.f32 v5, v1  }
0x37c: {  	v43 =	vld [tilespmem:s0+$0x1BF10];
	[tilespmem:s31+$0x1DD10] =	vst v3;
	v2 =	vadd.f32 v6, v2  }
0x37d: {  	v3 =	vld [tilespmem:s0+$0xFF00];
	[tilespmem:s31+$0x1E010] =	vst v1;
	v0 =	vadd.f32 v8, v0  }
0x37e: {  	v1 =	vld [tilespmem:s0+$0x1C210];
	[tilespmem:s31+$0x1E310] =	vst v2  }
0x37f: {  	v2 =	vld [tilespmem:s0+$0x11700];
	[tilespmem:s31+$0x1E610] =	vst v0  }
0x380: {  	v45 =	vld [tilespmem:s0+$0x1C510]  }
0x381: {  	v6 =	vld [tilespmem:s0+$0x11A00]  }
0x382: {  	v46 =	vld [tilespmem:s0+$0x1C810]  }
0x383: {  	v44 =	vadd.f32 v11, v7;
	v7 =	vld [tilespmem:s0+$0x13200]  }
0x384: {  	v47 =	vld [tilespmem:s0+$0x1CB10]  }
0x385: {  	v8 =	vld [tilespmem:s0+$0x13500]  }
0x386: {  	v48 =	vld [tilespmem:s0+$0x1CE10]  }
0x387: {  	v10 =	vld [tilespmem:s0+$0x14D00]  }
0x388: {  	v49 =	vld [tilespmem:s0+$0x1D110];
	v0 =	vadd.f32 v43, v44  }
0x389: {  	v11 =	vld [tilespmem:s0+$0x15000]  }
0x38a: {  	v12 =	vld [tilespmem:s0+$0x16B00];
	v0 =	vadd.f32 v1, v0  }
0x38b: {  	v5 =	vld [tilespmem:s0+$0x18300]  }
0x38c: {  	v13 =	vld [tilespmem:s0+$0x18600];
	v0 =	vadd.f32 v45, v0  }
0x38d: {  	v4 =	vld [tilespmem:s0+$0x19E00]  }
0x38e: {  	v14 =	vld [tilespmem:s0+$0x1A100];
	v0 =	vadd.f32 v46, v0  }
0x38f: {  	v15 =	vld [tilespmem:s0+$0x1BC00]  }
0x390: {  	v16 =	vld [tilespmem:s0+$0xFC10];
	v0 =	vadd.f32 v47, v0  }
0x391: {  	v17 =	vld [tilespmem:s0+$0xFF10]  }
0x392: {  	v18 =	vld [tilespmem:s0+$0x11710];
	v0 =	vadd.f32 v48, v0  }
0x393: {  	v19 =	vld [tilespmem:s0+$0x11A10]  }
0x394: {  	v20 =	vld [tilespmem:s0+$0x13210];
	v0 =	vadd.f32 v49, v0  }
0x395: {  	v21 =	vld [tilespmem:s0+$0x13510]  }
0x396: {  	[tilespmem:s0+$0x1E910] =	vst v0;
	v0 =	vld [tilespmem:s0+$0x18F00]  }
0x397: {  	v22 =	vld [tilespmem:s0+$0x14D10]  }
0x398: {  	v23 =	vld [tilespmem:s0+$0x15010]  }
0x399: {  	v24 =	vld [tilespmem:s0+$0x16810]  }
0x39a: {  	v25 =	vld [tilespmem:s0+$0x16B10]  }
0x39b: {  	[tilespmem:$0x1F9E0] =	vst v0;
	v0 =	vld [tilespmem:s0+$0x1AA00]  }
0x39c: {  	v26 =	vld [tilespmem:s0+$0x18310]  }
0x39d: {  	v27 =	vld [tilespmem:s0+$0x18610]  }
0x39e: {  	v28 =	vld [tilespmem:s0+$0x19E10]  }
0x39f: {  	v29 =	vld [tilespmem:s0+$0x1A110]  }
0x3a0: {  	[tilespmem:$0x1F9F0] =	vst v0;
	v0 =	vld [tilespmem:s0+$0x1C500]  }
0x3a1: {  	v30 =	vld [tilespmem:s0+$0x10200]  }
0x3a2: {  	v31 =	vld [tilespmem:s0+$0x11D00]  }
0x3a3: {  	v32 =	vld [tilespmem:s0+$0x13800]  }
0x3a4: {  	v33 =	vld [tilespmem:s0+$0x15300]  }
0x3a5: {  	[tilespmem:$0x1FA00] =	vst v0;
	v0 =	vld [tilespmem:s0+$0x10810]  }
0x3a6: {  	v34 =	vld [tilespmem:s0+$0x16E00]  }
0x3a7: {  	v35 =	vld [tilespmem:s0+$0x18900]  }
0x3a8: {  	v36 =	vld [tilespmem:s0+$0x1A400]  }
0x3a9: {  	v37 =	vld [tilespmem:s0+$0x1BF00]  }
0x3aa: {  	[tilespmem:$0x1FA10] =	vst v0;
	v0 =	vld [tilespmem:s0+$0x12310]  }
0x3ab: {  	v38 =	vld [tilespmem:s0+$0x10210]  }
0x3ac: {  	v39 =	vld [tilespmem:s0+$0x11D10]  }
0x3ad: {  	v40 =	vld [tilespmem:s0+$0x13810]  }
0x3ae: {  	v41 =	vld [tilespmem:s0+$0x15310]  }
0x3af: {  	[tilespmem:$0x1FA20] =	vst v0;
	v0 =	vld [tilespmem:s0+$0x13E10]  }
0x3b0: {  	v42 =	vld [tilespmem:s0+$0x16E10]  }
0x3b1: {  	v50 =	vld [tilespmem:s0+$0x18C00]  }
0x3b2: {  	v51 =	vld [tilespmem:s0+$0x1A700]  }
0x3b3: {  	v52 =	vld [tilespmem:s0+$0x1C200]  }
0x3b4: {  	[tilespmem:$0x1FA30] =	vst v0;
	v0 =	vld [tilespmem:s0+$0x15910]  }
0x3b5: {  	v53 =	vld [tilespmem:s0+$0x10510]  }
0x3b6: {  	v54 =	vld [tilespmem:s0+$0x12010]  }
0x3b7: {  	v55 =	vld [tilespmem:s0+$0x13B10]  }
0x3b8: {  	v56 =	vld [tilespmem:s0+$0x15610]  }
0x3b9: {  	[tilespmem:$0x1FA40] =	vst v0;
	v0 =	vld [tilespmem:s0+$0x17410]  }
0x3ba: {  	v57 =	vld [tilespmem:s0+$0x17110]  }
0x3bb: {  	v58 =	vld [tilespmem:s0+$0x18C10]  }
0x3bc: {  	v59 =	vld [tilespmem:s0+$0x1A710]  }
0x3bd: {  	v60 =	vld [tilespmem:s0+$0x10800]  }
0x3be: {  	[tilespmem:$0x1FA50] =	vst v0;
	v0 =	vld [tilespmem:s0+$0x18F10]  }
0x3bf: {  	v61 =	vld [tilespmem:s0+$0x12300]  }
0x3c0: {  	v62 =	vld [tilespmem:s0+$0x13E00]  }
0x3c1: {  	v63 =	vld [tilespmem:s0+$0x15900]  }
0x3c2: {  	v43 =	vld [tilespmem:s0+$0x18910]  }
0x3c3: {  	[tilespmem:$0x1FA60] =	vst v0;
	v0 =	vld [tilespmem:s0+$0x1AA10]  }
0x3c4: {  	v44 =	vld [tilespmem:s0+$0x1A410]  }
0x3c5: {  	[tilespmem:$0x1F9C0] =	vst v3;
	v3 =	vld [tilespmem:s0+$0x17400]  }
0x3c6: {  	v1 =	vld [tilespmem:s0+$0x1B900]  }
0x3c7: {  	[tilespmem:$0x1F9D0] =	vst v2;
	v2 =	vld [tilespmem:s0+$0x16800]  }
0x3c8: {  	[tilespmem:$0x1FA70] =	vst v0;
	v0 =	vld [tilespmem:s0+$0x10B00]  }
0x3c9: {  	v45 =	vld [tilespmem:s0+$0x10500]  }
0x3ca: {  	v7 =	vadd.f32 v8, v7;
	v8 =	vadd.f32 v11, v10;
	v10 =	vld [tilespmem:s0+$0x19210]  }
0x3cb: {  	v11 =	vld [tilespmem:s0+$0x1AD10]  }
0x3cc: {  	v4 =	vadd.f32 v14, v4;
	v14 =	vadd.f32 v19, v18;
	v18 =	vld [tilespmem:s0+$0x14400]  }
0x3cd: {  	v5 =	vadd.f32 v13, v5;
	[tilespmem:$0x1FA80] =	vst v0;
	v0 =	vld [tilespmem:s0+$0x12600]  }
0x3ce: {  	v13 =	vadd.f32 v17, v16;
	v16 =	vadd.f32 v21, v20;
	v21 =	vld [tilespmem:s0+$0x15F00]  }
0x3cf: {  	v17 =	vadd.f32 v23, v22;
	v23 =	vld [tilespmem:s0+$0x17A00]  }
0x3d0: {  	v19 =	vadd.f32 v25, v24;
	v24 =	vld [tilespmem:s0+$0x19500]  }
0x3d1: {  	v25 =	vld [tilespmem:s0+$0x1B000]  }
0x3d2: {  	[tilespmem:$0x1FA90] =	vst v0;
	v0 =	vld [tilespmem:s0+$0x14100]  }
0x3d3: {  	v20 =	vadd.f32 v27, v26;
	v26 =	vld [tilespmem:s0+$0x1CB00]  }
0x3d4: {  	v27 =	vld [tilespmem:s0+$0x10E10]  }
0x3d5: {  	v22 =	vadd.f32 v29, v28;
	v28 =	vld [tilespmem:s0+$0x12910]  }
0x3d6: {  	v29 =	vld [tilespmem:s0+$0x14410]  }
0x3d7: {  	[tilespmem:$0x1FAA0] =	vst v0;
	v0 =	vld [tilespmem:s0+$0x15C00]  }
0x3d8: {  	v46 =	vld [tilespmem:s0+$0x12000]  }
0x3d9: {  	v7 =	vadd.f32 v32, v7;
	v32 =	vld [tilespmem:s0+$0x19510]  }
0x3da: {  	v8 =	vadd.f32 v33, v8;
	v33 =	vld [tilespmem:s0+$0x1B010]  }
0x3db: {  	v5 =	vadd.f32 v35, v5;
	v35 =	vld [tilespmem:s0+$0x12C00]  }
0x3dc: {  	[tilespmem:$0x1FAB0] =	vst v0;
	v0 =	vld [tilespmem:s0+$0x17700]  }
0x3dd: {  	v4 =	vadd.f32 v36, v4;
	v36 =	vld [tilespmem:s0+$0x14700]  }
0x3de: {  	v13 =	vadd.f32 v38, v13;
	v38 =	vld [tilespmem:s0+$0x17D00]  }
0x3df: {  	v14 =	vadd.f32 v39, v14;
	v39 =	vld [tilespmem:s0+$0x19800]  }
0x3e0: {  	v16 =	vadd.f32 v40, v16;
	v40 =	vld [tilespmem:s0+$0x11110]  }
0x3e1: {  	[tilespmem:$0x1FAC0] =	vst v0;
	v0 =	vld [tilespmem:s0+$0x19200]  }
0x3e2: {  	v17 =	vadd.f32 v41, v17;
	v41 =	vld [tilespmem:s0+$0x12C10]  }
0x3e3: {  	v19 =	vadd.f32 v42, v19;
	v42 =	vld [tilespmem:s0+$0x14710]  }
0x3e4: {  	v20 =	vadd.f32 v43, v20;
	v43 =	vld [tilespmem:s0+$0x16210]  }
0x3e5: {  	v22 =	vadd.f32 v44, v22;
	v44 =	vld [tilespmem:s0+$0x17D10]  }
0x3e6: {  	[tilespmem:$0x1FAD0] =	vst v0;
	v0 =	vld [tilespmem:s0+$0x1AD00]  }
0x3e7: {  	v1 =	vadd.f32 v15, v1;
	v15 =	vld [tilespmem:s0+$0x12900]  }
0x3e8: {  	v49 =	vld [tilespmem:s0+$0x17100]  }
0x3e9: {  	v47 =	vld [tilespmem:s0+$0x13B00];
	v2 =	vadd.f32 v12, v2  }
0x3ea: {  	v12 =	vld [tilespmem:s0+$0x10E00]  }
0x3eb: {  	v2 =	vadd.f32 v34, v2;
	[tilespmem:$0x1FAE0] =	vst v0;
	v0 =	vld [tilespmem:s0+$0x1C800]  }
0x3ec: {  	v1 =	vadd.f32 v37, v1;
	v37 =	vld [tilespmem:s0+$0x16200]  }
0x3ed: {  	v48 =	vld [tilespmem:s0+$0x15600];
	v2 =	vadd.f32 v49, v2  }
0x3ee: {  	v34 =	vld [tilespmem:s0+$0x11100]  }
0x3ef: {  	v2 =	vadd.f32 v3, v2;
	v3 =	vld [tilespmem:s0+$0x1B300]  }
0x3f0: {  	[tilespmem:$0x1FAF0] =	vst v0;
	v0 =	vld [tilespmem:s0+$0x10B10]  }
0x3f1: {  	v1 =	vadd.f32 v52, v1;
	v52 =	vld [tilespmem:$0x1FA00]  }
0x3f2: {  	v5 =	vadd.f32 v50, v5;
	v50 =	vld [tilespmem:$0x1F9E0]  }
0x3f3: {  	v4 =	vadd.f32 v51, v4;
	v51 =	vld [tilespmem:$0x1F9F0]  }
0x3f4: {  	v13 =	vadd.f32 v53, v13;
	v53 =	vld [tilespmem:$0x1FA10]  }
0x3f5: {  	[tilespmem:$0x1FB00] =	vst v0;
	v0 =	vld [tilespmem:s0+$0x12610]  }
0x3f6: {  	v1 =	vadd.f32 v52, v1;
	v52 =	vld [tilespmem:s0+$0x11400]  }
0x3f7: {  	v14 =	vadd.f32 v54, v14;
	v54 =	vld [tilespmem:$0x1FA20]  }
0x3f8: {  	v16 =	vadd.f32 v55, v16;
	v55 =	vld [tilespmem:$0x1FA30]  }
0x3f9: {  	v17 =	vadd.f32 v56, v17;
	v56 =	vld [tilespmem:$0x1FA40]  }
0x3fa: {  	v7 =	vadd.f32 v47, v7;
	[tilespmem:$0x1FB10] =	vst v0;
	v0 =	vld [tilespmem:s0+$0x14110]  }
0x3fb: {  	v19 =	vadd.f32 v57, v19;
	v57 =	vld [tilespmem:$0x1FA50]  }
0x3fc: {  	v8 =	vadd.f32 v48, v8;
	v7 =	vadd.f32 v62, v7;
	v62 =	vld [tilespmem:$0x1FAA0]  }
0x3fd: {  	v20 =	vadd.f32 v58, v20;
	v58 =	vld [tilespmem:$0x1FA60]  }
0x3fe: {  	v8 =	vadd.f32 v63, v8;
	v63 =	vld [tilespmem:$0x1FAB0]  }
0x3ff: {  	v22 =	vadd.f32 v59, v22;
	v5 =	vadd.f32 v50, v5;
	[tilespmem:$0x1FB20] =	vst v0;
	v0 =	vld [tilespmem:s0+$0x15C10]  }
0x400: {  	v4 =	vadd.f32 v51, v4;
	v13 =	vadd.f32 v53, v13;
	v59 =	vld [tilespmem:$0x1FA70]  }
0x401: {  	v19 =	vadd.f32 v57, v19;
	v57 =	vld [tilespmem:s0+$0x14A00];
	v7 =	vadd.f32 v62, v7  }
0x402: {  	v14 =	vadd.f32 v54, v14;
	v16 =	vadd.f32 v55, v16;
	v48 =	vld [tilespmem:$0x1FAC0]  }
0x403: {  	v17 =	vadd.f32 v56, v17;
	v7 =	vadd.f32 v18, v7;
	v49 =	vld [tilespmem:$0x1FAD0]  }
0x404: {  	v20 =	vadd.f32 v58, v20;
	v8 =	vadd.f32 v63, v8;
	[tilespmem:$0x1FB30] =	vst v0;
	v0 =	vld [tilespmem:$0x1F9C0]  }
0x405: {  	v58 =	vld [tilespmem:s0+$0x16500];
	v22 =	vadd.f32 v59, v22;
	v7 =	vadd.f32 v36, v7  }
0x406: {  	v20 =	vadd.f32 v10, v20;
	v8 =	vadd.f32 v21, v8;
	v50 =	vld [tilespmem:$0x1FAE0]  }
0x407: {  	v54 =	vld [tilespmem:s0+$0x12F00];
	v36 =	vadd.f32 v11, v22;
	v7 =	vadd.f32 v57, v7  }
0x408: {  	v63 =	vld [tilespmem:s0+$0x1B600];
	v8 =	vadd.f32 v37, v8;
	v2 =	vadd.f32 v48, v2  }
0x409: {  	v5 =	vadd.f32 v49, v5;
	v0 =	vadd.f32 v0, v9;
	v9 =	vld [tilespmem:$0x1F9D0]  }
0x40a: {  	v8 =	vadd.f32 v58, v8;
	v2 =	vadd.f32 v23, v2;
	v53 =	vld [tilespmem:$0x1FB00]  }
0x40b: {  	v37 =	vld [tilespmem:s0+$0x11410];
	v5 =	vadd.f32 v24, v5;
	v4 =	vadd.f32 v50, v4  }
0x40c: {  	v2 =	vadd.f32 v38, v2;
	v51 =	vld [tilespmem:$0x1FAF0];
	v0 =	vadd.f32 v30, v0  }
0x40d: {  	v58 =	vld [tilespmem:s0+$0x19B10];
	v5 =	vadd.f32 v39, v5;
	v4 =	vadd.f32 v25, v4  }
0x40e: {  	v55 =	vld [tilespmem:$0x1FB10];
	v0 =	vadd.f32 v45, v0;
	v6 =	vadd.f32 v6, v9  }
0x40f: {  	v3 =	vadd.f32 v3, v4;
	v13 =	vadd.f32 v53, v13;
	v9 =	vld [tilespmem:s0+$0x17710]  }
0x410: {  	v0 =	vadd.f32 v60, v0;
	v60 =	vld [tilespmem:$0x1FA80];
	v6 =	vadd.f32 v31, v6  }
0x411: {  	v1 =	vadd.f32 v51, v1;
	v3 =	vadd.f32 v63, v3;
	v56 =	vld [tilespmem:$0x1FB20]  }
0x412: {  	v38 =	vld [tilespmem:s0+$0x12F10];
	v47 =	vadd.f32 v27, v13;
	v6 =	vadd.f32 v46, v6  }
0x413: {  	v1 =	vadd.f32 v26, v1;
	v14 =	vadd.f32 v55, v14;
	v59 =	vld [tilespmem:$0x1FB30]  }
0x414: {  	[tilespmem:s0+$0x1DD00] =	vst v8;
	v8 =	vadd.f32 v40, v47;
	v6 =	vadd.f32 v61, v6;
	v61 =	vld [tilespmem:$0x1FA90]  }
0x415: {  	v48 =	vadd.f32 v28, v14;
	[tilespmem:$0x1FB40] =	vst v9;
	v0 =	vadd.f32 v60, v0;
	v60 =	vld [tilespmem:s0+$0x18000]  }
0x416: {  	v8 =	vadd.f32 v37, v8;
	v16 =	vadd.f32 v56, v16;
	v62 =	vld [tilespmem:$0x1FB40]  }
0x417: {  	v49 =	vld [tilespmem:s0+$0x14A10];
	v57 =	vadd.f32 v41, v48;
	v0 =	vadd.f32 v12, v0  }
0x418: {  	v56 =	vadd.f32 v33, v36;
	v51 =	vadd.f32 v29, v16;
	v30 =	vld [tilespmem:s0+$0x15F10]  }
0x419: {  	v17 =	vadd.f32 v59, v17;
	v45 =	vld [tilespmem:s0+$0x19810];
	v0 =	vadd.f32 v34, v0  }
0x41a: {  	v6 =	vadd.f32 v61, v6;
	v61 =	vld [tilespmem:s0+$0x19B00];
	v2 =	vadd.f32 v60, v2  }
0x41b: {  	[tilespmem:s0+$0x1DA00] =	vst v7;
	v31 =	vld [tilespmem:s0+$0x17A10];
	v19 =	vadd.f32 v62, v19;
	v0 =	vadd.f32 v52, v0  }
0x41c: {  	v9 =	vld [tilespmem:s0+$0x1CE00];
	v6 =	vadd.f32 v15, v6;
	[tilespmem:s0+$0x1E000] =	vst v2;
	v2 =	vadd.f32 v42, v51  }
0x41d: {  	v46 =	vld [tilespmem:s0+$0x1B310];
	v60 =	vadd.f32 v38, v57;
	[tilespmem:s0+$0x1D400] =	vst v0;
	v0 =	vadd.f32 v32, v20  }
0x41e: {  	[tilespmem:s0+$0x1E600] =	vst v3;
	v6 =	vadd.f32 v35, v6;
	v35 =	vld [tilespmem:s0+$0x1D100];
	v2 =	vadd.f32 v49, v2  }
0x41f: {  	v55 =	vld [tilespmem:s0+$0x18010];
	[tilespmem:s0+$0x1D410] =	vst v8;
	v50 =	vadd.f32 v61, v5;
	v0 =	vadd.f32 v45, v0  }
0x420: {  	[tilespmem:s0+$0x1D710] =	vst v60;
	v61 =	vld [tilespmem:s0+$0x1B610];
	v6 =	vadd.f32 v54, v6;
	v54 =	vadd.f32 v31, v19  }
0x421: {  	s1 =	sshll.u32 s29, $0x3;
	v53 =	vld [tilespmem:s0+$0x16510];
	v1 =	vadd.f32 v9, v1;
	v52 =	vadd.f32 v30, v17;
	[tilespmem:s0+$0x1DA10] =	vst v2  }
0x422: {  	s1 =	sand.u32 $0x78, s1;
	[tilespmem:s0+$0x1E300] =	vst v50;
	v0 =	vadd.f32 v58, v0;
	v4 =	vadd.f32 v44, v54  }
0x423: {  	s28 =	sadd.s32 $0x1, s28;
	s1 =	sadd.s32 s1, s30;
	v3 =	vadd.f32 v46, v56;
	[tilespmem:s0+$0x1D700] =	vst v6;
	v1 =	vadd.f32 v35, v1  }
0x424: {  	p0 =	sne.s32 s28, $0x40;
	s1 =	smul.u32 $0x300, s1;
	v59 =	vadd.f32 v43, v52;
	[tilespmem:s0+$0x1E310] =	vst v0;
	v62 =	vadd.f32 v55, v4  }
.Ltmp2:
0x425: {  	v63 =	vadd.f32 v61, v3;
	[tilespmem:s0+$0x1E900] =	vst v1;
	(pc) =	sbr.rel @p0 .LBB2_2-.Ltmp2, $4  }
0x426: {  	v1 =	vadd.f32 v53, v59;
	[tilespmem:s0+$0x1E010] =	vst v62  }
0x427: {  	s1 =	sshrl.u32 s1, $0x3;
	[tilespmem:s0+$0x1E610] =	vst v63  }
0x428: {  	s31 =	sadd.s32 s2, s1;
	[tilespmem:s0+$0x1DD10] =	vst v1  }
0x429: {  	[hbm4b:s31+s3] =	stream.linear.scatter [tilespmem:s24], [sflag:$0x3], $0x1800, $0x38;
	[tilespmem:$0x1EF00] =	vst v63  }
0x42a: {  	s26 =	sadd.s32 $0x1, s26  }
0x42b: {  	p0 =	sne.s32 s26, s16  }
.Ltmp3:
0x42c: {  	_ = 	snop;
	(pc) =	sbr.rel @p0 .LBB2_1-.Ltmp3, $4  }
0x42d: {  	_ = 	snop  }
0x42e: {  	_ =	swait.ge [sflag:s25], $0x1800  }
0x42f: {  	[sflag:s25] =	ssyncset.done $0x0  }
0x430: {  	[sflag:s25] =	ssyncadd.s32 $0xFFFFE800  }
0x431: {  	_ =	sfence.sel $0x180000  }
0x432: {  	[bflag:$0x0] =	sbarrier.arrive $0xFFFF  }
0x433: {  	_ =	strace $0x90000047  }
0x434: {  	s0 =	stileid.u32;
	[bflag:$0x2] =	sbarrier.arrive $0xFFFF  }
0x435: {  	p0 =	sne.s32 s0, $0x0;
	s0 =	rddreg [dreg:$0x2]  }
0x436: {  	s0 =	sadd.s32 @!p0 $0x100000, s0  }
0x437: {  	[sflag:s0] =	ssyncadd.tile.s32 @!p0 $0x1;
	_ =	shalt  }
.Lfunc_end2:
_tile_overlayer_lowered:
.L_overlay_start_2:
0x438: {  	(tag) =	ssettag $0x2  }
0x439: {  	s0 =	rddreg [dreg:$0x0];
	s2 =	stileid.u32  }
0x43a: {  	s1 =	rddreg [dreg:$0x1];
	p0 =	sne.s32 s2, $0x0  }
0x43b: {  	s3 =	rddreg [dreg:$0x2];
	[bflag:$0x3] =	sbarrier.arrive $0xFFFF;
	s2 =	simm.s32 @!p0 $0x1C04  }
0x43c: {  	[timem:s3], [sflag:s2] =	dma.local @!p0 [hbm:s0], s1  }
0x43d: {  	s0 =	simm.s32 @!p0 $0x4  }
0x43e: {  	_ =	swait.ge @!p0 [sflag:s0], s1  }
0x43f: {  	s1 =	ssub.s32 @!p0 $0x0, s1;
	[sflag:s0] =	ssyncset.done @!p0 $0x0  }
0x440: {  	[sflag:s0] =	ssyncadd.s32 @!p0 s1  }
0x441: {  	[bflag:$0x3] =	sbarrier.arrive $0xFFFF  }
0x442: {  	_ =	shalt  }

// kernel: sparse-core-data-format-call.cloned.1.call-start
scs
called_computation_lowered:
.L_overlay_start_0:
0x0: {  	s2 =	sld [smem:$0x3FD9]  }
0x1: {  	s3 =	sld [smem:$0x3FFE];
	_ =	sdelay $0x1  }
0x2: {  	s1 =	srdreg.scid  }
0x3: {  	s0 =	sand.u32 $0x1, s1  }
0x4: {  	s18 =	sshll.u32 s0, $0xA;
	s2 =	sadd.s32 s3, s2  }
0x5: {  	s2 =	sadd.s32 s2, s18  }
0x6: {  	[smem:$0x3FC5] =	sst s2  }
0x7: {  	_ = 	snop  }
0x8: {  	s2 =	sld [smem:$0x3FD0];
	(tm) =	ssettm $0x1  }
0x9: {  	s19 =	sld [smem:$0x3FFB];
	_ =	sdelay $0x3  }
0xa: {  	_ =	strace s19  }
0xb: {  	s3 =	sld [smem:$0x3FFC];
	_ =	sdelay $0x3  }
0xc: {  	_ =	strace s3  }
0xd: {  	s3 =	sld [smem:$0x3FFD];
	_ =	sdelay $0x3  }
0xe: {  	_ =	strace s3  }
0xf: {  	_ =	strace $0x8FFFFFFF  }
0x10: {  	s20 =	sld [smem:$0x3FDB];
	_ =	sdelay $0x1  }
0x11: {  	s4 =	simm.s32 $_scs_section_size  }
0x12: {  	s5 =	simm.s32 $_size__tile_overlayer_lowered;
	s6 =	simm.s32 $_tile_overlayer_lowered  }
0x13: {  	s23 =	simm.s32 $0x1BFF;
	s22 =	sshll.u32 s6, $0x1;
	s3 =	sadd.s32 s4, s20  }
0x14: {  	s7 =	simm.s32 $0x0;
	s21 =	sshll.u32 s5, $0x1;
	s5 =	sadd.s32 s22, s3  }
0x15: {  	[timem:s7], [sflag:s23] =	dma.local [hbm:s5], s21  }
0x16: {  	_ =	swait.ge [sflag:s23], s21  }
0x17: {  	s4 =	ssub.s32 $0x0, s21;
	[sflag:s23] =	ssyncset.done $0x0  }
0x18: {  	[sflag:s23] =	ssyncadd.s32 s4;
	_ =	sdelay $0x1  }
0x19: {  	s24 =	simm.s32 $0x1B8B  }
0x1a: {  	_ =	swait.ge [sflag:s24], $0x1  }
0x1b: {  	[sflag:s24] =	ssyncset.done $0x0  }
0x1c: {  	s26 =	simm.s32 $0x1B8E;
	s25 =	sld [smem:$0x3FFE];
	[sflag:s24] =	ssyncadd.s32 $0xFFFFFFFF  }
0x1d: {  	s27 =	simm.s32 $execute0_lowered;
	[smem:$0x3FD2] =	sst s26  }
0x1e: {  	s5 =	sshll.u32 s27, $0x1;
	_ =	strace $0x80000049;
	[dreg:$0x1] =	wrdreg $0xFFFFFFFF  }
0x1f: {  	s28 =	simm.s32 $_size_execute0_lowered;
	s3 =	sadd.s32 s3, s5;
	[dreg:$0x0] =	wrdreg $0x0  }
0x20: {  	s5 =	sshll.u32 s28, $0x1;
	[dreg:$0x2] =	wrdreg s3  }
0x21: {  	[dreg:$0x3] =	wrdreg s5  }
0x22: {  	[dreg:$0x4] =	wrdreg $0xC0  }
0x23: {  	_ =	task [dreg:s7], $0x5FFFF  }
0x24: {  	[dreg:$0x1] =	wrdreg $0xFFFFFFFF  }
0x25: {  	[dreg:$0x0] =	wrdreg $0x60  }
0x26: {  	[dreg:$0x2] =	wrdreg s25  }
0x27: {  	[dreg:$0x3] =	wrdreg s2  }
0x28: {  	[dreg:$0x4] =	wrdreg $0x9  }
0x29: {  	_ =	task.clear_ibuf [dreg:s7], $0x5FFFF;
	_ =	strace $0x90000049  }
0x2a: {  	s29 =	simm.s32 $0x9;
	_ =	strace $0x8000004B  }
0x2b: {  	_ =	swait.ge [sflag:s29], $0x1  }
0x2c: {  	[sflag:s29] =	ssyncadd.s32 $0xFFFFFFFF  }
0x2d: {  	_ =	strace $0x9000004B  }
0x2e: {  	_ =	sfence  }
0x2f: {  	s30 =	sld [smem:$0x0];
	_ =	sdelay $0x2  }
0x30: {  	s31 =	sshll.u32 s1, $0xD;
	s1 =	sshrl.u32 s1, $0x2  }
0x31: {  	s3 =	sand.u32 $0x4000, s31;
	s1 =	sadd.s32 s1, s30  }
0x32: {  	s0 =	sor.u32 s3, s0;
	s1 =	sshll.u32 s1, $0x11  }
0x33: {  	s0 =	sor.u32 s1, s0  }
0x34: {  	s0 =	sadd.s32 $0x8F2B, s0  }
0x35: {  	[sflag:s0] =	ssyncadd.remote.s32 $0x1  }
0x36: {  	_ =	sfence.sel $0xFFFF  }
0x37: {  	[dreg:$0x0] =	wrdreg $0xFFFFFFFF;
	(pc) =	sbr.abs _section_cstart, $3  }
0x38: {  	[dreg:$0x1] =	wrdreg $0xFFFFFFFF  }
0x39: {  	_ =	task.clear_ibuf [dreg:s7], $0x2FFFF;
	_ =	strace $0x9FFFFFFF  }
0x3a: {  	(tm) =	ssettm $0x7FFFFFFF  }
0x3b: {  	_ =	shalt  }
tec
execute0_lowered:
.L_overlay_start_1:
0x0: {  	(tag) =	ssettag $0x1  }
0x1: {  	s0 =	stileid.u32;
	s1 =	srdreg.scid  }
0x2: {  	s1 =	sshll.u32 s1, $0x4;
	s2 =	sshll.u32 s0, $0x7  }
0x3: {  	s7 =	rddreg [dreg:$0x0];
	s3 =	sand.u32 $0x10, s1;
	s1 =	sand.u32 $0x80, s2  }
0x4: {  	s8 =	simm.s32 $0x2;
	s30 =	sor.u32 s0, s3;
	s4 =	ssub.s32 $0x100, s1  }
0x5: {  	s16 =	simm.s32 $0x0;
	s3 =	sshrl.u32 s30, $0x1;
	s31 =	sshrl.u32 s4, $0x7  }
0x6: {  	s4 =	sshrl.u32 s4, $0x8;
	s2 =	sand.u32 $0x1, s31;
	s5 =	ssub.s32 $0x90, s3  }
0x7: {  	s9 =	simm.s32 $0x1800;
	s2 =	sadd.s32 s4, s2;
	s5 =	sshrl.u32 s5, $0x4  }
0x8: {  	s10 =	simm.s32 $0x0;
	s15 =	simm.s32 $0x0;
	s6 =	smul.u32 s5, s2  }
.Ltmp0:
0x9: {  	s17 =	simm.s32 $0x0;
	s4 =	rddreg [dreg:$0x1];
	(pc) =	sbr.rel .LBB1_1-.Ltmp0, $4  }
0xa: {  	s11 =	simm.s32 $0x0;
	s14 =	simm.s32 $0x0;
	s2 =	rddreg [dreg:$0x2]  }
0xb: {  	_ =	strace $0x8000004A;
	s5 =	simm.s32 $0x1;
	s6 =	smul.u32 $0x6, s6  }
0xc: {  	s7 =	sadd.s32 $0x600, s7;
	s13 =	smov.u32 s1;
	[sflag:s5] =	ssyncpa.u1 $0x0  }
0xd: {  	s12 =	smov.u32 s3;
	[sflag:s8] =	ssyncpa.u1 $0x0;
	s8 =	sor.u32 $0x1, s6  }
.LBB1_4:
0xe: {  	_ =	sdelay $0x2  }
0xf: {  	s21 =	sshrl.u32 s17, $0x3  }
0x10: {  	[tilespmem:v0+s20+$0xFFFFFFD0 ss:$0x1] =	vst.idx.msk $0xffff, v7;
	s22 =	sshll.u32 s16, $0x3;
	s21 =	smul.u32 $0x1800, s21  }
0x11: {  	v56 =	vld.idx.msk [tilespmem:v1+s19+$0x0 ss:$0x1], $0xffff;
	[tilespmem:v0+s20+$0xFFFFFFE0 ss:$0x1] =	vst.idx.msk $0xffff, v5;
	s27 =	sshll.u32 s17, $0x7;
	s22 =	sand.u32 $0xFFFFFC00, s22  }
0x12: {  	v57 =	vld.idx.msk [tilespmem:v1+s19+$0xFFFFFF90 ss:$0x1], $0xffff;
	[tilespmem:v0+s20+$0xFFFFFFF0 ss:$0x1] =	vst.idx.msk $0xffff, v4;
	s17 =	sand.u32 $0x380, s27;
	s21 =	sadd.s32 s21, s22  }
0x13: {  	v58 =	vld.idx.msk [tilespmem:v1+s19+$0xFFFFFFA0 ss:$0x1], $0xffff;
	[tilespmem:v0+s20+$0x0 ss:$0x1] =	vst.idx.msk $0xffff, v2;
	s28 =	sand.u32 $0x7F, s16;
	s17 =	sor.u32 s17, s21  }
0x14: {  	v59 =	vld.idx.msk [tilespmem:v1+s19+$0xFFFFFFB0 ss:$0x1], $0xffff;
	[tilespmem:v0+s20+$0x10 ss:$0x1] =	vst.idx.msk $0xffff, v3;
	s16 =	sor.u32 s28, s17  }
0x15: {  	v60 =	vld.idx.msk [tilespmem:v1+s19+$0xFFFFFFC0 ss:$0x1], $0xffff;
	[tilespmem:v0+s20+$0x20 ss:$0x1] =	vst.idx.msk $0xffff, v6;
	s29 =	smulhi.u32 $0xAAAAAAAB, s16  }
0x16: {  	v61 =	vld.idx.msk [tilespmem:v1+s19+$0xFFFFFFD0 ss:$0x1], $0xffff;
	[tilespmem:v0+s19+$0x30 ss:$0x1] =	vst.idx.msk $0xffff, v56;
	s17 =	smulhi.u32 $0xAAAAAAAB, s17  }
0x17: {  	v62 =	vld.idx.msk [tilespmem:v1+s19+$0xFFFFFFE0 ss:$0x1], $0xffff;
	[tilespmem:v0+s19+$0xFFFFFFC0 ss:$0x1] =	vst.idx.msk $0xffff, v57;
	s20 =	sshrl.u32 s29, $0x9  }
0x18: {  	v63 =	vld.idx.msk [tilespmem:v1+s19+$0xFFFFFFF0 ss:$0x1], $0xffff;
	[tilespmem:v0+s19+$0xFFFFFFD0 ss:$0x1] =	vst.idx.msk $0xffff, v58;
	s17 =	sshrl.u32 s17, $0x9;
	s20 =	smul.u32 $0x300, s20  }
0x19: {  	s15 =	smul.u32 $0x6000, s15;
	[tilespmem:v0+s19+$0xFFFFFFE0 ss:$0x1] =	vst.idx.msk $0xffff, v59;
	s17 =	sand.u32 $0xFF, s17  }
0x1a: {  	[tilespmem:v0+s19+$0xFFFFFFF0 ss:$0x1] =	vst.idx.msk $0xffff, v60;
	s17 =	smul.u32 $0x60, s17;
	s16 =	ssub.s32 s16, s20  }
0x1b: {  	s15 =	sadd.s32 s4, s15;
	[tilespmem:v0+s19+$0x0 ss:$0x1] =	vst.idx.msk $0xffff, v61;
	s20 =	sand.u32 $0x7, s16  }
0x1c: {  	[tilespmem:v0+s19+$0x10 ss:$0x1] =	vst.idx.msk $0xffff, v62;
	s15 =	sadd.s32 s17, s15;
	s16 =	sshrl.u32 s16, $0x3;
	s30 =	sshll.u32 s20, $0x12  }
0x1d: {  	[tilespmem:v0+s19+$0x20 ss:$0x1] =	vst.idx.msk $0xffff, v63;
	s15 =	sadd.s32 s16, s15;
	s31 =	sor.u32 $0x400, s30  }
0x1e: {  	[hbm4b:s15+s31] =	stream.strided.scatter [tilespmem:s18], [sflag:$0x2], $0x4000, s9, s31, $0x38;
	[tilespmem:$0x10000] =	vst v63  }
.LBB1_5:
0x1f: {  	s18 =	sadd.s32 $0x80, s11  }
0x20: {  	s15 =	sadd.s32 $0x10, s12;
	s19 =	smov.u32 s12;
	p1 =	sgt.s32 s18, $0x2FF  }
0x21: {  	s19 =	smov.u32 @p1 s15  }
0x22: {  	s21 =	smov.u32 s13;
	s15 =	sadd.s32 $0x100, s13;
	p2 =	sgt.s32 s19, $0x80  }
0x23: {  	s21 =	smov.u32 @p2 s15  }
0x24: {  	s18 =	simm.s32 @p1 $0x0;
	p1 =	sgt.s32 s21, $0xFF  }
0x25: {  	p0 =	slt.u32 s14, $0x2;
	s21 =	smov.u32 @p1 s1;
	p1 =	sne.s32 s14, s8  }
.Ltmp1:
0x26: {  	s20 =	simm.s32 @!p0 $0x2;
	(pc) =	sbr.rel @!p1 .LBB1_6-.Ltmp1, $4  }
0x27: {  	s16 =	smov.u32 s11;
	s17 =	smov.u32 s13;
	_ =	swait.ge @!p0 [sflag:s20], $0x4000  }
0x28: {  	s10 =	sadd.s32 $0x4000, s10;
	[sflag:s20] =	ssyncset.done @!p0 $0x0;
	s11 =	smov.u32 s18  }
0x29: {  	s19 =	smov.u32 @p2 s3;
	s15 =	smov.u32 s12;
	[sflag:s20] =	ssyncadd.s32 @!p0 $0xFFFFC000  }
0x2a: {  	s12 =	smov.u32 s19;
	s14 =	sadd.s32 $0x1, s14;
	s13 =	smov.u32 s21  }
.LBB1_1:
0x2b: {  	p0 =	sge.u32 s14, s6  }
0x2c: {  	s18 =	sshrl.u32 @!p0 s12, $0x3  }
0x2d: {  	s19 =	sshll.u32 @!p0 s11, $0x3;
	s18 =	smul.u32 @!p0 $0x1800, s18  }
0x2e: {  	s20 =	sshll.u32 @!p0 s12, $0x7;
	s19 =	sand.u32 @!p0 $0xFFFFFC00, s19  }
0x2f: {  	s18 =	sadd.s32 @!p0 s18, s19;
	s19 =	sand.u32 @!p0 $0x380, s20  }
0x30: {  	s18 =	sor.u32 @!p0 s19, s18  }
0x31: {  	s19 =	sand.u32 @!p0 $0x7F, s11;
	s20 =	smulhi.u32 @!p0 $0xAAAAAAAB, s18  }
0x32: {  	s18 =	sor.u32 @!p0 s19, s18  }
0x33: {  	s19 =	smulhi.u32 @!p0 $0xAAAAAAAB, s18;
	s20 =	sshrl.u32 @!p0 s20, $0x9  }
0x34: {  	s21 =	smulhi.u32 @!p0 $0x1E1E1E2, s20;
	_ =	sdelay $0x1  }
0x35: {  	s19 =	sshrl.u32 @!p0 s19, $0x9;
	s21 =	smul.u32 @!p0 $0x88, s21  }
0x36: {  	s31 =	sadd.s32 $0xFFFFFFFF, s14;
	s19 =	smul.u32 @!p0 $0x300, s19  }
0x37: {  	s22 =	sxor.u32 @!p0 $0xFFFFFFFF, s14;
	s20 =	ssub.s32 @!p0 s20, s21;
	s21 =	smul.u32 @!p0 $0x3300, s13  }
0x38: {  	s22 =	sshll.u32 @!p0 s22, $0xE;
	s18 =	ssub.s32 @!p0 s18, s19;
	s19 =	smul.u32 @!p0 $0x60, s20  }
0x39: {  	s20 =	sand.u32 @!p0 $0x4000, s22;
	s22 =	sand.u32 @!p0 $0x7, s18;
	s21 =	sadd.s32 @!p0 s7, s21  }
0x3a: {  	s18 =	sshrl.u32 @!p0 s18, $0x3;
	s19 =	sadd.s32 @!p0 s19, s21;
	s21 =	sshll.u32 @!p0 s22, $0x12  }
0x3b: {  	s18 =	sadd.s32 @!p0 s18, s19;
	s19 =	sor.u32 @!p0 $0x80, s21;
	s21 =	simm.s32 @!p0 $0x19800  }
0x3c: {  	[tilespmem:s20], [sflag:$0x1] =	stream.strided.gather @!p0 [hbm4b:s18+s19], $0x4000, s21, s19, $0x38;
	[tilespmem:$0x10000] =	vst v63  }
0x3d: {  	p0 =	sge.u32 s31, s6  }
.Ltmp2:
0x3e: {  	_ = 	snop;
	(pc) =	sbr.rel @p0 .LBB1_5-.Ltmp2, $1  }
0x3f: {  	_ =	sdelay $0x3  }
0x40: {  	s18 =	sand.u32 $0x4000, s10  }
0x41: {  	s19 =	sor.u32 $0x70, s18  }
0x42: {  	v1 =	vmov s19;
	_ =	sdelay $0x1  }
0x43: {  	_ =	swait.ge [sflag:s5], $0x4000  }
0x44: {  	[sflag:s5] =	ssyncset.done $0x0  }
0x45: {  	s20 =	simm.s32 $0x0;
	[sflag:s5] =	ssyncadd.s32 $0xFFFFC000  }
0x46: {  	s18 =	sor.u32 $0x8040, s18;
	v6 =	vld.idx.msk [tilespmem:v1+s20+$0x0 ss:$0x1], $0xffff  }
0x47: {  	v0 =	vmov s18;
	v8 =	vld.idx.msk [tilespmem:v1+s20+$0xFFFFFF90 ss:$0x1], $0xffff  }
0x48: {  	v7 =	vld.idx.msk [tilespmem:v1+s20+$0xFFFFFFA0 ss:$0x1], $0xffff  }
0x49: {  	v5 =	vld.idx.msk [tilespmem:v1+s20+$0xFFFFFFB0 ss:$0x1], $0xffff  }
0x4a: {  	v4 =	vld.idx.msk [tilespmem:v1+s20+$0xFFFFFFC0 ss:$0x1], $0xffff  }
0x4b: {  	s31 =	sshll.u32 s14, $0xE;
	v2 =	vld.idx.msk [tilespmem:v1+s20+$0xFFFFFFD0 ss:$0x1], $0xffff  }
0x4c: {  	s18 =	sand.u32 $0x4000, s31;
	v3 =	vld.idx.msk [tilespmem:v1+s20+$0xFFFFFFE0 ss:$0x1], $0xffff;
	[tilespmem:v0+s20+$0x30 ss:$0x1] =	vst.idx.msk $0xffff, v6  }
0x4d: {  	s21 =	simm.s32 $0x400;
	s19 =	simm.s32 $0x80;
	s18 =	sor.u32 $0x8000, s18;
	[tilespmem:v0+s20+$0xFFFFFFC0 ss:$0x1] =	vst.idx.msk $0xffff, v8;
	v6 =	vld.idx.msk [tilespmem:v1+s20+$0xFFFFFFF0 ss:$0x1], $0xffff  }
.LBB1_3:
0x4e: {  	p0 =	sne.s32 s21, $0xFE00;
	v8 =	vld.idx.msk [tilespmem:v1+s19+$0x0 ss:$0x1], $0xffff;
	[tilespmem:v0+s20+$0xFFFFFFD0 ss:$0x1] =	vst.idx.msk $0xffff, v7  }
0x4f: {  	v9 =	vld.idx.msk [tilespmem:v1+s19+$0xFFFFFF90 ss:$0x1], $0xffff;
	[tilespmem:v0+s20+$0xFFFFFFE0 ss:$0x1] =	vst.idx.msk $0xffff, v5  }
0x50: {  	v7 =	vld.idx.msk [tilespmem:v1+s19+$0xFFFFFFA0 ss:$0x1], $0xffff;
	[tilespmem:v0+s20+$0xFFFFFFF0 ss:$0x1] =	vst.idx.msk $0xffff, v4  }
.Ltmp3:
0x51: {  	v5 =	vld.idx.msk [tilespmem:v1+s19+$0xFFFFFFB0 ss:$0x1], $0xffff;
	[tilespmem:v0+s20+$0x0 ss:$0x1] =	vst.idx.msk $0xffff, v2;
	(pc) =	sbr.rel @p0 .LBB1_3-.Ltmp3, $4  }
0x52: {  	v4 =	vld.idx.msk [tilespmem:v1+s19+$0xFFFFFFC0 ss:$0x1], $0xffff;
	[tilespmem:v0+s20+$0x10 ss:$0x1] =	vst.idx.msk $0xffff, v3  }
0x53: {  	v2 =	vld.idx.msk [tilespmem:v1+s19+$0xFFFFFFD0 ss:$0x1], $0xffff;
	[tilespmem:v0+s20+$0x20 ss:$0x1] =	vst.idx.msk $0xffff, v6;
	s20 =	smov.u32 s19  }
0x54: {  	v3 =	vld.idx.msk [tilespmem:v1+s20+$0xFFFFFFE0 ss:$0x1], $0xffff;
	[tilespmem:v0+s20+$0x30 ss:$0x1] =	vst.idx.msk $0xffff, v8  }
0x55: {  	s19 =	sshra.s32 s21, $0x2;
	s21 =	sadd.s32 $0x200, s21;
	[tilespmem:v0+s20+$0xFFFFFFC0 ss:$0x1] =	vst.idx.msk $0xffff, v9;
	v6 =	vld.idx.msk [tilespmem:v1+s20+$0xFFFFFFF0 ss:$0x1], $0xffff  }
.Ltmp4:
0x56: {  	_ = 	snop;
	(pc) =	sbr.rel .LBB1_4-.Ltmp4, $1  }
0x57: {  	_ =	sdelay $0x3  }
.LBB1_6:
0x58: {  	_ =	sfence.sel $0x180000  }
0x59: {  	s1 =	simm.s32 $0x1;
	[bflag:$0x0] =	sbarrier.arrive $0xFFFF  }
0x5a: {  	s31 =	simm.s32 $0x2;
	[sflag:s1] =	ssyncpa.u1 $0x1  }
0x5b: {  	[sflag:s31] =	ssyncpa.u1 $0x1  }
0x5c: {  	p0 =	sne.s32 s0, $0x0;
	_ =	strace $0x9000004A  }
0x5d: {  	s0 =	sadd.s32 @!p0 $0x100000, s2;
	[bflag:$0x2] =	sbarrier.arrive $0xFFFF  }
0x5e: {  	[sflag:s0] =	ssyncadd.tile.s32 @!p0 $0x1;
	_ =	shalt  }
.Lfunc_end1:
_tile_overlayer_lowered:
.L_overlay_start_2:
0x5f: {  	(tag) =	ssettag $0x2  }
0x60: {  	s0 =	rddreg [dreg:$0x0];
	s2 =	stileid.u32  }
0x61: {  	s1 =	rddreg [dreg:$0x1];
	p0 =	sne.s32 s2, $0x0  }
0x62: {  	s3 =	rddreg [dreg:$0x2];
	[bflag:$0x3] =	sbarrier.arrive $0xFFFF;
	s2 =	simm.s32 @!p0 $0x1C01  }
0x63: {  	[timem:s3], [sflag:s2] =	dma.local @!p0 [hbm:s0], s1  }
0x64: {  	s0 =	simm.s32 @!p0 $0x1  }
0x65: {  	_ =	swait.ge @!p0 [sflag:s0], s1  }
0x66: {  	s1 =	ssub.s32 @!p0 $0x0, s1;
	[sflag:s0] =	ssyncset.done @!p0 $0x0  }
0x67: {  	[sflag:s0] =	ssyncadd.s32 @!p0 s1  }
0x68: {  	[bflag:$0x3] =	sbarrier.arrive $0xFFFF  }
0x69: {  	_ =	shalt  }

</sc_bundles>
